<compile_context>
chip_gen: v7x
topology: tpu7x:2x2x1
jax: 0.10.2.dev20260603
libtpu: 0.0.44.dev20260713+nightly
codegen_flags: <defaults>
</compile_context>

<pallas_src>
import functools

import jax
import jax.numpy as jnp
from jax import lax
from jax.experimental import pallas as pl
from jax.experimental.pallas import tpu as pltpu
from jax.experimental.pallas import tpu_sc as plsc

N = 10000
E = 160000
D_HID = 128

N_PAD = 10112
E_PAD = 163840
CHUNKS = 40
CHUNK = 128
ROWS_PER_TILE = N_PAD // 16
N_ZERO_ROWS = N_PAD - N


BM = 10112


def _mm_body(x_ref, w_ref, o_ref):
    o_ref[pl.ds(0, N), :] = lax.dot_general(
        x_ref[...], w_ref[...], (((1,), (1,)), ((), ())),
        preferred_element_type=jnp.float32)
    o_ref[pl.ds(N, N_PAD - N), :] = jnp.zeros(
        (N_PAD - N, D_HID), jnp.float32)


def _matmul(x, W):
    m, k = x.shape
    n = W.shape[0]
    return pl.pallas_call(
        _mm_body,
        grid=(1,),
        in_specs=[pl.BlockSpec((m, k), lambda i: (0, 0)),
                  pl.BlockSpec((n, k), lambda i: (0, 0))],
        out_specs=pl.BlockSpec((N_PAD, n), lambda i: (0, 0)),
        out_shape=jax.ShapeDtypeStruct((N_PAD, n), jnp.float32),
    )(x, W)


def _mm_relu_body(p_ref, w_ref, o_ref):
    a = jnp.maximum(p_ref[0] + p_ref[1], 0.0)
    o_ref[...] = lax.dot_general(
        a, w_ref[...], (((1,), (1,)), ((), ())),
        preferred_element_type=jnp.float32)


def _matmul_relu(p, W):
    _, m, k = p.shape
    n = W.shape[0]
    return pl.pallas_call(
        _mm_relu_body,
        grid=(m // BM,),
        in_specs=[pl.BlockSpec((2, BM, k), lambda i: (0, i, 0)),
                  pl.BlockSpec((n, k), lambda i: (0, 0))],
        out_specs=pl.BlockSpec((BM, n), lambda i: (i, 0)),
        out_shape=jax.ShapeDtypeStruct((m, n), jnp.float32),
    )(p, W)


def _sum2_body(p_ref, o_ref):
    o_ref[...] = p_ref[0, pl.ds(0, N), :] + p_ref[1, pl.ds(0, N), :]


def _sum2(p):
    _, m, n = p.shape
    return pl.pallas_call(
        _sum2_body,
        grid=(1,),
        in_specs=[pl.BlockSpec((2, m, n), lambda i: (0, 0, 0))],
        out_specs=pl.BlockSpec((N, n), lambda i: (0, 0)),
        out_shape=jax.ShapeDtypeStruct((N, n), jnp.float32),
    )(p)



_MESH = plsc.VectorSubcoreMesh(core_axis_name="c", subcore_axis_name="s")

NBUF = 2


@functools.partial(
    pl.kernel,
    mesh=_MESH,
    out_type=jax.ShapeDtypeStruct((2, N_PAD, D_HID), jnp.float32),
    scratch_types=[
        pltpu.VMEM((CHUNKS, CHUNK), jnp.int32),
        pltpu.VMEM((CHUNKS, CHUNK), jnp.int32),
        pltpu.VMEM((NBUF, CHUNK, D_HID), jnp.float32),
        pltpu.VMEM((8, D_HID), jnp.float32),
        pltpu.VMEM_SHARED((N_PAD, D_HID), jnp.float32),
        pltpu.SemaphoreType.DMA,
        pltpu.SemaphoreType.DMA,
        pltpu.SemaphoreType.DMA,
        pltpu.SemaphoreType.DMA,
    ],
)
def _sc_aggregate(h_hbm, src_hbm, dst_hbm, out_hbm,
                  src_v, dst_v, rows_v, zbuf, acc, g0, g1, zsem, isem):
    gsems = [g0, g1]
    c = lax.axis_index("c")
    s = lax.axis_index("s")
    wid = s * 2 + c
    row0 = s * ROWS_PER_TILE

    icp0 = pltpu.async_copy(src_hbm.at[wid], src_v, isem)
    icp1 = pltpu.async_copy(dst_hbm.at[wid], dst_v, isem)

    zeros = jnp.zeros((16,), jnp.float32)
    for i in range(8):
        for j in range(D_HID // 16):
            zbuf[i, pl.ds(j * 16, 16)] = zeros

    def zfire_body(i, carry):
        pltpu.async_copy(zbuf, acc.at[pl.ds(row0 + i * 8, 8)], zsem)
        return carry

    lax.fori_loop(0, ROWS_PER_TILE // 8, zfire_body, 0)
    pltpu.make_async_copy(h_hbm.at[pl.ds(0, ROWS_PER_TILE)],
                          acc.at[pl.ds(row0, ROWS_PER_TILE)], zsem).wait()

    icp0.wait()
    icp1.wait()
    for b in range(NBUF):
        pltpu.async_copy(h_hbm.at[src_v.at[b]], rows_v.at[b], gsems[b])
    plsc.subcore_barrier()

    def edge_body(jj, carry):
        for b in range(NBUF):
            j = jj * NBUF + b
            pltpu.make_async_copy(
                h_hbm.at[pl.ds(0, CHUNK)], rows_v.at[b], gsems[b]).wait()
            pltpu.sync_copy(rows_v.at[b], acc.at[dst_v.at[j]], add=True)
            pltpu.async_copy(
                h_hbm.at[src_v.at[j + NBUF]], rows_v.at[b], gsems[b])
        return carry

    lax.fori_loop(0, CHUNKS // NBUF - 1, edge_body, 0)
    for b in range(NBUF):
        j = CHUNKS - NBUF + b
        pltpu.make_async_copy(
            h_hbm.at[pl.ds(0, CHUNK)], rows_v.at[b], gsems[b]).wait()
        pltpu.sync_copy(rows_v.at[b], acc.at[dst_v.at[j]], add=True)
    plsc.subcore_barrier()

    pltpu.sync_copy(acc.at[pl.ds(row0, ROWS_PER_TILE)],
                    out_hbm.at[c, pl.ds(row0, ROWS_PER_TILE)])



def kernel(x, edge_index, W1, W2, W3):
    src = edge_index[0].astype(jnp.int32)
    dst = edge_index[1].astype(jnp.int32)
    pad_idx = N + (jnp.arange(E_PAD - E, dtype=jnp.int32) % N_ZERO_ROWS)
    srcp = jnp.concatenate([src, pad_idx]).reshape(32, CHUNKS, CHUNK)
    dstp = jnp.concatenate([dst, pad_idx]).reshape(32, CHUNKS, CHUNK)
    h = _matmul(x, W1)
    p = _sc_aggregate(h, srcp, dstp)
    h = _matmul_relu(p, W2)
    p = _sc_aggregate(h, srcp, dstp)
    h = _matmul_relu(p, W3)
    p = _sc_aggregate(h, srcp, dstp)
    return _sum2(p)

# --- scband reference (transcript-rebuilt; emitter-appended) ---
"""Pipeline reference for scband-net-79568564126237 (READ-ONLY COPY).

The authoritative reference and input builder live on the scoring server;
editing this copy changes nothing except your own understanding.
"""

import jax, jax.numpy as jnp
import numpy as np

N_NODES = 10000
N_EDGES = 160000
D_IN = 256
D_HID = 128
D_OUT = 128


def setup_inputs(seed: int = 0) -> dict:
    key = jax.random.key(seed)
    k1, k2, k3, k4, k5 = jax.random.split(key, 5)
    x = jax.random.normal(k1, (N_NODES, D_IN), dtype=jnp.float32)
    edge_index = jax.random.randint(k2, (2, N_EDGES), 0, N_NODES, dtype=jnp.int64)
    # kaiming_uniform_(a=sqrt(5)) on Linear weights of shape [out, in]
    def kaiming_uniform(k, fan_out, fan_in):
        gain = np.sqrt(2.0 / (1.0 + 5.0))  # a = sqrt(5)
        bound = gain * np.sqrt(3.0 / fan_in)
        return jax.random.uniform(k, (fan_out, fan_in), dtype=jnp.float32, minval=-bound, maxval=bound)
    W1 = kaiming_uniform(k3, D_HID, D_IN)
    W2 = kaiming_uniform(k4, D_HID, D_HID)
    W3 = kaiming_uniform(k5, D_OUT, D_HID)
    return {"x": x, "edge_index": edge_index, "W1": W1, "W2": W2, "W3": W3}


def _gcn_conv(x, edge_index, W, num_nodes):
    # GCNConv with normalize=False, bias=False:
    # h = x @ W.T ; out[dst] = sum over edges of h[src]
    h = x @ W.T
    src = edge_index[0]
    dst = edge_index[1]
    msgs = jnp.take(h, src, axis=0)
    return jax.ops.segment_sum(msgs, dst, num_segments=num_nodes)


def reference(x, edge_index, W1, W2, W3):
    n = x.shape[0]
    h = _gcn_conv(x, edge_index, W1, n)
    h = jax.nn.relu(h)
    h = _gcn_conv(h, edge_index, W2, n)
    h = jax.nn.relu(h)
    out = _gcn_conv(h, edge_index, W3, n)
    return out

if __name__ == "__main__":
    import jax
    _d = setup_inputs()
    print(jax.jit(kernel)(*tuple(_d.values())))

</pallas_src>

<mosaic_0001>
#map = affine_map<(d0, d1) -> (0, 0)>
#map1 = affine_map<(d0, d1) -> (0, 0, 0)>
module attributes {stable_mosaic.version = 14 : i64} {
  func.func @_sc_aggregate(%arg0: i32, %arg1: i32, %arg2: memref<10112x128xf32, #tpu.memory_space<hbm>>, %arg3: memref<32x40x128xi32, #tpu.memory_space<hbm>>, %arg4: memref<32x40x128xi32, #tpu.memory_space<hbm>>, %arg5: memref<2x10112x128xf32, #tpu.memory_space<hbm>>, %arg6: memref<40x128xi32, #tpu.memory_space<vmem>>, %arg7: memref<40x128xi32, #tpu.memory_space<vmem>>, %arg8: memref<2x128x128xf32, #tpu.memory_space<vmem>>, %arg9: memref<8x128xf32, #tpu.memory_space<vmem>>, %arg10: memref<10112x128xf32, #tpu.memory_space<vmem_shared>>, %arg11: memref<!tpu.dma_semaphore, #tpu.memory_space<semaphore_mem>>, %arg12: memref<!tpu.dma_semaphore, #tpu.memory_space<semaphore_mem>>, %arg13: memref<!tpu.dma_semaphore, #tpu.memory_space<semaphore_mem>>, %arg14: memref<!tpu.dma_semaphore, #tpu.memory_space<semaphore_mem>>) attributes {dimension_semantics = [#tpu.dimension_semantics<core_parallel>, #tpu.dimension_semantics<subcore_parallel>], iteration_bounds = array<i64: 2, 16>, scalar_prefetch = 0 : i64, scratch_operands = 9 : i64, tpu.core_type = #tpu.core_type<sc_vector_subcore>, window_params = [{transform_indices = #map}, {transform_indices = #map1}, {transform_indices = #map1}, {transform_indices = #map1}]} {
    %mul3A = arith.constant 2 : i32
    %mul3A_0 = arith.muli %arg1, %mul3A : i32
    %add3A = arith.addi %mul3A_0, %arg0 : i32
    %mul3A_1 = arith.constant 632 : i32
    %mul3A_2 = arith.muli %arg1, %mul3A_1 : i32
    %dma_start3A = arith.constant 0 : i32
    %dma_start3A_3 = arith.constant 0 : i32
    %dma_start3A_4 = tpu.memref_slice %arg3[%add3A, %dma_start3A, %dma_start3A_3] : memref<32x40x128xi32, #tpu.memory_space<hbm>> -> memref<1x40x128xi32, #tpu.memory_space<hbm>>
    %dma_start3A_5 = tpu.memref_squeeze %dma_start3A_4 : memref<1x40x128xi32, #tpu.memory_space<hbm>> -> memref<40x128xi32, #tpu.memory_space<hbm>>
    %dma_start3A_6 = arith.constant 0 : i32
    %dma_start3A_7 = arith.constant 0 : i32
    %dma_start3A_8 = tpu.memref_slice %arg3[%add3A, %dma_start3A_6, %dma_start3A_7] : memref<32x40x128xi32, #tpu.memory_space<hbm>> -> memref<1x40x128xi32, #tpu.memory_space<hbm>>
    %dma_start3A_9 = tpu.memref_squeeze %dma_start3A_8 : memref<1x40x128xi32, #tpu.memory_space<hbm>> -> memref<40x128xi32, #tpu.memory_space<hbm>>
    tpu.enqueue_dma source(%dma_start3A_9 : memref<40x128xi32, #tpu.memory_space<hbm>>) target(%arg6 : memref<40x128xi32, #tpu.memory_space<vmem>>) target_semaphore(%arg14 : memref<!tpu.dma_semaphore, #tpu.memory_space<semaphore_mem>>)
    %dma_start3A_10 = arith.constant 0 : i32
    %dma_start3A_11 = arith.constant 0 : i32
    %dma_start3A_12 = tpu.memref_slice %arg4[%add3A, %dma_start3A_10, %dma_start3A_11] : memref<32x40x128xi32, #tpu.memory_space<hbm>> -> memref<1x40x128xi32, #tpu.memory_space<hbm>>
    %dma_start3A_13 = tpu.memref_squeeze %dma_start3A_12 : memref<1x40x128xi32, #tpu.memory_space<hbm>> -> memref<40x128xi32, #tpu.memory_space<hbm>>
    %dma_start3A_14 = arith.constant 0 : i32
    %dma_start3A_15 = arith.constant 0 : i32
    %dma_start3A_16 = tpu.memref_slice %arg4[%add3A, %dma_start3A_14, %dma_start3A_15] : memref<32x40x128xi32, #tpu.memory_space<hbm>> -> memref<1x40x128xi32, #tpu.memory_space<hbm>>
    %dma_start3A_17 = tpu.memref_squeeze %dma_start3A_16 : memref<1x40x128xi32, #tpu.memory_space<hbm>> -> memref<40x128xi32, #tpu.memory_space<hbm>>
    tpu.enqueue_dma source(%dma_start3A_17 : memref<40x128xi32, #tpu.memory_space<hbm>>) target(%arg7 : memref<40x128xi32, #tpu.memory_space<vmem>>) target_semaphore(%arg14 : memref<!tpu.dma_semaphore, #tpu.memory_space<semaphore_mem>>)
    %broadcast_in_dim3A = arith.constant 0.000000e+00 : f32
    %broadcast_in_dim3A_18 = vector.broadcast %broadcast_in_dim3A : f32 to vector<16xf32>
    %swap3A = arith.constant 0 : i32
    %swap3A_19 = arith.index_cast %swap3A : i32 to index
    %swap3A_20 = arith.constant 0 : index
    %swap3A_21 = tpu.vector_load %arg9[%swap3A_19, %swap3A_20] {strides = array<i32>} : memref<8x128xf32, #tpu.memory_space<vmem>>, vector<1x16xf32>,
    %swap3A_22 = vector.shape_cast %swap3A_21 : vector<1x16xf32> to vector<16xf32>
    %swap3A_23 = vector.shape_cast %broadcast_in_dim3A_18 : vector<16xf32> to vector<1x16xf32>
    tpu.vector_store %arg9[%swap3A_19, %swap3A_20], %swap3A_23 {strides = array<i32>} : memref<8x128xf32, #tpu.memory_space<vmem>>, vector<1x16xf32>,
    %swap3A_24 = arith.constant 0 : i32
    %swap3A_25 = arith.index_cast %swap3A_24 : i32 to index
    %swap3A_26 = arith.constant 16 : index
    %swap3A_27 = tpu.vector_load %arg9[%swap3A_25, %swap3A_26] {strides = array<i32>} : memref<8x128xf32, #tpu.memory_space<vmem>>, vector<1x16xf32>,
    %swap3A_28 = vector.shape_cast %swap3A_27 : vector<1x16xf32> to vector<16xf32>
    %swap3A_29 = vector.shape_cast %broadcast_in_dim3A_18 : vector<16xf32> to vector<1x16xf32>
    tpu.vector_store %arg9[%swap3A_25, %swap3A_26], %swap3A_29 {strides = array<i32>} : memref<8x128xf32, #tpu.memory_space<vmem>>, vector<1x16xf32>,
    %swap3A_30 = arith.constant 0 : i32
    %swap3A_31 = arith.index_cast %swap3A_30 : i32 to index
    %swap3A_32 = arith.constant 32 : index
    %swap3A_33 = tpu.vector_load %arg9[%swap3A_31, %swap3A_32] {strides = array<i32>} : memref<8x128xf32, #tpu.memory_space<vmem>>, vector<1x16xf32>,
    %swap3A_34 = vector.shape_cast %swap3A_33 : vector<1x16xf32> to vector<16xf32>
    %swap3A_35 = vector.shape_cast %broadcast_in_dim3A_18 : vector<16xf32> to vector<1x16xf32>
    tpu.vector_store %arg9[%swap3A_31, %swap3A_32], %swap3A_35 {strides = array<i32>} : memref<8x128xf32, #tpu.memory_space<vmem>>, vector<1x16xf32>,
    %swap3A_36 = arith.constant 0 : i32
    %swap3A_37 = arith.index_cast %swap3A_36 : i32 to index
    %swap3A_38 = arith.constant 48 : index
    %swap3A_39 = tpu.vector_load %arg9[%swap3A_37, %swap3A_38] {strides = array<i32>} : memref<8x128xf32, #tpu.memory_space<vmem>>, vector<1x16xf32>,
    %swap3A_40 = vector.shape_cast %swap3A_39 : vector<1x16xf32> to vector<16xf32>
    %swap3A_41 = vector.shape_cast %broadcast_in_dim3A_18 : vector<16xf32> to vector<1x16xf32>
    tpu.vector_store %arg9[%swap3A_37, %swap3A_38], %swap3A_41 {strides = array<i32>} : memref<8x128xf32, #tpu.memory_space<vmem>>, vector<1x16xf32>,
    %swap3A_42 = arith.constant 0 : i32
    %swap3A_43 = arith.index_cast %swap3A_42 : i32 to index
    %swap3A_44 = arith.constant 64 : index
    %swap3A_45 = tpu.vector_load %arg9[%swap3A_43, %swap3A_44] {strides = array<i32>} : memref<8x128xf32, #tpu.memory_space<vmem>>, vector<1x16xf32>,
    %swap3A_46 = vector.shape_cast %swap3A_45 : vector<1x16xf32> to vector<16xf32>
    %swap3A_47 = vector.shape_cast %broadcast_in_dim3A_18 : vector<16xf32> to vector<1x16xf32>
    tpu.vector_store %arg9[%swap3A_43, %swap3A_44], %swap3A_47 {strides = array<i32>} : memref<8x128xf32, #tpu.memory_space<vmem>>, vector<1x16xf32>,
    %swap3A_48 = arith.constant 0 : i32
    %swap3A_49 = arith.index_cast %swap3A_48 : i32 to index
    %swap3A_50 = arith.constant 80 : index
    %swap3A_51 = tpu.vector_load %arg9[%swap3A_49, %swap3A_50] {strides = array<i32>} : memref<8x128xf32, #tpu.memory_space<vmem>>, vector<1x16xf32>,
    %swap3A_52 = vector.shape_cast %swap3A_51 : vector<1x16xf32> to vector<16xf32>
    %swap3A_53 = vector.shape_cast %broadcast_in_dim3A_18 : vector<16xf32> to vector<1x16xf32>
    tpu.vector_store %arg9[%swap3A_49, %swap3A_50], %swap3A_53 {strides = array<i32>} : memref<8x128xf32, #tpu.memory_space<vmem>>, vector<1x16xf32>,
    %swap3A_54 = arith.constant 0 : i32
    %swap3A_55 = arith.index_cast %swap3A_54 : i32 to index
    %swap3A_56 = arith.constant 96 : index
    %swap3A_57 = tpu.vector_load %arg9[%swap3A_55, %swap3A_56] {strides = array<i32>} : memref<8x128xf32, #tpu.memory_space<vmem>>, vector<1x16xf32>,
    %swap3A_58 = vector.shape_cast %swap3A_57 : vector<1x16xf32> to vector<16xf32>
    %swap3A_59 = vector.shape_cast %broadcast_in_dim3A_18 : vector<16xf32> to vector<1x16xf32>
    tpu.vector_store %arg9[%swap3A_55, %swap3A_56], %swap3A_59 {strides = array<i32>} : memref<8x128xf32, #tpu.memory_space<vmem>>, vector<1x16xf32>,
    %swap3A_60 = arith.constant 0 : i32
    %swap3A_61 = arith.index_cast %swap3A_60 : i32 to index
    %swap3A_62 = arith.constant 112 : index
    %swap3A_63 = tpu.vector_load %arg9[%swap3A_61, %swap3A_62] {strides = array<i32>} : memref<8x128xf32, #tpu.memory_space<vmem>>, vector<1x16xf32>,
    %swap3A_64 = vector.shape_cast %swap3A_63 : vector<1x16xf32> to vector<16xf32>
    %swap3A_65 = vector.shape_cast %broadcast_in_dim3A_18 : vector<16xf32> to vector<1x16xf32>
    tpu.vector_store %arg9[%swap3A_61, %swap3A_62], %swap3A_65 {strides = array<i32>} : memref<8x128xf32, #tpu.memory_space<vmem>>, vector<1x16xf32>,
    %swap3A_66 = arith.constant 1 : i32
    %swap3A_67 = arith.index_cast %swap3A_66 : i32 to index
    %swap3A_68 = arith.constant 0 : index
    %swap3A_69 = tpu.vector_load %arg9[%swap3A_67, %swap3A_68] {strides = array<i32>} : memref<8x128xf32, #tpu.memory_space<vmem>>, vector<1x16xf32>,
    %swap3A_70 = vector.shape_cast %swap3A_69 : vector<1x16xf32> to vector<16xf32>
    %swap3A_71 = vector.shape_cast %broadcast_in_dim3A_18 : vector<16xf32> to vector<1x16xf32>
    tpu.vector_store %arg9[%swap3A_67, %swap3A_68], %swap3A_71 {strides = array<i32>} : memref<8x128xf32, #tpu.memory_space<vmem>>, vector<1x16xf32>,
    %swap3A_72 = arith.constant 1 : i32
    %swap3A_73 = arith.index_cast %swap3A_72 : i32 to index
    %swap3A_74 = arith.constant 16 : index
    %swap3A_75 = tpu.vector_load %arg9[%swap3A_73, %swap3A_74] {strides = array<i32>} : memref<8x128xf32, #tpu.memory_space<vmem>>, vector<1x16xf32>,
    %swap3A_76 = vector.shape_cast %swap3A_75 : vector<1x16xf32> to vector<16xf32>
    %swap3A_77 = vector.shape_cast %broadcast_in_dim3A_18 : vector<16xf32> to vector<1x16xf32>
    tpu.vector_store %arg9[%swap3A_73, %swap3A_74], %swap3A_77 {strides = array<i32>} : memref<8x128xf32, #tpu.memory_space<vmem>>, vector<1x16xf32>,
    %swap3A_78 = arith.constant 1 : i32
    %swap3A_79 = arith.index_cast %swap3A_78 : i32 to index
    %swap3A_80 = arith.constant 32 : index
    %swap3A_81 = tpu.vector_load %arg9[%swap3A_79, %swap3A_80] {strides = array<i32>} : memref<8x128xf32, #tpu.memory_space<vmem>>, vector<1x16xf32>,
    %swap3A_82 = vector.shape_cast %swap3A_81 : vector<1x16xf32> to vector<16xf32>
    %swap3A_83 = vector.shape_cast %broadcast_in_dim3A_18 : vector<16xf32> to vector<1x16xf32>
    tpu.vector_store %arg9[%swap3A_79, %swap3A_80], %swap3A_83 {strides = array<i32>} : memref<8x128xf32, #tpu.memory_space<vmem>>, vector<1x16xf32>,
    %swap3A_84 = arith.constant 1 : i32
    %swap3A_85 = arith.index_cast %swap3A_84 : i32 to index
    %swap3A_86 = arith.constant 48 : index
    %swap3A_87 = tpu.vector_load %arg9[%swap3A_85, %swap3A_86] {strides = array<i32>} : memref<8x128xf32, #tpu.memory_space<vmem>>, vector<1x16xf32>,
    %swap3A_88 = vector.shape_cast %swap3A_87 : vector<1x16xf32> to vector<16xf32>
    %swap3A_89 = vector.shape_cast %broadcast_in_dim3A_18 : vector<16xf32> to vector<1x16xf32>
    tpu.vector_store %arg9[%swap3A_85, %swap3A_86], %swap3A_89 {strides = array<i32>} : memref<8x128xf32, #tpu.memory_space<vmem>>, vector<1x16xf32>,
    %swap3A_90 = arith.constant 1 : i32
    %swap3A_91 = arith.index_cast %swap3A_90 : i32 to index
    %swap3A_92 = arith.constant 64 : index
    %swap3A_93 = tpu.vector_load %arg9[%swap3A_91, %swap3A_92] {strides = array<i32>} : memref<8x128xf32, #tpu.memory_space<vmem>>, vector<1x16xf32>,
    %swap3A_94 = vector.shape_cast %swap3A_93 : vector<1x16xf32> to vector<16xf32>
    %swap3A_95 = vector.shape_cast %broadcast_in_dim3A_18 : vector<16xf32> to vector<1x16xf32>
    tpu.vector_store %arg9[%swap3A_91, %swap3A_92], %swap3A_95 {strides = array<i32>} : memref<8x128xf32, #tpu.memory_space<vmem>>, vector<1x16xf32>,
    %swap3A_96 = arith.constant 1 : i32
    %swap3A_97 = arith.index_cast %swap3A_96 : i32 to index
    %swap3A_98 = arith.constant 80 : index
    %swap3A_99 = tpu.vector_load %arg9[%swap3A_97, %swap3A_98] {strides = array<i32>} : memref<8x128xf32, #tpu.memory_space<vmem>>, vector<1x16xf32>,
    %swap3A_100 = vector.shape_cast %swap3A_99 : vector<1x16xf32> to vector<16xf32>
    %swap3A_101 = vector.shape_cast %broadcast_in_dim3A_18 : vector<16xf32> to vector<1x16xf32>
    tpu.vector_store %arg9[%swap3A_97, %swap3A_98], %swap3A_101 {strides = array<i32>} : memref<8x128xf32, #tpu.memory_space<vmem>>, vector<1x16xf32>,
    %swap3A_102 = arith.constant 1 : i32
    %swap3A_103 = arith.index_cast %swap3A_102 : i32 to index
    %swap3A_104 = arith.constant 96 : index
    %swap3A_105 = tpu.vector_load %arg9[%swap3A_103, %swap3A_104] {strides = array<i32>} : memref<8x128xf32, #tpu.memory_space<vmem>>, vector<1x16xf32>,
    %swap3A_106 = vector.shape_cast %swap3A_105 : vector<1x16xf32> to vector<16xf32>
    %swap3A_107 = vector.shape_cast %broadcast_in_dim3A_18 : vector<16xf32> to vector<1x16xf32>
    tpu.vector_store %arg9[%swap3A_103, %swap3A_104], %swap3A_107 {strides = array<i32>} : memref<8x128xf32, #tpu.memory_space<vmem>>, vector<1x16xf32>,
    %swap3A_108 = arith.constant 1 : i32
    %swap3A_109 = arith.index_cast %swap3A_108 : i32 to index
    %swap3A_110 = arith.constant 112 : index
    %swap3A_111 = tpu.vector_load %arg9[%swap3A_109, %swap3A_110] {strides = array<i32>} : memref<8x128xf32, #tpu.memory_space<vmem>>, vector<1x16xf32>,
    %swap3A_112 = vector.shape_cast %swap3A_111 : vector<1x16xf32> to vector<16xf32>
    %swap3A_113 = vector.shape_cast %broadcast_in_dim3A_18 : vector<16xf32> to vector<1x16xf32>
    tpu.vector_store %arg9[%swap3A_109, %swap3A_110], %swap3A_113 {strides = array<i32>} : memref<8x128xf32, #tpu.memory_space<vmem>>, vector<1x16xf32>,
    %swap3A_114 = arith.constant 2 : i32
    %swap3A_115 = arith.index_cast %swap3A_114 : i32 to index
    %swap3A_116 = arith.constant 0 : index
    %swap3A_117 = tpu.vector_load %arg9[%swap3A_115, %swap3A_116] {strides = array<i32>} : memref<8x128xf32, #tpu.memory_space<vmem>>, vector<1x16xf32>,
    %swap3A_118 = vector.shape_cast %swap3A_117 : vector<1x16xf32> to vector<16xf32>
    %swap3A_119 = vector.shape_cast %broadcast_in_dim3A_18 : vector<16xf32> to vector<1x16xf32>
    tpu.vector_store %arg9[%swap3A_115, %swap3A_116], %swap3A_119 {strides = array<i32>} : memref<8x128xf32, #tpu.memory_space<vmem>>, vector<1x16xf32>,
    %swap3A_120 = arith.constant 2 : i32
    %swap3A_121 = arith.index_cast %swap3A_120 : i32 to index
    %swap3A_122 = arith.constant 16 : index
    %swap3A_123 = tpu.vector_load %arg9[%swap3A_121, %swap3A_122] {strides = array<i32>} : memref<8x128xf32, #tpu.memory_space<vmem>>, vector<1x16xf32>,
    %swap3A_124 = vector.shape_cast %swap3A_123 : vector<1x16xf32> to vector<16xf32>
    %swap3A_125 = vector.shape_cast %broadcast_in_dim3A_18 : vector<16xf32> to vector<1x16xf32>
    tpu.vector_store %arg9[%swap3A_121, %swap3A_122], %swap3A_125 {strides = array<i32>} : memref<8x128xf32, #tpu.memory_space<vmem>>, vector<1x16xf32>,
    %swap3A_126 = arith.constant 2 : i32
    %swap3A_127 = arith.index_cast %swap3A_126 : i32 to index
    %swap3A_128 = arith.constant 32 : index
    %swap3A_129 = tpu.vector_load %arg9[%swap3A_127, %swap3A_128] {strides = array<i32>} : memref<8x128xf32, #tpu.memory_space<vmem>>, vector<1x16xf32>,
    %swap3A_130 = vector.shape_cast %swap3A_129 : vector<1x16xf32> to vector<16xf32>
    %swap3A_131 = vector.shape_cast %broadcast_in_dim3A_18 : vector<16xf32> to vector<1x16xf32>
    tpu.vector_store %arg9[%swap3A_127, %swap3A_128], %swap3A_131 {strides = array<i32>} : memref<8x128xf32, #tpu.memory_space<vmem>>, vector<1x16xf32>,
    %swap3A_132 = arith.constant 2 : i32
    %swap3A_133 = arith.index_cast %swap3A_132 : i32 to index
    %swap3A_134 = arith.constant 48 : index
    %swap3A_135 = tpu.vector_load %arg9[%swap3A_133, %swap3A_134] {strides = array<i32>} : memref<8x128xf32, #tpu.memory_space<vmem>>, vector<1x16xf32>,
    %swap3A_136 = vector.shape_cast %swap3A_135 : vector<1x16xf32> to vector<16xf32>
    %swap3A_137 = vector.shape_cast %broadcast_in_dim3A_18 : vector<16xf32> to vector<1x16xf32>
    tpu.vector_store %arg9[%swap3A_133, %swap3A_134], %swap3A_137 {strides = array<i32>} : memref<8x128xf32, #tpu.memory_space<vmem>>, vector<1x16xf32>,
    %swap3A_138 = arith.constant 2 : i32
    %swap3A_139 = arith.index_cast %swap3A_138 : i32 to index
    %swap3A_140 = arith.constant 64 : index
    %swap3A_141 = tpu.vector_load %arg9[%swap3A_139, %swap3A_140] {strides = array<i32>} : memref<8x128xf32, #tpu.memory_space<vmem>>, vector<1x16xf32>,
    %swap3A_142 = vector.shape_cast %swap3A_141 : vector<1x16xf32> to vector<16xf32>
    %swap3A_143 = vector.shape_cast %broadcast_in_dim3A_18 : vector<16xf32> to vector<1x16xf32>
    tpu.vector_store %arg9[%swap3A_139, %swap3A_140], %swap3A_143 {strides = array<i32>} : memref<8x128xf32, #tpu.memory_space<vmem>>, vector<1x16xf32>,
    %swap3A_144 = arith.constant 2 : i32
    %swap3A_145 = arith.index_cast %swap3A_144 : i32 to index
    %swap3A_146 = arith.constant 80 : index
    %swap3A_147 = tpu.vector_load %arg9[%swap3A_145, %swap3A_146] {strides = array<i32>} : memref<8x128xf32, #tpu.memory_space<vmem>>, vector<1x16xf32>,
    %swap3A_148 = vector.shape_cast %swap3A_147 : vector<1x16xf32> to vector<16xf32>
    %swap3A_149 = vector.shape_cast %broadcast_in_dim3A_18 : vector<16xf32> to vector<1x16xf32>
    tpu.vector_store %arg9[%swap3A_145, %swap3A_146], %swap3A_149 {strides = array<i32>} : memref<8x128xf32, #tpu.memory_space<vmem>>, vector<1x16xf32>,
    %swap3A_150 = arith.constant 2 : i32
    %swap3A_151 = arith.index_cast %swap3A_150 : i32 to index
    %swap3A_152 = arith.constant 96 : index
    %swap3A_153 = tpu.vector_load %arg9[%swap3A_151, %swap3A_152] {strides = array<i32>} : memref<8x128xf32, #tpu.memory_space<vmem>>, vector<1x16xf32>,
    %swap3A_154 = vector.shape_cast %swap3A_153 : vector<1x16xf32> to vector<16xf32>
    %swap3A_155 = vector.shape_cast %broadcast_in_dim3A_18 : vector<16xf32> to vector<1x16xf32>
    tpu.vector_store %arg9[%swap3A_151, %swap3A_152], %swap3A_155 {strides = array<i32>} : memref<8x128xf32, #tpu.memory_space<vmem>>, vector<1x16xf32>,
    %swap3A_156 = arith.constant 2 : i32
    %swap3A_157 = arith.index_cast %swap3A_156 : i32 to index
    %swap3A_158 = arith.constant 112 : index
    %swap3A_159 = tpu.vector_load %arg9[%swap3A_157, %swap3A_158] {strides = array<i32>} : memref<8x128xf32, #tpu.memory_space<vmem>>, vector<1x16xf32>,
    %swap3A_160 = vector.shape_cast %swap3A_159 : vector<1x16xf32> to vector<16xf32>
    %swap3A_161 = vector.shape_cast %broadcast_in_dim3A_18 : vector<16xf32> to vector<1x16xf32>
    tpu.vector_store %arg9[%swap3A_157, %swap3A_158], %swap3A_161 {strides = array<i32>} : memref<8x128xf32, #tpu.memory_space<vmem>>, vector<1x16xf32>,
    %swap3A_162 = arith.constant 3 : i32
    %swap3A_163 = arith.index_cast %swap3A_162 : i32 to index
    %swap3A_164 = arith.constant 0 : index
    %swap3A_165 = tpu.vector_load %arg9[%swap3A_163, %swap3A_164] {strides = array<i32>} : memref<8x128xf32, #tpu.memory_space<vmem>>, vector<1x16xf32>,
    %swap3A_166 = vector.shape_cast %swap3A_165 : vector<1x16xf32> to vector<16xf32>
    %swap3A_167 = vector.shape_cast %broadcast_in_dim3A_18 : vector<16xf32> to vector<1x16xf32>
    tpu.vector_store %arg9[%swap3A_163, %swap3A_164], %swap3A_167 {strides = array<i32>} : memref<8x128xf32, #tpu.memory_space<vmem>>, vector<1x16xf32>,
    %swap3A_168 = arith.constant 3 : i32
    %swap3A_169 = arith.index_cast %swap3A_168 : i32 to index
    %swap3A_170 = arith.constant 16 : index
    %swap3A_171 = tpu.vector_load %arg9[%swap3A_169, %swap3A_170] {strides = array<i32>} : memref<8x128xf32, #tpu.memory_space<vmem>>, vector<1x16xf32>,
    %swap3A_172 = vector.shape_cast %swap3A_171 : vector<1x16xf32> to vector<16xf32>
    %swap3A_173 = vector.shape_cast %broadcast_in_dim3A_18 : vector<16xf32> to vector<1x16xf32>
    tpu.vector_store %arg9[%swap3A_169, %swap3A_170], %swap3A_173 {strides = array<i32>} : memref<8x128xf32, #tpu.memory_space<vmem>>, vector<1x16xf32>,
    %swap3A_174 = arith.constant 3 : i32
    %swap3A_175 = arith.index_cast %swap3A_174 : i32 to index
    %swap3A_176 = arith.constant 32 : index
    %swap3A_177 = tpu.vector_load %arg9[%swap3A_175, %swap3A_176] {strides = array<i32>} : memref<8x128xf32, #tpu.memory_space<vmem>>, vector<1x16xf32>,
    %swap3A_178 = vector.shape_cast %swap3A_177 : vector<1x16xf32> to vector<16xf32>
    %swap3A_179 = vector.shape_cast %broadcast_in_dim3A_18 : vector<16xf32> to vector<1x16xf32>
    tpu.vector_store %arg9[%swap3A_175, %swap3A_176], %swap3A_179 {strides = array<i32>} : memref<8x128xf32, #tpu.memory_space<vmem>>, vector<1x16xf32>,
    %swap3A_180 = arith.constant 3 : i32
    %swap3A_181 = arith.index_cast %swap3A_180 : i32 to index
    %swap3A_182 = arith.constant 48 : index
    %swap3A_183 = tpu.vector_load %arg9[%swap3A_181, %swap3A_182] {strides = array<i32>} : memref<8x128xf32, #tpu.memory_space<vmem>>, vector<1x16xf32>,
    %swap3A_184 = vector.shape_cast %swap3A_183 : vector<1x16xf32> to vector<16xf32>
    %swap3A_185 = vector.shape_cast %broadcast_in_dim3A_18 : vector<16xf32> to vector<1x16xf32>
    tpu.vector_store %arg9[%swap3A_181, %swap3A_182], %swap3A_185 {strides = array<i32>} : memref<8x128xf32, #tpu.memory_space<vmem>>, vector<1x16xf32>,
    %swap3A_186 = arith.constant 3 : i32
    %swap3A_187 = arith.index_cast %swap3A_186 : i32 to index
    %swap3A_188 = arith.constant 64 : index
    %swap3A_189 = tpu.vector_load %arg9[%swap3A_187, %swap3A_188] {strides = array<i32>} : memref<8x128xf32, #tpu.memory_space<vmem>>, vector<1x16xf32>,
    %swap3A_190 = vector.shape_cast %swap3A_189 : vector<1x16xf32> to vector<16xf32>
    %swap3A_191 = vector.shape_cast %broadcast_in_dim3A_18 : vector<16xf32> to vector<1x16xf32>
    tpu.vector_store %arg9[%swap3A_187, %swap3A_188], %swap3A_191 {strides = array<i32>} : memref<8x128xf32, #tpu.memory_space<vmem>>, vector<1x16xf32>,
    %swap3A_192 = arith.constant 3 : i32
    %swap3A_193 = arith.index_cast %swap3A_192 : i32 to index
    %swap3A_194 = arith.constant 80 : index
    %swap3A_195 = tpu.vector_load %arg9[%swap3A_193, %swap3A_194] {strides = array<i32>} : memref<8x128xf32, #tpu.memory_space<vmem>>, vector<1x16xf32>,
    %swap3A_196 = vector.shape_cast %swap3A_195 : vector<1x16xf32> to vector<16xf32>
    %swap3A_197 = vector.shape_cast %broadcast_in_dim3A_18 : vector<16xf32> to vector<1x16xf32>
    tpu.vector_store %arg9[%swap3A_193, %swap3A_194], %swap3A_197 {strides = array<i32>} : memref<8x128xf32, #tpu.memory_space<vmem>>, vector<1x16xf32>,
    %swap3A_198 = arith.constant 3 : i32
    %swap3A_199 = arith.index_cast %swap3A_198 : i32 to index
    %swap3A_200 = arith.constant 96 : index
    %swap3A_201 = tpu.vector_load %arg9[%swap3A_199, %swap3A_200] {strides = array<i32>} : memref<8x128xf32, #tpu.memory_space<vmem>>, vector<1x16xf32>,
    %swap3A_202 = vector.shape_cast %swap3A_201 : vector<1x16xf32> to vector<16xf32>
    %swap3A_203 = vector.shape_cast %broadcast_in_dim3A_18 : vector<16xf32> to vector<1x16xf32>
    tpu.vector_store %arg9[%swap3A_199, %swap3A_200], %swap3A_203 {strides = array<i32>} : memref<8x128xf32, #tpu.memory_space<vmem>>, vector<1x16xf32>,
    %swap3A_204 = arith.constant 3 : i32
    %swap3A_205 = arith.index_cast %swap3A_204 : i32 to index
    %swap3A_206 = arith.constant 112 : index
    %swap3A_207 = tpu.vector_load %arg9[%swap3A_205, %swap3A_206] {strides = array<i32>} : memref<8x128xf32, #tpu.memory_space<vmem>>, vector<1x16xf32>,
    %swap3A_208 = vector.shape_cast %swap3A_207 : vector<1x16xf32> to vector<16xf32>
    %swap3A_209 = vector.shape_cast %broadcast_in_dim3A_18 : vector<16xf32> to vector<1x16xf32>
    tpu.vector_store %arg9[%swap3A_205, %swap3A_206], %swap3A_209 {strides = array<i32>} : memref<8x128xf32, #tpu.memory_space<vmem>>, vector<1x16xf32>,
    %swap3A_210 = arith.constant 4 : i32
    %swap3A_211 = arith.index_cast %swap3A_210 : i32 to index
    %swap3A_212 = arith.constant 0 : index
    %swap3A_213 = tpu.vector_load %arg9[%swap3A_211, %swap3A_212] {strides = array<i32>} : memref<8x128xf32, #tpu.memory_space<vmem>>, vector<1x16xf32>,
    %swap3A_214 = vector.shape_cast %swap3A_213 : vector<1x16xf32> to vector<16xf32>
    %swap3A_215 = vector.shape_cast %broadcast_in_dim3A_18 : vector<16xf32> to vector<1x16xf32>
    tpu.vector_store %arg9[%swap3A_211, %swap3A_212], %swap3A_215 {strides = array<i32>} : memref<8x128xf32, #tpu.memory_space<vmem>>, vector<1x16xf32>,
    %swap3A_216 = arith.constant 4 : i32
    %swap3A_217 = arith.index_cast %swap3A_216 : i32 to index
    %swap3A_218 = arith.constant 16 : index
    %swap3A_219 = tpu.vector_load %arg9[%swap3A_217, %swap3A_218] {strides = array<i32>} : memref<8x128xf32, #tpu.memory_space<vmem>>, vector<1x16xf32>,
    %swap3A_220 = vector.shape_cast %swap3A_219 : vector<1x16xf32> to vector<16xf32>
    %swap3A_221 = vector.shape_cast %broadcast_in_dim3A_18 : vector<16xf32> to vector<1x16xf32>
    tpu.vector_store %arg9[%swap3A_217, %swap3A_218], %swap3A_221 {strides = array<i32>} : memref<8x128xf32, #tpu.memory_space<vmem>>, vector<1x16xf32>,
    %swap3A_222 = arith.constant 4 : i32
    %swap3A_223 = arith.index_cast %swap3A_222 : i32 to index
    %swap3A_224 = arith.constant 32 : index
    %swap3A_225 = tpu.vector_load %arg9[%swap3A_223, %swap3A_224] {strides = array<i32>} : memref<8x128xf32, #tpu.memory_space<vmem>>, vector<1x16xf32>,
    %swap3A_226 = vector.shape_cast %swap3A_225 : vector<1x16xf32> to vector<16xf32>
    %swap3A_227 = vector.shape_cast %broadcast_in_dim3A_18 : vector<16xf32> to vector<1x16xf32>
    tpu.vector_store %arg9[%swap3A_223, %swap3A_224], %swap3A_227 {strides = array<i32>} : memref<8x128xf32, #tpu.memory_space<vmem>>, vector<1x16xf32>,
    %swap3A_228 = arith.constant 4 : i32
    %swap3A_229 = arith.index_cast %swap3A_228 : i32 to index
    %swap3A_230 = arith.constant 48 : index
    %swap3A_231 = tpu.vector_load %arg9[%swap3A_229, %swap3A_230] {strides = array<i32>} : memref<8x128xf32, #tpu.memory_space<vmem>>, vector<1x16xf32>,
    %swap3A_232 = vector.shape_cast %swap3A_231 : vector<1x16xf32> to vector<16xf32>
    %swap3A_233 = vector.shape_cast %broadcast_in_dim3A_18 : vector<16xf32> to vector<1x16xf32>
    tpu.vector_store %arg9[%swap3A_229, %swap3A_230], %swap3A_233 {strides = array<i32>} : memref<8x128xf32, #tpu.memory_space<vmem>>, vector<1x16xf32>,
    %swap3A_234 = arith.constant 4 : i32
    %swap3A_235 = arith.index_cast %swap3A_234 : i32 to index
    %swap3A_236 = arith.constant 64 : index
    %swap3A_237 = tpu.vector_load %arg9[%swap3A_235, %swap3A_236] {strides = array<i32>} : memref<8x128xf32, #tpu.memory_space<vmem>>, vector<1x16xf32>,
    %swap3A_238 = vector.shape_cast %swap3A_237 : vector<1x16xf32> to vector<16xf32>
    %swap3A_239 = vector.shape_cast %broadcast_in_dim3A_18 : vector<16xf32> to vector<1x16xf32>
    tpu.vector_store %arg9[%swap3A_235, %swap3A_236], %swap3A_239 {strides = array<i32>} : memref<8x128xf32, #tpu.memory_space<vmem>>, vector<1x16xf32>,
    %swap3A_240 = arith.constant 4 : i32
    %swap3A_241 = arith.index_cast %swap3A_240 : i32 to index
    %swap3A_242 = arith.constant 80 : index
    %swap3A_243 = tpu.vector_load %arg9[%swap3A_241, %swap3A_242] {strides = array<i32>} : memref<8x128xf32, #tpu.memory_space<vmem>>, vector<1x16xf32>,
    %swap3A_244 = vector.shape_cast %swap3A_243 : vector<1x16xf32> to vector<16xf32>
    %swap3A_245 = vector.shape_cast %broadcast_in_dim3A_18 : vector<16xf32> to vector<1x16xf32>
    tpu.vector_store %arg9[%swap3A_241, %swap3A_242], %swap3A_245 {strides = array<i32>} : memref<8x128xf32, #tpu.memory_space<vmem>>, vector<1x16xf32>,
    %swap3A_246 = arith.constant 4 : i32
    %swap3A_247 = arith.index_cast %swap3A_246 : i32 to index
    %swap3A_248 = arith.constant 96 : index
    %swap3A_249 = tpu.vector_load %arg9[%swap3A_247, %swap3A_248] {strides = array<i32>} : memref<8x128xf32, #tpu.memory_space<vmem>>, vector<1x16xf32>,
    %swap3A_250 = vector.shape_cast %swap3A_249 : vector<1x16xf32> to vector<16xf32>
    %swap3A_251 = vector.shape_cast %broadcast_in_dim3A_18 : vector<16xf32> to vector<1x16xf32>
    tpu.vector_store %arg9[%swap3A_247, %swap3A_248], %swap3A_251 {strides = array<i32>} : memref<8x128xf32, #tpu.memory_space<vmem>>, vector<1x16xf32>,
    %swap3A_252 = arith.constant 4 : i32
    %swap3A_253 = arith.index_cast %swap3A_252 : i32 to index
    %swap3A_254 = arith.constant 112 : index
    %swap3A_255 = tpu.vector_load %arg9[%swap3A_253, %swap3A_254] {strides = array<i32>} : memref<8x128xf32, #tpu.memory_space<vmem>>, vector<1x16xf32>,
    %swap3A_256 = vector.shape_cast %swap3A_255 : vector<1x16xf32> to vector<16xf32>
    %swap3A_257 = vector.shape_cast %broadcast_in_dim3A_18 : vector<16xf32> to vector<1x16xf32>
    tpu.vector_store %arg9[%swap3A_253, %swap3A_254], %swap3A_257 {strides = array<i32>} : memref<8x128xf32, #tpu.memory_space<vmem>>, vector<1x16xf32>,
    %swap3A_258 = arith.constant 5 : i32
    %swap3A_259 = arith.index_cast %swap3A_258 : i32 to index
    %swap3A_260 = arith.constant 0 : index
    %swap3A_261 = tpu.vector_load %arg9[%swap3A_259, %swap3A_260] {strides = array<i32>} : memref<8x128xf32, #tpu.memory_space<vmem>>, vector<1x16xf32>,
    %swap3A_262 = vector.shape_cast %swap3A_261 : vector<1x16xf32> to vector<16xf32>
    %swap3A_263 = vector.shape_cast %broadcast_in_dim3A_18 : vector<16xf32> to vector<1x16xf32>
    tpu.vector_store %arg9[%swap3A_259, %swap3A_260], %swap3A_263 {strides = array<i32>} : memref<8x128xf32, #tpu.memory_space<vmem>>, vector<1x16xf32>,
    %swap3A_264 = arith.constant 5 : i32
    %swap3A_265 = arith.index_cast %swap3A_264 : i32 to index
    %swap3A_266 = arith.constant 16 : index
    %swap3A_267 = tpu.vector_load %arg9[%swap3A_265, %swap3A_266] {strides = array<i32>} : memref<8x128xf32, #tpu.memory_space<vmem>>, vector<1x16xf32>,
    %swap3A_268 = vector.shape_cast %swap3A_267 : vector<1x16xf32> to vector<16xf32>
    %swap3A_269 = vector.shape_cast %broadcast_in_dim3A_18 : vector<16xf32> to vector<1x16xf32>
    tpu.vector_store %arg9[%swap3A_265, %swap3A_266], %swap3A_269 {strides = array<i32>} : memref<8x128xf32, #tpu.memory_space<vmem>>, vector<1x16xf32>,
    %swap3A_270 = arith.constant 5 : i32
    %swap3A_271 = arith.index_cast %swap3A_270 : i32 to index
    %swap3A_272 = arith.constant 32 : index
    %swap3A_273 = tpu.vector_load %arg9[%swap3A_271, %swap3A_272] {strides = array<i32>} : memref<8x128xf32, #tpu.memory_space<vmem>>, vector<1x16xf32>,
    %swap3A_274 = vector.shape_cast %swap3A_273 : vector<1x16xf32> to vector<16xf32>
    %swap3A_275 = vector.shape_cast %broadcast_in_dim3A_18 : vector<16xf32> to vector<1x16xf32>
    tpu.vector_store %arg9[%swap3A_271, %swap3A_272], %swap3A_275 {strides = array<i32>} : memref<8x128xf32, #tpu.memory_space<vmem>>, vector<1x16xf32>,
    %swap3A_276 = arith.constant 5 : i32
    %swap3A_277 = arith.index_cast %swap3A_276 : i32 to index
    %swap3A_278 = arith.constant 48 : index
    %swap3A_279 = tpu.vector_load %arg9[%swap3A_277, %swap3A_278] {strides = array<i32>} : memref<8x128xf32, #tpu.memory_space<vmem>>, vector<1x16xf32>,
    %swap3A_280 = vector.shape_cast %swap3A_279 : vector<1x16xf32> to vector<16xf32>
    %swap3A_281 = vector.shape_cast %broadcast_in_dim3A_18 : vector<16xf32> to vector<1x16xf32>
    tpu.vector_store %arg9[%swap3A_277, %swap3A_278], %swap3A_281 {strides = array<i32>} : memref<8x128xf32, #tpu.memory_space<vmem>>, vector<1x16xf32>,
    %swap3A_282 = arith.constant 5 : i32
    %swap3A_283 = arith.index_cast %swap3A_282 : i32 to index
    %swap3A_284 = arith.constant 64 : index
    %swap3A_285 = tpu.vector_load %arg9[%swap3A_283, %swap3A_284] {strides = array<i32>} : memref<8x128xf32, #tpu.memory_space<vmem>>, vector<1x16xf32>,
    %swap3A_286 = vector.shape_cast %swap3A_285 : vector<1x16xf32> to vector<16xf32>
    %swap3A_287 = vector.shape_cast %broadcast_in_dim3A_18 : vector<16xf32> to vector<1x16xf32>
    tpu.vector_store %arg9[%swap3A_283, %swap3A_284], %swap3A_287 {strides = array<i32>} : memref<8x128xf32, #tpu.memory_space<vmem>>, vector<1x16xf32>,
    %swap3A_288 = arith.constant 5 : i32
    %swap3A_289 = arith.index_cast %swap3A_288 : i32 to index
    %swap3A_290 = arith.constant 80 : index
    %swap3A_291 = tpu.vector_load %arg9[%swap3A_289, %swap3A_290] {strides = array<i32>} : memref<8x128xf32, #tpu.memory_space<vmem>>, vector<1x16xf32>,
    %swap3A_292 = vector.shape_cast %swap3A_291 : vector<1x16xf32> to vector<16xf32>
    %swap3A_293 = vector.shape_cast %broadcast_in_dim3A_18 : vector<16xf32> to vector<1x16xf32>
    tpu.vector_store %arg9[%swap3A_289, %swap3A_290], %swap3A_293 {strides = array<i32>} : memref<8x128xf32, #tpu.memory_space<vmem>>, vector<1x16xf32>,
    %swap3A_294 = arith.constant 5 : i32
    %swap3A_295 = arith.index_cast %swap3A_294 : i32 to index
    %swap3A_296 = arith.constant 96 : index
    %swap3A_297 = tpu.vector_load %arg9[%swap3A_295, %swap3A_296] {strides = array<i32>} : memref<8x128xf32, #tpu.memory_space<vmem>>, vector<1x16xf32>,
    %swap3A_298 = vector.shape_cast %swap3A_297 : vector<1x16xf32> to vector<16xf32>
    %swap3A_299 = vector.shape_cast %broadcast_in_dim3A_18 : vector<16xf32> to vector<1x16xf32>
    tpu.vector_store %arg9[%swap3A_295, %swap3A_296], %swap3A_299 {strides = array<i32>} : memref<8x128xf32, #tpu.memory_space<vmem>>, vector<1x16xf32>,
    %swap3A_300 = arith.constant 5 : i32
    %swap3A_301 = arith.index_cast %swap3A_300 : i32 to index
    %swap3A_302 = arith.constant 112 : index
    %swap3A_303 = tpu.vector_load %arg9[%swap3A_301, %swap3A_302] {strides = array<i32>} : memref<8x128xf32, #tpu.memory_space<vmem>>, vector<1x16xf32>,
    %swap3A_304 = vector.shape_cast %swap3A_303 : vector<1x16xf32> to vector<16xf32>
    %swap3A_305 = vector.shape_cast %broadcast_in_dim3A_18 : vector<16xf32> to vector<1x16xf32>
    tpu.vector_store %arg9[%swap3A_301, %swap3A_302], %swap3A_305 {strides = array<i32>} : memref<8x128xf32, #tpu.memory_space<vmem>>, vector<1x16xf32>,
    %swap3A_306 = arith.constant 6 : i32
    %swap3A_307 = arith.index_cast %swap3A_306 : i32 to index
    %swap3A_308 = arith.constant 0 : index
    %swap3A_309 = tpu.vector_load %arg9[%swap3A_307, %swap3A_308] {strides = array<i32>} : memref<8x128xf32, #tpu.memory_space<vmem>>, vector<1x16xf32>,
    %swap3A_310 = vector.shape_cast %swap3A_309 : vector<1x16xf32> to vector<16xf32>
    %swap3A_311 = vector.shape_cast %broadcast_in_dim3A_18 : vector<16xf32> to vector<1x16xf32>
    tpu.vector_store %arg9[%swap3A_307, %swap3A_308], %swap3A_311 {strides = array<i32>} : memref<8x128xf32, #tpu.memory_space<vmem>>, vector<1x16xf32>,
    %swap3A_312 = arith.constant 6 : i32
    %swap3A_313 = arith.index_cast %swap3A_312 : i32 to index
    %swap3A_314 = arith.constant 16 : index
    %swap3A_315 = tpu.vector_load %arg9[%swap3A_313, %swap3A_314] {strides = array<i32>} : memref<8x128xf32, #tpu.memory_space<vmem>>, vector<1x16xf32>,
    %swap3A_316 = vector.shape_cast %swap3A_315 : vector<1x16xf32> to vector<16xf32>
    %swap3A_317 = vector.shape_cast %broadcast_in_dim3A_18 : vector<16xf32> to vector<1x16xf32>
    tpu.vector_store %arg9[%swap3A_313, %swap3A_314], %swap3A_317 {strides = array<i32>} : memref<8x128xf32, #tpu.memory_space<vmem>>, vector<1x16xf32>,
    %swap3A_318 = arith.constant 6 : i32
    %swap3A_319 = arith.index_cast %swap3A_318 : i32 to index
    %swap3A_320 = arith.constant 32 : index
    %swap3A_321 = tpu.vector_load %arg9[%swap3A_319, %swap3A_320] {strides = array<i32>} : memref<8x128xf32, #tpu.memory_space<vmem>>, vector<1x16xf32>,
    %swap3A_322 = vector.shape_cast %swap3A_321 : vector<1x16xf32> to vector<16xf32>
    %swap3A_323 = vector.shape_cast %broadcast_in_dim3A_18 : vector<16xf32> to vector<1x16xf32>
    tpu.vector_store %arg9[%swap3A_319, %swap3A_320], %swap3A_323 {strides = array<i32>} : memref<8x128xf32, #tpu.memory_space<vmem>>, vector<1x16xf32>,
    %swap3A_324 = arith.constant 6 : i32
    %swap3A_325 = arith.index_cast %swap3A_324 : i32 to index
    %swap3A_326 = arith.constant 48 : index
    %swap3A_327 = tpu.vector_load %arg9[%swap3A_325, %swap3A_326] {strides = array<i32>} : memref<8x128xf32, #tpu.memory_space<vmem>>, vector<1x16xf32>,
    %swap3A_328 = vector.shape_cast %swap3A_327 : vector<1x16xf32> to vector<16xf32>
    %swap3A_329 = vector.shape_cast %broadcast_in_dim3A_18 : vector<16xf32> to vector<1x16xf32>
    tpu.vector_store %arg9[%swap3A_325, %swap3A_326], %swap3A_329 {strides = array<i32>} : memref<8x128xf32, #tpu.memory_space<vmem>>, vector<1x16xf32>,
    %swap3A_330 = arith.constant 6 : i32
    %swap3A_331 = arith.index_cast %swap3A_330 : i32 to index
    %swap3A_332 = arith.constant 64 : index
    %swap3A_333 = tpu.vector_load %arg9[%swap3A_331, %swap3A_332] {strides = array<i32>} : memref<8x128xf32, #tpu.memory_space<vmem>>, vector<1x16xf32>,
    %swap3A_334 = vector.shape_cast %swap3A_333 : vector<1x16xf32> to vector<16xf32>
    %swap3A_335 = vector.shape_cast %broadcast_in_dim3A_18 : vector<16xf32> to vector<1x16xf32>
    tpu.vector_store %arg9[%swap3A_331, %swap3A_332], %swap3A_335 {strides = array<i32>} : memref<8x128xf32, #tpu.memory_space<vmem>>, vector<1x16xf32>,
    %swap3A_336 = arith.constant 6 : i32
    %swap3A_337 = arith.index_cast %swap3A_336 : i32 to index
    %swap3A_338 = arith.constant 80 : index
    %swap3A_339 = tpu.vector_load %arg9[%swap3A_337, %swap3A_338] {strides = array<i32>} : memref<8x128xf32, #tpu.memory_space<vmem>>, vector<1x16xf32>,
    %swap3A_340 = vector.shape_cast %swap3A_339 : vector<1x16xf32> to vector<16xf32>
    %swap3A_341 = vector.shape_cast %broadcast_in_dim3A_18 : vector<16xf32> to vector<1x16xf32>
    tpu.vector_store %arg9[%swap3A_337, %swap3A_338], %swap3A_341 {strides = array<i32>} : memref<8x128xf32, #tpu.memory_space<vmem>>, vector<1x16xf32>,
    %swap3A_342 = arith.constant 6 : i32
    %swap3A_343 = arith.index_cast %swap3A_342 : i32 to index
    %swap3A_344 = arith.constant 96 : index
    %swap3A_345 = tpu.vector_load %arg9[%swap3A_343, %swap3A_344] {strides = array<i32>} : memref<8x128xf32, #tpu.memory_space<vmem>>, vector<1x16xf32>,
    %swap3A_346 = vector.shape_cast %swap3A_345 : vector<1x16xf32> to vector<16xf32>
    %swap3A_347 = vector.shape_cast %broadcast_in_dim3A_18 : vector<16xf32> to vector<1x16xf32>
    tpu.vector_store %arg9[%swap3A_343, %swap3A_344], %swap3A_347 {strides = array<i32>} : memref<8x128xf32, #tpu.memory_space<vmem>>, vector<1x16xf32>,
    %swap3A_348 = arith.constant 6 : i32
    %swap3A_349 = arith.index_cast %swap3A_348 : i32 to index
    %swap3A_350 = arith.constant 112 : index
    %swap3A_351 = tpu.vector_load %arg9[%swap3A_349, %swap3A_350] {strides = array<i32>} : memref<8x128xf32, #tpu.memory_space<vmem>>, vector<1x16xf32>,
    %swap3A_352 = vector.shape_cast %swap3A_351 : vector<1x16xf32> to vector<16xf32>
    %swap3A_353 = vector.shape_cast %broadcast_in_dim3A_18 : vector<16xf32> to vector<1x16xf32>
    tpu.vector_store %arg9[%swap3A_349, %swap3A_350], %swap3A_353 {strides = array<i32>} : memref<8x128xf32, #tpu.memory_space<vmem>>, vector<1x16xf32>,
    %swap3A_354 = arith.constant 7 : i32
    %swap3A_355 = arith.index_cast %swap3A_354 : i32 to index
    %swap3A_356 = arith.constant 0 : index
    %swap3A_357 = tpu.vector_load %arg9[%swap3A_355, %swap3A_356] {strides = array<i32>} : memref<8x128xf32, #tpu.memory_space<vmem>>, vector<1x16xf32>,
    %swap3A_358 = vector.shape_cast %swap3A_357 : vector<1x16xf32> to vector<16xf32>
    %swap3A_359 = vector.shape_cast %broadcast_in_dim3A_18 : vector<16xf32> to vector<1x16xf32>
    tpu.vector_store %arg9[%swap3A_355, %swap3A_356], %swap3A_359 {strides = array<i32>} : memref<8x128xf32, #tpu.memory_space<vmem>>, vector<1x16xf32>,
    %swap3A_360 = arith.constant 7 : i32
    %swap3A_361 = arith.index_cast %swap3A_360 : i32 to index
    %swap3A_362 = arith.constant 16 : index
    %swap3A_363 = tpu.vector_load %arg9[%swap3A_361, %swap3A_362] {strides = array<i32>} : memref<8x128xf32, #tpu.memory_space<vmem>>, vector<1x16xf32>,
    %swap3A_364 = vector.shape_cast %swap3A_363 : vector<1x16xf32> to vector<16xf32>
    %swap3A_365 = vector.shape_cast %broadcast_in_dim3A_18 : vector<16xf32> to vector<1x16xf32>
    tpu.vector_store %arg9[%swap3A_361, %swap3A_362], %swap3A_365 {strides = array<i32>} : memref<8x128xf32, #tpu.memory_space<vmem>>, vector<1x16xf32>,
    %swap3A_366 = arith.constant 7 : i32
    %swap3A_367 = arith.index_cast %swap3A_366 : i32 to index
    %swap3A_368 = arith.constant 32 : index
    %swap3A_369 = tpu.vector_load %arg9[%swap3A_367, %swap3A_368] {strides = array<i32>} : memref<8x128xf32, #tpu.memory_space<vmem>>, vector<1x16xf32>,
    %swap3A_370 = vector.shape_cast %swap3A_369 : vector<1x16xf32> to vector<16xf32>
    %swap3A_371 = vector.shape_cast %broadcast_in_dim3A_18 : vector<16xf32> to vector<1x16xf32>
    tpu.vector_store %arg9[%swap3A_367, %swap3A_368], %swap3A_371 {strides = array<i32>} : memref<8x128xf32, #tpu.memory_space<vmem>>, vector<1x16xf32>,
    %swap3A_372 = arith.constant 7 : i32
    %swap3A_373 = arith.index_cast %swap3A_372 : i32 to index
    %swap3A_374 = arith.constant 48 : index
    %swap3A_375 = tpu.vector_load %arg9[%swap3A_373, %swap3A_374] {strides = array<i32>} : memref<8x128xf32, #tpu.memory_space<vmem>>, vector<1x16xf32>,
    %swap3A_376 = vector.shape_cast %swap3A_375 : vector<1x16xf32> to vector<16xf32>
    %swap3A_377 = vector.shape_cast %broadcast_in_dim3A_18 : vector<16xf32> to vector<1x16xf32>
    tpu.vector_store %arg9[%swap3A_373, %swap3A_374], %swap3A_377 {strides = array<i32>} : memref<8x128xf32, #tpu.memory_space<vmem>>, vector<1x16xf32>,
    %swap3A_378 = arith.constant 7 : i32
    %swap3A_379 = arith.index_cast %swap3A_378 : i32 to index
    %swap3A_380 = arith.constant 64 : index
    %swap3A_381 = tpu.vector_load %arg9[%swap3A_379, %swap3A_380] {strides = array<i32>} : memref<8x128xf32, #tpu.memory_space<vmem>>, vector<1x16xf32>,
    %swap3A_382 = vector.shape_cast %swap3A_381 : vector<1x16xf32> to vector<16xf32>
    %swap3A_383 = vector.shape_cast %broadcast_in_dim3A_18 : vector<16xf32> to vector<1x16xf32>
    tpu.vector_store %arg9[%swap3A_379, %swap3A_380], %swap3A_383 {strides = array<i32>} : memref<8x128xf32, #tpu.memory_space<vmem>>, vector<1x16xf32>,
    %swap3A_384 = arith.constant 7 : i32
    %swap3A_385 = arith.index_cast %swap3A_384 : i32 to index
    %swap3A_386 = arith.constant 80 : index
    %swap3A_387 = tpu.vector_load %arg9[%swap3A_385, %swap3A_386] {strides = array<i32>} : memref<8x128xf32, #tpu.memory_space<vmem>>, vector<1x16xf32>,
    %swap3A_388 = vector.shape_cast %swap3A_387 : vector<1x16xf32> to vector<16xf32>
    %swap3A_389 = vector.shape_cast %broadcast_in_dim3A_18 : vector<16xf32> to vector<1x16xf32>
    tpu.vector_store %arg9[%swap3A_385, %swap3A_386], %swap3A_389 {strides = array<i32>} : memref<8x128xf32, #tpu.memory_space<vmem>>, vector<1x16xf32>,
    %swap3A_390 = arith.constant 7 : i32
    %swap3A_391 = arith.index_cast %swap3A_390 : i32 to index
    %swap3A_392 = arith.constant 96 : index
    %swap3A_393 = tpu.vector_load %arg9[%swap3A_391, %swap3A_392] {strides = array<i32>} : memref<8x128xf32, #tpu.memory_space<vmem>>, vector<1x16xf32>,
    %swap3A_394 = vector.shape_cast %swap3A_393 : vector<1x16xf32> to vector<16xf32>
    %swap3A_395 = vector.shape_cast %broadcast_in_dim3A_18 : vector<16xf32> to vector<1x16xf32>
    tpu.vector_store %arg9[%swap3A_391, %swap3A_392], %swap3A_395 {strides = array<i32>} : memref<8x128xf32, #tpu.memory_space<vmem>>, vector<1x16xf32>,
    %swap3A_396 = arith.constant 7 : i32
    %swap3A_397 = arith.index_cast %swap3A_396 : i32 to index
    %swap3A_398 = arith.constant 112 : index
    %swap3A_399 = tpu.vector_load %arg9[%swap3A_397, %swap3A_398] {strides = array<i32>} : memref<8x128xf32, #tpu.memory_space<vmem>>, vector<1x16xf32>,
    %swap3A_400 = vector.shape_cast %swap3A_399 : vector<1x16xf32> to vector<16xf32>
    %swap3A_401 = vector.shape_cast %broadcast_in_dim3A_18 : vector<16xf32> to vector<1x16xf32>
    tpu.vector_store %arg9[%swap3A_397, %swap3A_398], %swap3A_401 {strides = array<i32>} : memref<8x128xf32, #tpu.memory_space<vmem>>, vector<1x16xf32>,
    %scan3A = arith.constant 0 : i32
    %scan3A_402 = arith.constant 0 : i32
    %scan3A_403 = arith.constant 79 : i32
    %scan3A_404 = arith.addi %scan3A_402, %scan3A_403 : i32
    %scan3A_405 = arith.constant 1 : i32
    scf.for %scan3A_491 = %scan3A_402 to %scan3A_404 step %scan3A_405  : i32 {
      %mul3A_492 = arith.constant 8 : i32
      %mul3A_493 = arith.muli %scan3A_491, %mul3A_492 : i32
      %add3A_494 = arith.addi %mul3A_2, %mul3A_493 : i32
      %dma_start3A_495 = arith.constant 0 : i32
      %dma_start3A_496 = tpu.memref_slice %arg10[%add3A_494, %dma_start3A_495] : memref<10112x128xf32, #tpu.memory_space<vmem_shared>> -> memref<8x128xf32, #tpu.memory_space<vmem_shared>>
      %dma_start3A_497 = arith.constant 0 : i32
      %dma_start3A_498 = tpu.memref_slice %arg10[%add3A_494, %dma_start3A_497] : memref<10112x128xf32, #tpu.memory_space<vmem_shared>> -> memref<8x128xf32, #tpu.memory_space<vmem_shared>>
      tpu.enqueue_dma source(%arg9 : memref<8x128xf32, #tpu.memory_space<vmem>>) target(%dma_start3A_498 : memref<8x128xf32, #tpu.memory_space<vmem_shared>>) target_semaphore(%arg13 : memref<!tpu.dma_semaphore, #tpu.memory_space<semaphore_mem>>)
    }
    %scan3A_406 = arith.constant 79 : i32
    %dma_wait3A = arith.constant 0 : i32
    %dma_wait3A_407 = tpu.memref_slice %arg10[%mul3A_2, %dma_wait3A] : memref<10112x128xf32, #tpu.memory_space<vmem_shared>> -> memref<632x128xf32, #tpu.memory_space<vmem_shared>>
    %dma_wait3A_408 = arith.constant 0 : i32
    %dma_wait3A_409 = arith.constant 0 : i32
    %dma_wait3A_410 = tpu.memref_slice %arg2[%dma_wait3A_408, %dma_wait3A_409] : memref<10112x128xf32, #tpu.memory_space<hbm>> -> memref<632x128xf32, #tpu.memory_space<hbm>>
    tpu.wait_dma2 semaphore(%arg13 : memref<!tpu.dma_semaphore, #tpu.memory_space<semaphore_mem>>) src(%dma_wait3A_410 : memref<632x128xf32, #tpu.memory_space<hbm>>) dst(%dma_wait3A_407 : memref<632x128xf32, #tpu.memory_space<vmem_shared>>)
    %dma_wait3A_411 = arith.constant 0 : i32
    %dma_wait3A_412 = arith.constant 0 : i32
    %dma_wait3A_413 = tpu.memref_slice %arg3[%add3A, %dma_wait3A_411, %dma_wait3A_412] : memref<32x40x128xi32, #tpu.memory_space<hbm>> -> memref<1x40x128xi32, #tpu.memory_space<hbm>>
    %dma_wait3A_414 = tpu.memref_squeeze %dma_wait3A_413 : memref<1x40x128xi32, #tpu.memory_space<hbm>> -> memref<40x128xi32, #tpu.memory_space<hbm>>
    %dma_wait3A_415 = arith.constant 0 : i32
    %dma_wait3A_416 = arith.constant 0 : i32
    %dma_wait3A_417 = tpu.memref_slice %arg3[%add3A, %dma_wait3A_415, %dma_wait3A_416] : memref<32x40x128xi32, #tpu.memory_space<hbm>> -> memref<1x40x128xi32, #tpu.memory_space<hbm>>
    %dma_wait3A_418 = tpu.memref_squeeze %dma_wait3A_417 : memref<1x40x128xi32, #tpu.memory_space<hbm>> -> memref<40x128xi32, #tpu.memory_space<hbm>>
    tpu.wait_dma2 semaphore(%arg14 : memref<!tpu.dma_semaphore, #tpu.memory_space<semaphore_mem>>) src(%dma_wait3A_418 : memref<40x128xi32, #tpu.memory_space<hbm>>) dst(%arg6 : memref<40x128xi32, #tpu.memory_space<vmem>>)
    %dma_wait3A_419 = arith.constant 0 : i32
    %dma_wait3A_420 = arith.constant 0 : i32
    %dma_wait3A_421 = tpu.memref_slice %arg4[%add3A, %dma_wait3A_419, %dma_wait3A_420] : memref<32x40x128xi32, #tpu.memory_space<hbm>> -> memref<1x40x128xi32, #tpu.memory_space<hbm>>
    %dma_wait3A_422 = tpu.memref_squeeze %dma_wait3A_421 : memref<1x40x128xi32, #tpu.memory_space<hbm>> -> memref<40x128xi32, #tpu.memory_space<hbm>>
    %dma_wait3A_423 = arith.constant 0 : i32
    %dma_wait3A_424 = arith.constant 0 : i32
    %dma_wait3A_425 = tpu.memref_slice %arg4[%add3A, %dma_wait3A_423, %dma_wait3A_424] : memref<32x40x128xi32, #tpu.memory_space<hbm>> -> memref<1x40x128xi32, #tpu.memory_space<hbm>>
    %dma_wait3A_426 = tpu.memref_squeeze %dma_wait3A_425 : memref<1x40x128xi32, #tpu.memory_space<hbm>> -> memref<40x128xi32, #tpu.memory_space<hbm>>
    tpu.wait_dma2 semaphore(%arg14 : memref<!tpu.dma_semaphore, #tpu.memory_space<semaphore_mem>>) src(%dma_wait3A_426 : memref<40x128xi32, #tpu.memory_space<hbm>>) dst(%arg7 : memref<40x128xi32, #tpu.memory_space<vmem>>)
    %dma_start3A_427 = arith.constant 0 : i32
    %dma_start3A_428 = arith.constant 0 : i32
    %dma_start3A_429 = arith.constant 0 : i32
    %dma_start3A_430 = arith.constant 0 : i32
    %dma_start3A_431 = tpu.memref_slice %arg8[%dma_start3A_428, %dma_start3A_429, %dma_start3A_430] : memref<2x128x128xf32, #tpu.memory_space<vmem>> -> memref<1x128x128xf32, #tpu.memory_space<vmem>>
    %dma_start3A_432 = tpu.memref_squeeze %dma_start3A_431 : memref<1x128x128xf32, #tpu.memory_space<vmem>> -> memref<128x128xf32, #tpu.memory_space<vmem>>
    %dma_start3A_433 = arith.constant 0 : i32
    %dma_start3A_434 = tpu.memref_slice %arg6[%dma_start3A_427, %dma_start3A_433] : memref<40x128xi32, #tpu.memory_space<vmem>> -> memref<1x128xi32, #tpu.memory_space<vmem>>
    %dma_start3A_435 = tpu.memref_squeeze %dma_start3A_434 : memref<1x128xi32, #tpu.memory_space<vmem>> -> memref<128xi32, #tpu.memory_space<vmem>>
    %dma_start3A_436 = arith.constant 0 : i32
    %dma_start3A_437 = arith.constant 0 : i32
    %dma_start3A_438 = tpu.memref_slice %arg2[%dma_start3A_436, %dma_start3A_437] : memref<10112x128xf32, #tpu.memory_space<hbm>> -> memref<10112x128xf32, #tpu.memory_space<hbm>>
    tpu.enqueue_indirect_dma source(%dma_start3A_438 : memref<10112x128xf32, #tpu.memory_space<hbm>>) target(%dma_start3A_432 : memref<128x128xf32, #tpu.memory_space<vmem>>) offsets(%dma_start3A_435 : memref<128xi32, #tpu.memory_space<vmem>>) semaphore(%arg11 : memref<!tpu.dma_semaphore, #tpu.memory_space<semaphore_mem>>)
    %dma_start3A_439 = arith.constant 1 : i32
    %dma_start3A_440 = arith.constant 1 : i32
    %dma_start3A_441 = arith.constant 0 : i32
    %dma_start3A_442 = arith.constant 0 : i32
    %dma_start3A_443 = tpu.memref_slice %arg8[%dma_start3A_440, %dma_start3A_441, %dma_start3A_442] : memref<2x128x128xf32, #tpu.memory_space<vmem>> -> memref<1x128x128xf32, #tpu.memory_space<vmem>>
    %dma_start3A_444 = tpu.memref_squeeze %dma_start3A_443 : memref<1x128x128xf32, #tpu.memory_space<vmem>> -> memref<128x128xf32, #tpu.memory_space<vmem>>
    %dma_start3A_445 = arith.constant 0 : i32
    %dma_start3A_446 = tpu.memref_slice %arg6[%dma_start3A_439, %dma_start3A_445] : memref<40x128xi32, #tpu.memory_space<vmem>> -> memref<1x128xi32, #tpu.memory_space<vmem>>
    %dma_start3A_447 = tpu.memref_squeeze %dma_start3A_446 : memref<1x128xi32, #tpu.memory_space<vmem>> -> memref<128xi32, #tpu.memory_space<vmem>>
    %dma_start3A_448 = arith.constant 0 : i32
    %dma_start3A_449 = arith.constant 0 : i32
    %dma_start3A_450 = tpu.memref_slice %arg2[%dma_start3A_448, %dma_start3A_449] : memref<10112x128xf32, #tpu.memory_space<hbm>> -> memref<10112x128xf32, #tpu.memory_space<hbm>>
    tpu.enqueue_indirect_dma source(%dma_start3A_450 : memref<10112x128xf32, #tpu.memory_space<hbm>>) target(%dma_start3A_444 : memref<128x128xf32, #tpu.memory_space<vmem>>) offsets(%dma_start3A_447 : memref<128xi32, #tpu.memory_space<vmem>>) semaphore(%arg12 : memref<!tpu.dma_semaphore, #tpu.memory_space<semaphore_mem>>)
    %barrier3A = arith.constant 0 : index
    tpu.barrier barrier_id(%barrier3A)
    %scan3A_451 = arith.constant 0 : i32
    %scan3A_452 = arith.constant 0 : i32
    %scan3A_453 = arith.constant 19 : i32
    %scan3A_454 = arith.addi %scan3A_452, %scan3A_453 : i32
    %scan3A_455 = arith.constant 1 : i32
    scf.for %scan3A_491 = %scan3A_452 to %scan3A_454 step %scan3A_455  : i32 {
      %mul3A_492 = arith.constant 2 : i32
      %mul3A_493 = arith.muli %scan3A_491, %mul3A_492 : i32
      %add3A_494 = arith.constant 0 : i32
      %add3A_495 = arith.addi %mul3A_493, %add3A_494 : i32
      %dma_wait3A_496 = arith.constant 0 : i32
      %dma_wait3A_497 = arith.constant 0 : i32
      %dma_wait3A_498 = arith.constant 0 : i32
      %dma_wait3A_499 = tpu.memref_slice %arg8[%dma_wait3A_496, %dma_wait3A_497, %dma_wait3A_498] : memref<2x128x128xf32, #tpu.memory_space<vmem>> -> memref<1x128x128xf32, #tpu.memory_space<vmem>>
      %dma_wait3A_500 = tpu.memref_squeeze %dma_wait3A_499 : memref<1x128x128xf32, #tpu.memory_space<vmem>> -> memref<128x128xf32, #tpu.memory_space<vmem>>
      %dma_wait3A_501 = arith.constant 0 : i32
      %dma_wait3A_502 = arith.constant 0 : i32
      %dma_wait3A_503 = tpu.memref_slice %arg2[%dma_wait3A_501, %dma_wait3A_502] : memref<10112x128xf32, #tpu.memory_space<hbm>> -> memref<128x128xf32, #tpu.memory_space<hbm>>
      %dma_wait3A_504 = arith.constant 0 : i32
      %dma_wait3A_505 = arith.constant 0 : i32
      %dma_wait3A_506 = tpu.memref_slice %arg8[%dma_wait3A_496, %dma_wait3A_504, %dma_wait3A_505] : memref<2x128x128xf32, #tpu.memory_space<vmem>> -> memref<1x128x128xf32, #tpu.memory_space<vmem>>
      %dma_wait3A_507 = tpu.memref_squeeze %dma_wait3A_506 : memref<1x128x128xf32, #tpu.memory_space<vmem>> -> memref<128x128xf32, #tpu.memory_space<vmem>>
      %dma_wait3A_508 = arith.constant 0 : i32
      %dma_wait3A_509 = arith.constant 0 : i32
      %dma_wait3A_510 = tpu.memref_slice %arg2[%dma_wait3A_508, %dma_wait3A_509] : memref<10112x128xf32, #tpu.memory_space<hbm>> -> memref<128x128xf32, #tpu.memory_space<hbm>>
      tpu.wait_dma2 semaphore(%arg11 : memref<!tpu.dma_semaphore, #tpu.memory_space<semaphore_mem>>) src(%dma_wait3A_510 : memref<128x128xf32, #tpu.memory_space<hbm>>) dst(%dma_wait3A_507 : memref<128x128xf32, #tpu.memory_space<vmem>>)
      %run_scoped3A_511 = arith.constant 0 : i32
      "tpu.region"() ({
        %run_scoped3A_558 = tpu.sem_alloc : memref<!tpu.dma_semaphore, #tpu.memory_space<semaphore_mem>>
        %dma_start3A_559 = arith.constant 0 : i32
        %dma_start3A_560 = arith.constant 0 : i32
        %dma_start3A_561 = tpu.memref_slice %arg8[%run_scoped3A_511, %dma_start3A_559, %dma_start3A_560] : memref<2x128x128xf32, #tpu.memory_space<vmem>> -> memref<1x128x128xf32, #tpu.memory_space<vmem>>
        %dma_start3A_562 = tpu.memref_squeeze %dma_start3A_561 : memref<1x128x128xf32, #tpu.memory_space<vmem>> -> memref<128x128xf32, #tpu.memory_space<vmem>>
        %dma_start3A_563 = arith.constant 0 : i32
        %dma_start3A_564 = tpu.memref_slice %arg7[%add3A_495, %dma_start3A_563] : memref<40x128xi32, #tpu.memory_space<vmem>> -> memref<1x128xi32, #tpu.memory_space<vmem>>
        %dma_start3A_565 = tpu.memref_squeeze %dma_start3A_564 : memref<1x128xi32, #tpu.memory_space<vmem>> -> memref<128xi32, #tpu.memory_space<vmem>>
        %dma_start3A_566 = arith.constant 0 : i32
        %dma_start3A_567 = arith.constant 0 : i32
        %dma_start3A_568 = tpu.memref_slice %arg10[%dma_start3A_566, %dma_start3A_567] : memref<10112x128xf32, #tpu.memory_space<vmem_shared>> -> memref<10112x128xf32, #tpu.memory_space<vmem_shared>>
        tpu.enqueue_indirect_dma source(%dma_start3A_562 : memref<128x128xf32, #tpu.memory_space<vmem>>) target(%dma_start3A_568 : memref<10112x128xf32, #tpu.memory_space<vmem_shared>>) offsets(%dma_start3A_565 : memref<128xi32, #tpu.memory_space<vmem>>) semaphore(%run_scoped3A_558 : memref<!tpu.dma_semaphore, #tpu.memory_space<semaphore_mem>>) {add = true}
        %dma_wait3A_569 = arith.constant 0 : i32
        %dma_wait3A_570 = arith.constant 0 : i32
        %dma_wait3A_571 = tpu.memref_slice %arg8[%run_scoped3A_511, %dma_wait3A_569, %dma_wait3A_570] : memref<2x128x128xf32, #tpu.memory_space<vmem>> -> memref<1x128x128xf32, #tpu.memory_space<vmem>>
        %dma_wait3A_572 = tpu.memref_squeeze %dma_wait3A_571 : memref<1x128x128xf32, #tpu.memory_space<vmem>> -> memref<128x128xf32, #tpu.memory_space<vmem>>
        %dma_wait3A_573 = arith.constant 0 : i32
        %dma_wait3A_574 = tpu.memref_slice %arg7[%add3A_495, %dma_wait3A_573] : memref<40x128xi32, #tpu.memory_space<vmem>> -> memref<1x128xi32, #tpu.memory_space<vmem>>
        %dma_wait3A_575 = tpu.memref_squeeze %dma_wait3A_574 : memref<1x128xi32, #tpu.memory_space<vmem>> -> memref<128xi32, #tpu.memory_space<vmem>>
        %dma_wait3A_576 = arith.constant 0 : i32
        %dma_wait3A_577 = arith.constant 0 : i32
        %dma_wait3A_578 = tpu.memref_slice %arg10[%dma_wait3A_576, %dma_wait3A_577] : memref<10112x128xf32, #tpu.memory_space<vmem_shared>> -> memref<10112x128xf32, #tpu.memory_space<vmem_shared>>
        tpu.wait_indirect_dma semaphore(%run_scoped3A_558 : memref<!tpu.dma_semaphore, #tpu.memory_space<semaphore_mem>>) src(%dma_wait3A_572 : memref<128x128xf32, #tpu.memory_space<vmem>>) dst(%dma_wait3A_578 : memref<10112x128xf32, #tpu.memory_space<vmem_shared>>)
        tpu.yield
      }) : () -> ()
      %add3A_512 = arith.constant 2 : i32
      %add3A_513 = arith.addi %add3A_495, %add3A_512 : i32
      %dma_start3A_514 = arith.constant 0 : i32
      %dma_start3A_515 = arith.constant 0 : i32
      %dma_start3A_516 = arith.constant 0 : i32
      %dma_start3A_517 = tpu.memref_slice %arg8[%dma_start3A_514, %dma_start3A_515, %dma_start3A_516] : memref<2x128x128xf32, #tpu.memory_space<vmem>> -> memref<1x128x128xf32, #tpu.memory_space<vmem>>
      %dma_start3A_518 = tpu.memref_squeeze %dma_start3A_517 : memref<1x128x128xf32, #tpu.memory_space<vmem>> -> memref<128x128xf32, #tpu.memory_space<vmem>>
      %dma_start3A_519 = arith.constant 0 : i32
      %dma_start3A_520 = tpu.memref_slice %arg6[%add3A_513, %dma_start3A_519] : memref<40x128xi32, #tpu.memory_space<vmem>> -> memref<1x128xi32, #tpu.memory_space<vmem>>
      %dma_start3A_521 = tpu.memref_squeeze %dma_start3A_520 : memref<1x128xi32, #tpu.memory_space<vmem>> -> memref<128xi32, #tpu.memory_space<vmem>>
      %dma_start3A_522 = arith.constant 0 : i32
      %dma_start3A_523 = arith.constant 0 : i32
      %dma_start3A_524 = tpu.memref_slice %arg2[%dma_start3A_522, %dma_start3A_523] : memref<10112x128xf32, #tpu.memory_space<hbm>> -> memref<10112x128xf32, #tpu.memory_space<hbm>>
      tpu.enqueue_indirect_dma source(%dma_start3A_524 : memref<10112x128xf32, #tpu.memory_space<hbm>>) target(%dma_start3A_518 : memref<128x128xf32, #tpu.memory_space<vmem>>) offsets(%dma_start3A_521 : memref<128xi32, #tpu.memory_space<vmem>>) semaphore(%arg11 : memref<!tpu.dma_semaphore, #tpu.memory_space<semaphore_mem>>)
      %mul3A_525 = arith.constant 2 : i32
      %mul3A_526 = arith.muli %scan3A_491, %mul3A_525 : i32
      %add3A_527 = arith.constant 1 : i32
      %add3A_528 = arith.addi %mul3A_526, %add3A_527 : i32
      %dma_wait3A_529 = arith.constant 1 : i32
      %dma_wait3A_530 = arith.constant 0 : i32
      %dma_wait3A_531 = arith.constant 0 : i32
      %dma_wait3A_532 = tpu.memref_slice %arg8[%dma_wait3A_529, %dma_wait3A_530, %dma_wait3A_531] : memref<2x128x128xf32, #tpu.memory_space<vmem>> -> memref<1x128x128xf32, #tpu.memory_space<vmem>>
      %dma_wait3A_533 = tpu.memref_squeeze %dma_wait3A_532 : memref<1x128x128xf32, #tpu.memory_space<vmem>> -> memref<128x128xf32, #tpu.memory_space<vmem>>
      %dma_wait3A_534 = arith.constant 0 : i32
      %dma_wait3A_535 = arith.constant 0 : i32
      %dma_wait3A_536 = tpu.memref_slice %arg2[%dma_wait3A_534, %dma_wait3A_535] : memref<10112x128xf32, #tpu.memory_space<hbm>> -> memref<128x128xf32, #tpu.memory_space<hbm>>
      %dma_wait3A_537 = arith.constant 0 : i32
      %dma_wait3A_538 = arith.constant 0 : i32
      %dma_wait3A_539 = tpu.memref_slice %arg8[%dma_wait3A_529, %dma_wait3A_537, %dma_wait3A_538] : memref<2x128x128xf32, #tpu.memory_space<vmem>> -> memref<1x128x128xf32, #tpu.memory_space<vmem>>
      %dma_wait3A_540 = tpu.memref_squeeze %dma_wait3A_539 : memref<1x128x128xf32, #tpu.memory_space<vmem>> -> memref<128x128xf32, #tpu.memory_space<vmem>>
      %dma_wait3A_541 = arith.constant 0 : i32
      %dma_wait3A_542 = arith.constant 0 : i32
      %dma_wait3A_543 = tpu.memref_slice %arg2[%dma_wait3A_541, %dma_wait3A_542] : memref<10112x128xf32, #tpu.memory_space<hbm>> -> memref<128x128xf32, #tpu.memory_space<hbm>>
      tpu.wait_dma2 semaphore(%arg12 : memref<!tpu.dma_semaphore, #tpu.memory_space<semaphore_mem>>) src(%dma_wait3A_543 : memref<128x128xf32, #tpu.memory_space<hbm>>) dst(%dma_wait3A_540 : memref<128x128xf32, #tpu.memory_space<vmem>>)
      %run_scoped3A_544 = arith.constant 1 : i32
      "tpu.region"() ({
        %run_scoped3A_558 = tpu.sem_alloc : memref<!tpu.dma_semaphore, #tpu.memory_space<semaphore_mem>>
        %dma_start3A_559 = arith.constant 0 : i32
        %dma_start3A_560 = arith.constant 0 : i32
        %dma_start3A_561 = tpu.memref_slice %arg8[%run_scoped3A_544, %dma_start3A_559, %dma_start3A_560] : memref<2x128x128xf32, #tpu.memory_space<vmem>> -> memref<1x128x128xf32, #tpu.memory_space<vmem>>
        %dma_start3A_562 = tpu.memref_squeeze %dma_start3A_561 : memref<1x128x128xf32, #tpu.memory_space<vmem>> -> memref<128x128xf32, #tpu.memory_space<vmem>>
        %dma_start3A_563 = arith.constant 0 : i32
        %dma_start3A_564 = tpu.memref_slice %arg7[%add3A_528, %dma_start3A_563] : memref<40x128xi32, #tpu.memory_space<vmem>> -> memref<1x128xi32, #tpu.memory_space<vmem>>
        %dma_start3A_565 = tpu.memref_squeeze %dma_start3A_564 : memref<1x128xi32, #tpu.memory_space<vmem>> -> memref<128xi32, #tpu.memory_space<vmem>>
        %dma_start3A_566 = arith.constant 0 : i32
        %dma_start3A_567 = arith.constant 0 : i32
        %dma_start3A_568 = tpu.memref_slice %arg10[%dma_start3A_566, %dma_start3A_567] : memref<10112x128xf32, #tpu.memory_space<vmem_shared>> -> memref<10112x128xf32, #tpu.memory_space<vmem_shared>>
        tpu.enqueue_indirect_dma source(%dma_start3A_562 : memref<128x128xf32, #tpu.memory_space<vmem>>) target(%dma_start3A_568 : memref<10112x128xf32, #tpu.memory_space<vmem_shared>>) offsets(%dma_start3A_565 : memref<128xi32, #tpu.memory_space<vmem>>) semaphore(%run_scoped3A_558 : memref<!tpu.dma_semaphore, #tpu.memory_space<semaphore_mem>>) {add = true}
        %dma_wait3A_569 = arith.constant 0 : i32
        %dma_wait3A_570 = arith.constant 0 : i32
        %dma_wait3A_571 = tpu.memref_slice %arg8[%run_scoped3A_544, %dma_wait3A_569, %dma_wait3A_570] : memref<2x128x128xf32, #tpu.memory_space<vmem>> -> memref<1x128x128xf32, #tpu.memory_space<vmem>>
        %dma_wait3A_572 = tpu.memref_squeeze %dma_wait3A_571 : memref<1x128x128xf32, #tpu.memory_space<vmem>> -> memref<128x128xf32, #tpu.memory_space<vmem>>
        %dma_wait3A_573 = arith.constant 0 : i32
        %dma_wait3A_574 = tpu.memref_slice %arg7[%add3A_528, %dma_wait3A_573] : memref<40x128xi32, #tpu.memory_space<vmem>> -> memref<1x128xi32, #tpu.memory_space<vmem>>
        %dma_wait3A_575 = tpu.memref_squeeze %dma_wait3A_574 : memref<1x128xi32, #tpu.memory_space<vmem>> -> memref<128xi32, #tpu.memory_space<vmem>>
        %dma_wait3A_576 = arith.constant 0 : i32
        %dma_wait3A_577 = arith.constant 0 : i32
        %dma_wait3A_578 = tpu.memref_slice %arg10[%dma_wait3A_576, %dma_wait3A_577] : memref<10112x128xf32, #tpu.memory_space<vmem_shared>> -> memref<10112x128xf32, #tpu.memory_space<vmem_shared>>
        tpu.wait_indirect_dma semaphore(%run_scoped3A_558 : memref<!tpu.dma_semaphore, #tpu.memory_space<semaphore_mem>>) src(%dma_wait3A_572 : memref<128x128xf32, #tpu.memory_space<vmem>>) dst(%dma_wait3A_578 : memref<10112x128xf32, #tpu.memory_space<vmem_shared>>)
        tpu.yield
      }) : () -> ()
      %add3A_545 = arith.constant 2 : i32
      %add3A_546 = arith.addi %add3A_528, %add3A_545 : i32
      %dma_start3A_547 = arith.constant 1 : i32
      %dma_start3A_548 = arith.constant 0 : i32
      %dma_start3A_549 = arith.constant 0 : i32
      %dma_start3A_550 = tpu.memref_slice %arg8[%dma_start3A_547, %dma_start3A_548, %dma_start3A_549] : memref<2x128x128xf32, #tpu.memory_space<vmem>> -> memref<1x128x128xf32, #tpu.memory_space<vmem>>
      %dma_start3A_551 = tpu.memref_squeeze %dma_start3A_550 : memref<1x128x128xf32, #tpu.memory_space<vmem>> -> memref<128x128xf32, #tpu.memory_space<vmem>>
      %dma_start3A_552 = arith.constant 0 : i32
      %dma_start3A_553 = tpu.memref_slice %arg6[%add3A_546, %dma_start3A_552] : memref<40x128xi32, #tpu.memory_space<vmem>> -> memref<1x128xi32, #tpu.memory_space<vmem>>
      %dma_start3A_554 = tpu.memref_squeeze %dma_start3A_553 : memref<1x128xi32, #tpu.memory_space<vmem>> -> memref<128xi32, #tpu.memory_space<vmem>>
      %dma_start3A_555 = arith.constant 0 : i32
      %dma_start3A_556 = arith.constant 0 : i32
      %dma_start3A_557 = tpu.memref_slice %arg2[%dma_start3A_555, %dma_start3A_556] : memref<10112x128xf32, #tpu.memory_space<hbm>> -> memref<10112x128xf32, #tpu.memory_space<hbm>>
      tpu.enqueue_indirect_dma source(%dma_start3A_557 : memref<10112x128xf32, #tpu.memory_space<hbm>>) target(%dma_start3A_551 : memref<128x128xf32, #tpu.memory_space<vmem>>) offsets(%dma_start3A_554 : memref<128xi32, #tpu.memory_space<vmem>>) semaphore(%arg12 : memref<!tpu.dma_semaphore, #tpu.memory_space<semaphore_mem>>)
    }
    %scan3A_456 = arith.constant 19 : i32
    %dma_wait3A_457 = arith.constant 0 : i32
    %dma_wait3A_458 = arith.constant 0 : i32
    %dma_wait3A_459 = arith.constant 0 : i32
    %dma_wait3A_460 = tpu.memref_slice %arg8[%dma_wait3A_457, %dma_wait3A_458, %dma_wait3A_459] : memref<2x128x128xf32, #tpu.memory_space<vmem>> -> memref<1x128x128xf32, #tpu.memory_space<vmem>>
    %dma_wait3A_461 = tpu.memref_squeeze %dma_wait3A_460 : memref<1x128x128xf32, #tpu.memory_space<vmem>> -> memref<128x128xf32, #tpu.memory_space<vmem>>
    %dma_wait3A_462 = arith.constant 0 : i32
    %dma_wait3A_463 = arith.constant 0 : i32
    %dma_wait3A_464 = tpu.memref_slice %arg2[%dma_wait3A_462, %dma_wait3A_463] : memref<10112x128xf32, #tpu.memory_space<hbm>> -> memref<128x128xf32, #tpu.memory_space<hbm>>
    %dma_wait3A_465 = arith.constant 0 : i32
    %dma_wait3A_466 = arith.constant 0 : i32
    %dma_wait3A_467 = tpu.memref_slice %arg8[%dma_wait3A_457, %dma_wait3A_465, %dma_wait3A_466] : memref<2x128x128xf32, #tpu.memory_space<vmem>> -> memref<1x128x128xf32, #tpu.memory_space<vmem>>
    %dma_wait3A_468 = tpu.memref_squeeze %dma_wait3A_467 : memref<1x128x128xf32, #tpu.memory_space<vmem>> -> memref<128x128xf32, #tpu.memory_space<vmem>>
    %dma_wait3A_469 = arith.constant 0 : i32
    %dma_wait3A_470 = arith.constant 0 : i32
    %dma_wait3A_471 = tpu.memref_slice %arg2[%dma_wait3A_469, %dma_wait3A_470] : memref<10112x128xf32, #tpu.memory_space<hbm>> -> memref<128x128xf32, #tpu.memory_space<hbm>>
    tpu.wait_dma2 semaphore(%arg11 : memref<!tpu.dma_semaphore, #tpu.memory_space<semaphore_mem>>) src(%dma_wait3A_471 : memref<128x128xf32, #tpu.memory_space<hbm>>) dst(%dma_wait3A_468 : memref<128x128xf32, #tpu.memory_space<vmem>>)
    %run_scoped3A = arith.constant 0 : i32
    %run_scoped3A_472 = arith.constant 38 : i32
    "tpu.region"() ({
      %run_scoped3A_491 = tpu.sem_alloc : memref<!tpu.dma_semaphore, #tpu.memory_space<semaphore_mem>>
      %dma_start3A_492 = arith.constant 0 : i32
      %dma_start3A_493 = arith.constant 0 : i32
      %dma_start3A_494 = tpu.memref_slice %arg8[%run_scoped3A, %dma_start3A_492, %dma_start3A_493] : memref<2x128x128xf32, #tpu.memory_space<vmem>> -> memref<1x128x128xf32, #tpu.memory_space<vmem>>
      %dma_start3A_495 = tpu.memref_squeeze %dma_start3A_494 : memref<1x128x128xf32, #tpu.memory_space<vmem>> -> memref<128x128xf32, #tpu.memory_space<vmem>>
      %dma_start3A_496 = arith.constant 0 : i32
      %dma_start3A_497 = tpu.memref_slice %arg7[%run_scoped3A_472, %dma_start3A_496] : memref<40x128xi32, #tpu.memory_space<vmem>> -> memref<1x128xi32, #tpu.memory_space<vmem>>
      %dma_start3A_498 = tpu.memref_squeeze %dma_start3A_497 : memref<1x128xi32, #tpu.memory_space<vmem>> -> memref<128xi32, #tpu.memory_space<vmem>>
      %dma_start3A_499 = arith.constant 0 : i32
      %dma_start3A_500 = arith.constant 0 : i32
      %dma_start3A_501 = tpu.memref_slice %arg10[%dma_start3A_499, %dma_start3A_500] : memref<10112x128xf32, #tpu.memory_space<vmem_shared>> -> memref<10112x128xf32, #tpu.memory_space<vmem_shared>>
      tpu.enqueue_indirect_dma source(%dma_start3A_495 : memref<128x128xf32, #tpu.memory_space<vmem>>) target(%dma_start3A_501 : memref<10112x128xf32, #tpu.memory_space<vmem_shared>>) offsets(%dma_start3A_498 : memref<128xi32, #tpu.memory_space<vmem>>) semaphore(%run_scoped3A_491 : memref<!tpu.dma_semaphore, #tpu.memory_space<semaphore_mem>>) {add = true}
      %dma_wait3A_502 = arith.constant 0 : i32
      %dma_wait3A_503 = arith.constant 0 : i32
      %dma_wait3A_504 = tpu.memref_slice %arg8[%run_scoped3A, %dma_wait3A_502, %dma_wait3A_503] : memref<2x128x128xf32, #tpu.memory_space<vmem>> -> memref<1x128x128xf32, #tpu.memory_space<vmem>>
      %dma_wait3A_505 = tpu.memref_squeeze %dma_wait3A_504 : memref<1x128x128xf32, #tpu.memory_space<vmem>> -> memref<128x128xf32, #tpu.memory_space<vmem>>
      %dma_wait3A_506 = arith.constant 0 : i32
      %dma_wait3A_507 = tpu.memref_slice %arg7[%run_scoped3A_472, %dma_wait3A_506] : memref<40x128xi32, #tpu.memory_space<vmem>> -> memref<1x128xi32, #tpu.memory_space<vmem>>
      %dma_wait3A_508 = tpu.memref_squeeze %dma_wait3A_507 : memref<1x128xi32, #tpu.memory_space<vmem>> -> memref<128xi32, #tpu.memory_space<vmem>>
      %dma_wait3A_509 = arith.constant 0 : i32
      %dma_wait3A_510 = arith.constant 0 : i32
      %dma_wait3A_511 = tpu.memref_slice %arg10[%dma_wait3A_509, %dma_wait3A_510] : memref<10112x128xf32, #tpu.memory_space<vmem_shared>> -> memref<10112x128xf32, #tpu.memory_space<vmem_shared>>
      tpu.wait_indirect_dma semaphore(%run_scoped3A_491 : memref<!tpu.dma_semaphore, #tpu.memory_space<semaphore_mem>>) src(%dma_wait3A_505 : memref<128x128xf32, #tpu.memory_space<vmem>>) dst(%dma_wait3A_511 : memref<10112x128xf32, #tpu.memory_space<vmem_shared>>)
      tpu.yield
    }) : () -> ()
    %dma_wait3A_473 = arith.constant 1 : i32
    %dma_wait3A_474 = arith.constant 0 : i32
    %dma_wait3A_475 = arith.constant 0 : i32
    %dma_wait3A_476 = tpu.memref_slice %arg8[%dma_wait3A_473, %dma_wait3A_474, %dma_wait3A_475] : memref<2x128x128xf32, #tpu.memory_space<vmem>> -> memref<1x128x128xf32, #tpu.memory_space<vmem>>
    %dma_wait3A_477 = tpu.memref_squeeze %dma_wait3A_476 : memref<1x128x128xf32, #tpu.memory_space<vmem>> -> memref<128x128xf32, #tpu.memory_space<vmem>>
    %dma_wait3A_478 = arith.constant 0 : i32
    %dma_wait3A_479 = arith.constant 0 : i32
    %dma_wait3A_480 = tpu.memref_slice %arg2[%dma_wait3A_478, %dma_wait3A_479] : memref<10112x128xf32, #tpu.memory_space<hbm>> -> memref<128x128xf32, #tpu.memory_space<hbm>>
    %dma_wait3A_481 = arith.constant 0 : i32
    %dma_wait3A_482 = arith.constant 0 : i32
    %dma_wait3A_483 = tpu.memref_slice %arg8[%dma_wait3A_473, %dma_wait3A_481, %dma_wait3A_482] : memref<2x128x128xf32, #tpu.memory_space<vmem>> -> memref<1x128x128xf32, #tpu.memory_space<vmem>>
    %dma_wait3A_484 = tpu.memref_squeeze %dma_wait3A_483 : memref<1x128x128xf32, #tpu.memory_space<vmem>> -> memref<128x128xf32, #tpu.memory_space<vmem>>
    %dma_wait3A_485 = arith.constant 0 : i32
    %dma_wait3A_486 = arith.constant 0 : i32
    %dma_wait3A_487 = tpu.memref_slice %arg2[%dma_wait3A_485, %dma_wait3A_486] : memref<10112x128xf32, #tpu.memory_space<hbm>> -> memref<128x128xf32, #tpu.memory_space<hbm>>
    tpu.wait_dma2 semaphore(%arg12 : memref<!tpu.dma_semaphore, #tpu.memory_space<semaphore_mem>>) src(%dma_wait3A_487 : memref<128x128xf32, #tpu.memory_space<hbm>>) dst(%dma_wait3A_484 : memref<128x128xf32, #tpu.memory_space<vmem>>)
    %run_scoped3A_488 = arith.constant 1 : i32
    %run_scoped3A_489 = arith.constant 39 : i32
    "tpu.region"() ({
      %run_scoped3A_491 = tpu.sem_alloc : memref<!tpu.dma_semaphore, #tpu.memory_space<semaphore_mem>>
      %dma_start3A_492 = arith.constant 0 : i32
      %dma_start3A_493 = arith.constant 0 : i32
      %dma_start3A_494 = tpu.memref_slice %arg8[%run_scoped3A_488, %dma_start3A_492, %dma_start3A_493] : memref<2x128x128xf32, #tpu.memory_space<vmem>> -> memref<1x128x128xf32, #tpu.memory_space<vmem>>
      %dma_start3A_495 = tpu.memref_squeeze %dma_start3A_494 : memref<1x128x128xf32, #tpu.memory_space<vmem>> -> memref<128x128xf32, #tpu.memory_space<vmem>>
      %dma_start3A_496 = arith.constant 0 : i32
      %dma_start3A_497 = tpu.memref_slice %arg7[%run_scoped3A_489, %dma_start3A_496] : memref<40x128xi32, #tpu.memory_space<vmem>> -> memref<1x128xi32, #tpu.memory_space<vmem>>
      %dma_start3A_498 = tpu.memref_squeeze %dma_start3A_497 : memref<1x128xi32, #tpu.memory_space<vmem>> -> memref<128xi32, #tpu.memory_space<vmem>>
      %dma_start3A_499 = arith.constant 0 : i32
      %dma_start3A_500 = arith.constant 0 : i32
      %dma_start3A_501 = tpu.memref_slice %arg10[%dma_start3A_499, %dma_start3A_500] : memref<10112x128xf32, #tpu.memory_space<vmem_shared>> -> memref<10112x128xf32, #tpu.memory_space<vmem_shared>>
      tpu.enqueue_indirect_dma source(%dma_start3A_495 : memref<128x128xf32, #tpu.memory_space<vmem>>) target(%dma_start3A_501 : memref<10112x128xf32, #tpu.memory_space<vmem_shared>>) offsets(%dma_start3A_498 : memref<128xi32, #tpu.memory_space<vmem>>) semaphore(%run_scoped3A_491 : memref<!tpu.dma_semaphore, #tpu.memory_space<semaphore_mem>>) {add = true}
      %dma_wait3A_502 = arith.constant 0 : i32
      %dma_wait3A_503 = arith.constant 0 : i32
      %dma_wait3A_504 = tpu.memref_slice %arg8[%run_scoped3A_488, %dma_wait3A_502, %dma_wait3A_503] : memref<2x128x128xf32, #tpu.memory_space<vmem>> -> memref<1x128x128xf32, #tpu.memory_space<vmem>>
      %dma_wait3A_505 = tpu.memref_squeeze %dma_wait3A_504 : memref<1x128x128xf32, #tpu.memory_space<vmem>> -> memref<128x128xf32, #tpu.memory_space<vmem>>
      %dma_wait3A_506 = arith.constant 0 : i32
      %dma_wait3A_507 = tpu.memref_slice %arg7[%run_scoped3A_489, %dma_wait3A_506] : memref<40x128xi32, #tpu.memory_space<vmem>> -> memref<1x128xi32, #tpu.memory_space<vmem>>
      %dma_wait3A_508 = tpu.memref_squeeze %dma_wait3A_507 : memref<1x128xi32, #tpu.memory_space<vmem>> -> memref<128xi32, #tpu.memory_space<vmem>>
      %dma_wait3A_509 = arith.constant 0 : i32
      %dma_wait3A_510 = arith.constant 0 : i32
      %dma_wait3A_511 = tpu.memref_slice %arg10[%dma_wait3A_509, %dma_wait3A_510] : memref<10112x128xf32, #tpu.memory_space<vmem_shared>> -> memref<10112x128xf32, #tpu.memory_space<vmem_shared>>
      tpu.wait_indirect_dma semaphore(%run_scoped3A_491 : memref<!tpu.dma_semaphore, #tpu.memory_space<semaphore_mem>>) src(%dma_wait3A_505 : memref<128x128xf32, #tpu.memory_space<vmem>>) dst(%dma_wait3A_511 : memref<10112x128xf32, #tpu.memory_space<vmem_shared>>)
      tpu.yield
    }) : () -> ()
    %barrier3A_490 = arith.constant 0 : index
    tpu.barrier barrier_id(%barrier3A_490)
    "tpu.region"() ({
      %run_scoped3A_491 = tpu.sem_alloc : memref<!tpu.dma_semaphore, #tpu.memory_space<semaphore_mem>>
      %dma_start3A_492 = arith.constant 0 : i32
      %dma_start3A_493 = tpu.memref_slice %arg5[%arg0, %mul3A_2, %dma_start3A_492] : memref<2x10112x128xf32, #tpu.memory_space<hbm>> -> memref<1x632x128xf32, #tpu.memory_space<hbm>>
      %dma_start3A_494 = tpu.memref_squeeze %dma_start3A_493 : memref<1x632x128xf32, #tpu.memory_space<hbm>> -> memref<632x128xf32, #tpu.memory_space<hbm>>
      %dma_start3A_495 = arith.constant 0 : i32
      %dma_start3A_496 = tpu.memref_slice %arg10[%mul3A_2, %dma_start3A_495] : memref<10112x128xf32, #tpu.memory_space<vmem_shared>> -> memref<632x128xf32, #tpu.memory_space<vmem_shared>>
      tpu.enqueue_dma source(%dma_start3A_496 : memref<632x128xf32, #tpu.memory_space<vmem_shared>>) target(%dma_start3A_494 : memref<632x128xf32, #tpu.memory_space<hbm>>) target_semaphore(%run_scoped3A_491 : memref<!tpu.dma_semaphore, #tpu.memory_space<semaphore_mem>>)
      %dma_wait3A_497 = arith.constant 0 : i32
      %dma_wait3A_498 = tpu.memref_slice %arg5[%arg0, %mul3A_2, %dma_wait3A_497] : memref<2x10112x128xf32, #tpu.memory_space<hbm>> -> memref<1x632x128xf32, #tpu.memory_space<hbm>>
      %dma_wait3A_499 = tpu.memref_squeeze %dma_wait3A_498 : memref<1x632x128xf32, #tpu.memory_space<hbm>> -> memref<632x128xf32, #tpu.memory_space<hbm>>
      %dma_wait3A_500 = arith.constant 0 : i32
      %dma_wait3A_501 = tpu.memref_slice %arg10[%mul3A_2, %dma_wait3A_500] : memref<10112x128xf32, #tpu.memory_space<vmem_shared>> -> memref<632x128xf32, #tpu.memory_space<vmem_shared>>
      tpu.wait_dma2 semaphore(%run_scoped3A_491 : memref<!tpu.dma_semaphore, #tpu.memory_space<semaphore_mem>>) src(%dma_wait3A_501 : memref<632x128xf32, #tpu.memory_space<vmem_shared>>) dst(%dma_wait3A_499 : memref<632x128xf32, #tpu.memory_space<hbm>>)
      tpu.yield
    }) : () -> ()
    return
  }
}

#map = affine_map<(d0, d1) -> (0, 0)>
#map1 = affine_map<(d0, d1) -> (0, 0, 0)>
module attributes {stable_mosaic.version = 14 : i64} {
  func.func @_sc_aggregate(%arg0: i32, %arg1: i32, %arg2: memref<10112x128xf32, #tpu.memory_space<hbm>>, %arg3: memref<32x40x128xi32, #tpu.memory_space<hbm>>, %arg4: memref<32x40x128xi32, #tpu.memory_space<hbm>>, %arg5: memref<2x10112x128xf32, #tpu.memory_space<hbm>>, %arg6: memref<40x128xi32, #tpu.memory_space<vmem>>, %arg7: memref<40x128xi32, #tpu.memory_space<vmem>>, %arg8: memref<2x128x128xf32, #tpu.memory_space<vmem>>, %arg9: memref<8x128xf32, #tpu.memory_space<vmem>>, %arg10: memref<10112x128xf32, #tpu.memory_space<vmem_shared>>, %arg11: memref<!tpu.dma_semaphore, #tpu.memory_space<semaphore_mem>>, %arg12: memref<!tpu.dma_semaphore, #tpu.memory_space<semaphore_mem>>, %arg13: memref<!tpu.dma_semaphore, #tpu.memory_space<semaphore_mem>>, %arg14: memref<!tpu.dma_semaphore, #tpu.memory_space<semaphore_mem>>) attributes {dimension_semantics = [#tpu.dimension_semantics<core_parallel>, #tpu.dimension_semantics<subcore_parallel>], iteration_bounds = array<i64: 2, 16>, scalar_prefetch = 0 : i64, scratch_operands = 9 : i64, tpu.core_type = #tpu.core_type<sc_vector_subcore>, window_params = [{transform_indices = #map}, {transform_indices = #map1}, {transform_indices = #map1}, {transform_indices = #map1}]} {
    %mul3A = arith.constant 2 : i32
    %mul3A_0 = arith.muli %arg1, %mul3A : i32
    %add3A = arith.addi %mul3A_0, %arg0 : i32
    %mul3A_1 = arith.constant 632 : i32
    %mul3A_2 = arith.muli %arg1, %mul3A_1 : i32
    %dma_start3A = arith.constant 0 : i32
    %dma_start3A_3 = arith.constant 0 : i32
    %dma_start3A_4 = tpu.memref_slice %arg3[%add3A, %dma_start3A, %dma_start3A_3] : memref<32x40x128xi32, #tpu.memory_space<hbm>> -> memref<1x40x128xi32, #tpu.memory_space<hbm>>
    %dma_start3A_5 = tpu.memref_squeeze %dma_start3A_4 : memref<1x40x128xi32, #tpu.memory_space<hbm>> -> memref<40x128xi32, #tpu.memory_space<hbm>>
    %dma_start3A_6 = arith.constant 0 : i32
    %dma_start3A_7 = arith.constant 0 : i32
    %dma_start3A_8 = tpu.memref_slice %arg3[%add3A, %dma_start3A_6, %dma_start3A_7] : memref<32x40x128xi32, #tpu.memory_space<hbm>> -> memref<1x40x128xi32, #tpu.memory_space<hbm>>
    %dma_start3A_9 = tpu.memref_squeeze %dma_start3A_8 : memref<1x40x128xi32, #tpu.memory_space<hbm>> -> memref<40x128xi32, #tpu.memory_space<hbm>>
    tpu.enqueue_dma source(%dma_start3A_9 : memref<40x128xi32, #tpu.memory_space<hbm>>) target(%arg6 : memref<40x128xi32, #tpu.memory_space<vmem>>) target_semaphore(%arg14 : memref<!tpu.dma_semaphore, #tpu.memory_space<semaphore_mem>>)
    %dma_start3A_10 = arith.constant 0 : i32
    %dma_start3A_11 = arith.constant 0 : i32
    %dma_start3A_12 = tpu.memref_slice %arg4[%add3A, %dma_start3A_10, %dma_start3A_11] : memref<32x40x128xi32, #tpu.memory_space<hbm>> -> memref<1x40x128xi32, #tpu.memory_space<hbm>>
    %dma_start3A_13 = tpu.memref_squeeze %dma_start3A_12 : memref<1x40x128xi32, #tpu.memory_space<hbm>> -> memref<40x128xi32, #tpu.memory_space<hbm>>
    %dma_start3A_14 = arith.constant 0 : i32
    %dma_start3A_15 = arith.constant 0 : i32
    %dma_start3A_16 = tpu.memref_slice %arg4[%add3A, %dma_start3A_14, %dma_start3A_15] : memref<32x40x128xi32, #tpu.memory_space<hbm>> -> memref<1x40x128xi32, #tpu.memory_space<hbm>>
    %dma_start3A_17 = tpu.memref_squeeze %dma_start3A_16 : memref<1x40x128xi32, #tpu.memory_space<hbm>> -> memref<40x128xi32, #tpu.memory_space<hbm>>
    tpu.enqueue_dma source(%dma_start3A_17 : memref<40x128xi32, #tpu.memory_space<hbm>>) target(%arg7 : memref<40x128xi32, #tpu.memory_space<vmem>>) target_semaphore(%arg14 : memref<!tpu.dma_semaphore, #tpu.memory_space<semaphore_mem>>)
    %broadcast_in_dim3A = arith.constant 0.000000e+00 : f32
    %broadcast_in_dim3A_18 = vector.broadcast %broadcast_in_dim3A : f32 to vector<16xf32>
    %swap3A = arith.constant 0 : i32
    %swap3A_19 = arith.index_cast %swap3A : i32 to index
    %swap3A_20 = arith.constant 0 : index
    %swap3A_21 = tpu.vector_load %arg9[%swap3A_19, %swap3A_20] {strides = array<i32>} : memref<8x128xf32, #tpu.memory_space<vmem>>, vector<1x16xf32>,
    %swap3A_22 = vector.shape_cast %swap3A_21 : vector<1x16xf32> to vector<16xf32>
    %swap3A_23 = vector.shape_cast %broadcast_in_dim3A_18 : vector<16xf32> to vector<1x16xf32>
    tpu.vector_store %arg9[%swap3A_19, %swap3A_20], %swap3A_23 {strides = array<i32>} : memref<8x128xf32, #tpu.memory_space<vmem>>, vector<1x16xf32>,
    %swap3A_24 = arith.constant 0 : i32
    %swap3A_25 = arith.index_cast %swap3A_24 : i32 to index
    %swap3A_26 = arith.constant 16 : index
    %swap3A_27 = tpu.vector_load %arg9[%swap3A_25, %swap3A_26] {strides = array<i32>} : memref<8x128xf32, #tpu.memory_space<vmem>>, vector<1x16xf32>,
    %swap3A_28 = vector.shape_cast %swap3A_27 : vector<1x16xf32> to vector<16xf32>
    %swap3A_29 = vector.shape_cast %broadcast_in_dim3A_18 : vector<16xf32> to vector<1x16xf32>
    tpu.vector_store %arg9[%swap3A_25, %swap3A_26], %swap3A_29 {strides = array<i32>} : memref<8x128xf32, #tpu.memory_space<vmem>>, vector<1x16xf32>,
    %swap3A_30 = arith.constant 0 : i32
    %swap3A_31 = arith.index_cast %swap3A_30 : i32 to index
    %swap3A_32 = arith.constant 32 : index
    %swap3A_33 = tpu.vector_load %arg9[%swap3A_31, %swap3A_32] {strides = array<i32>} : memref<8x128xf32, #tpu.memory_space<vmem>>, vector<1x16xf32>,
    %swap3A_34 = vector.shape_cast %swap3A_33 : vector<1x16xf32> to vector<16xf32>
    %swap3A_35 = vector.shape_cast %broadcast_in_dim3A_18 : vector<16xf32> to vector<1x16xf32>
    tpu.vector_store %arg9[%swap3A_31, %swap3A_32], %swap3A_35 {strides = array<i32>} : memref<8x128xf32, #tpu.memory_space<vmem>>, vector<1x16xf32>,
    %swap3A_36 = arith.constant 0 : i32
    %swap3A_37 = arith.index_cast %swap3A_36 : i32 to index
    %swap3A_38 = arith.constant 48 : index
    %swap3A_39 = tpu.vector_load %arg9[%swap3A_37, %swap3A_38] {strides = array<i32>} : memref<8x128xf32, #tpu.memory_space<vmem>>, vector<1x16xf32>,
    %swap3A_40 = vector.shape_cast %swap3A_39 : vector<1x16xf32> to vector<16xf32>
    %swap3A_41 = vector.shape_cast %broadcast_in_dim3A_18 : vector<16xf32> to vector<1x16xf32>
    tpu.vector_store %arg9[%swap3A_37, %swap3A_38], %swap3A_41 {strides = array<i32>} : memref<8x128xf32, #tpu.memory_space<vmem>>, vector<1x16xf32>,
    %swap3A_42 = arith.constant 0 : i32
    %swap3A_43 = arith.index_cast %swap3A_42 : i32 to index
    %swap3A_44 = arith.constant 64 : index
    %swap3A_45 = tpu.vector_load %arg9[%swap3A_43, %swap3A_44] {strides = array<i32>} : memref<8x128xf32, #tpu.memory_space<vmem>>, vector<1x16xf32>,
    %swap3A_46 = vector.shape_cast %swap3A_45 : vector<1x16xf32> to vector<16xf32>
    %swap3A_47 = vector.shape_cast %broadcast_in_dim3A_18 : vector<16xf32> to vector<1x16xf32>
    tpu.vector_store %arg9[%swap3A_43, %swap3A_44], %swap3A_47 {strides = array<i32>} : memref<8x128xf32, #tpu.memory_space<vmem>>, vector<1x16xf32>,
    %swap3A_48 = arith.constant 0 : i32
    %swap3A_49 = arith.index_cast %swap3A_48 : i32 to index
    %swap3A_50 = arith.constant 80 : index
    %swap3A_51 = tpu.vector_load %arg9[%swap3A_49, %swap3A_50] {strides = array<i32>} : memref<8x128xf32, #tpu.memory_space<vmem>>, vector<1x16xf32>,
    %swap3A_52 = vector.shape_cast %swap3A_51 : vector<1x16xf32> to vector<16xf32>
    %swap3A_53 = vector.shape_cast %broadcast_in_dim3A_18 : vector<16xf32> to vector<1x16xf32>
    tpu.vector_store %arg9[%swap3A_49, %swap3A_50], %swap3A_53 {strides = array<i32>} : memref<8x128xf32, #tpu.memory_space<vmem>>, vector<1x16xf32>,
    %swap3A_54 = arith.constant 0 : i32
    %swap3A_55 = arith.index_cast %swap3A_54 : i32 to index
    %swap3A_56 = arith.constant 96 : index
    %swap3A_57 = tpu.vector_load %arg9[%swap3A_55, %swap3A_56] {strides = array<i32>} : memref<8x128xf32, #tpu.memory_space<vmem>>, vector<1x16xf32>,
    %swap3A_58 = vector.shape_cast %swap3A_57 : vector<1x16xf32> to vector<16xf32>
    %swap3A_59 = vector.shape_cast %broadcast_in_dim3A_18 : vector<16xf32> to vector<1x16xf32>
    tpu.vector_store %arg9[%swap3A_55, %swap3A_56], %swap3A_59 {strides = array<i32>} : memref<8x128xf32, #tpu.memory_space<vmem>>, vector<1x16xf32>,
    %swap3A_60 = arith.constant 0 : i32
    %swap3A_61 = arith.index_cast %swap3A_60 : i32 to index
    %swap3A_62 = arith.constant 112 : index
    %swap3A_63 = tpu.vector_load %arg9[%swap3A_61, %swap3A_62] {strides = array<i32>} : memref<8x128xf32, #tpu.memory_space<vmem>>, vector<1x16xf32>,
    %swap3A_64 = vector.shape_cast %swap3A_63 : vector<1x16xf32> to vector<16xf32>
    %swap3A_65 = vector.shape_cast %broadcast_in_dim3A_18 : vector<16xf32> to vector<1x16xf32>
    tpu.vector_store %arg9[%swap3A_61, %swap3A_62], %swap3A_65 {strides = array<i32>} : memref<8x128xf32, #tpu.memory_space<vmem>>, vector<1x16xf32>,
    %swap3A_66 = arith.constant 1 : i32
    %swap3A_67 = arith.index_cast %swap3A_66 : i32 to index
    %swap3A_68 = arith.constant 0 : index
    %swap3A_69 = tpu.vector_load %arg9[%swap3A_67, %swap3A_68] {strides = array<i32>} : memref<8x128xf32, #tpu.memory_space<vmem>>, vector<1x16xf32>,
    %swap3A_70 = vector.shape_cast %swap3A_69 : vector<1x16xf32> to vector<16xf32>
    %swap3A_71 = vector.shape_cast %broadcast_in_dim3A_18 : vector<16xf32> to vector<1x16xf32>
    tpu.vector_store %arg9[%swap3A_67, %swap3A_68], %swap3A_71 {strides = array<i32>} : memref<8x128xf32, #tpu.memory_space<vmem>>, vector<1x16xf32>,
    %swap3A_72 = arith.constant 1 : i32
    %swap3A_73 = arith.index_cast %swap3A_72 : i32 to index
    %swap3A_74 = arith.constant 16 : index
    %swap3A_75 = tpu.vector_load %arg9[%swap3A_73, %swap3A_74] {strides = array<i32>} : memref<8x128xf32, #tpu.memory_space<vmem>>, vector<1x16xf32>,
    %swap3A_76 = vector.shape_cast %swap3A_75 : vector<1x16xf32> to vector<16xf32>
    %swap3A_77 = vector.shape_cast %broadcast_in_dim3A_18 : vector<16xf32> to vector<1x16xf32>
    tpu.vector_store %arg9[%swap3A_73, %swap3A_74], %swap3A_77 {strides = array<i32>} : memref<8x128xf32, #tpu.memory_space<vmem>>, vector<1x16xf32>,
    %swap3A_78 = arith.constant 1 : i32
    %swap3A_79 = arith.index_cast %swap3A_78 : i32 to index
    %swap3A_80 = arith.constant 32 : index
    %swap3A_81 = tpu.vector_load %arg9[%swap3A_79, %swap3A_80] {strides = array<i32>} : memref<8x128xf32, #tpu.memory_space<vmem>>, vector<1x16xf32>,
    %swap3A_82 = vector.shape_cast %swap3A_81 : vector<1x16xf32> to vector<16xf32>
    %swap3A_83 = vector.shape_cast %broadcast_in_dim3A_18 : vector<16xf32> to vector<1x16xf32>
    tpu.vector_store %arg9[%swap3A_79, %swap3A_80], %swap3A_83 {strides = array<i32>} : memref<8x128xf32, #tpu.memory_space<vmem>>, vector<1x16xf32>,
    %swap3A_84 = arith.constant 1 : i32
    %swap3A_85 = arith.index_cast %swap3A_84 : i32 to index
    %swap3A_86 = arith.constant 48 : index
    %swap3A_87 = tpu.vector_load %arg9[%swap3A_85, %swap3A_86] {strides = array<i32>} : memref<8x128xf32, #tpu.memory_space<vmem>>, vector<1x16xf32>,
    %swap3A_88 = vector.shape_cast %swap3A_87 : vector<1x16xf32> to vector<16xf32>
    %swap3A_89 = vector.shape_cast %broadcast_in_dim3A_18 : vector<16xf32> to vector<1x16xf32>
    tpu.vector_store %arg9[%swap3A_85, %swap3A_86], %swap3A_89 {strides = array<i32>} : memref<8x128xf32, #tpu.memory_space<vmem>>, vector<1x16xf32>,
    %swap3A_90 = arith.constant 1 : i32
    %swap3A_91 = arith.index_cast %swap3A_90 : i32 to index
    %swap3A_92 = arith.constant 64 : index
    %swap3A_93 = tpu.vector_load %arg9[%swap3A_91, %swap3A_92] {strides = array<i32>} : memref<8x128xf32, #tpu.memory_space<vmem>>, vector<1x16xf32>,
    %swap3A_94 = vector.shape_cast %swap3A_93 : vector<1x16xf32> to vector<16xf32>
    %swap3A_95 = vector.shape_cast %broadcast_in_dim3A_18 : vector<16xf32> to vector<1x16xf32>
    tpu.vector_store %arg9[%swap3A_91, %swap3A_92], %swap3A_95 {strides = array<i32>} : memref<8x128xf32, #tpu.memory_space<vmem>>, vector<1x16xf32>,
    %swap3A_96 = arith.constant 1 : i32
    %swap3A_97 = arith.index_cast %swap3A_96 : i32 to index
    %swap3A_98 = arith.constant 80 : index
    %swap3A_99 = tpu.vector_load %arg9[%swap3A_97, %swap3A_98] {strides = array<i32>} : memref<8x128xf32, #tpu.memory_space<vmem>>, vector<1x16xf32>,
    %swap3A_100 = vector.shape_cast %swap3A_99 : vector<1x16xf32> to vector<16xf32>
    %swap3A_101 = vector.shape_cast %broadcast_in_dim3A_18 : vector<16xf32> to vector<1x16xf32>
    tpu.vector_store %arg9[%swap3A_97, %swap3A_98], %swap3A_101 {strides = array<i32>} : memref<8x128xf32, #tpu.memory_space<vmem>>, vector<1x16xf32>,
    %swap3A_102 = arith.constant 1 : i32
    %swap3A_103 = arith.index_cast %swap3A_102 : i32 to index
    %swap3A_104 = arith.constant 96 : index
    %swap3A_105 = tpu.vector_load %arg9[%swap3A_103, %swap3A_104] {strides = array<i32>} : memref<8x128xf32, #tpu.memory_space<vmem>>, vector<1x16xf32>,
    %swap3A_106 = vector.shape_cast %swap3A_105 : vector<1x16xf32> to vector<16xf32>
    %swap3A_107 = vector.shape_cast %broadcast_in_dim3A_18 : vector<16xf32> to vector<1x16xf32>
    tpu.vector_store %arg9[%swap3A_103, %swap3A_104], %swap3A_107 {strides = array<i32>} : memref<8x128xf32, #tpu.memory_space<vmem>>, vector<1x16xf32>,
    %swap3A_108 = arith.constant 1 : i32
    %swap3A_109 = arith.index_cast %swap3A_108 : i32 to index
    %swap3A_110 = arith.constant 112 : index
    %swap3A_111 = tpu.vector_load %arg9[%swap3A_109, %swap3A_110] {strides = array<i32>} : memref<8x128xf32, #tpu.memory_space<vmem>>, vector<1x16xf32>,
    %swap3A_112 = vector.shape_cast %swap3A_111 : vector<1x16xf32> to vector<16xf32>
    %swap3A_113 = vector.shape_cast %broadcast_in_dim3A_18 : vector<16xf32> to vector<1x16xf32>
    tpu.vector_store %arg9[%swap3A_109, %swap3A_110], %swap3A_113 {strides = array<i32>} : memref<8x128xf32, #tpu.memory_space<vmem>>, vector<1x16xf32>,
    %swap3A_114 = arith.constant 2 : i32
    %swap3A_115 = arith.index_cast %swap3A_114 : i32 to index
    %swap3A_116 = arith.constant 0 : index
    %swap3A_117 = tpu.vector_load %arg9[%swap3A_115, %swap3A_116] {strides = array<i32>} : memref<8x128xf32, #tpu.memory_space<vmem>>, vector<1x16xf32>,
    %swap3A_118 = vector.shape_cast %swap3A_117 : vector<1x16xf32> to vector<16xf32>
    %swap3A_119 = vector.shape_cast %broadcast_in_dim3A_18 : vector<16xf32> to vector<1x16xf32>
    tpu.vector_store %arg9[%swap3A_115, %swap3A_116], %swap3A_119 {strides = array<i32>} : memref<8x128xf32, #tpu.memory_space<vmem>>, vector<1x16xf32>,
    %swap3A_120 = arith.constant 2 : i32
    %swap3A_121 = arith.index_cast %swap3A_120 : i32 to index
    %swap3A_122 = arith.constant 16 : index
    %swap3A_123 = tpu.vector_load %arg9[%swap3A_121, %swap3A_122] {strides = array<i32>} : memref<8x128xf32, #tpu.memory_space<vmem>>, vector<1x16xf32>,
    %swap3A_124 = vector.shape_cast %swap3A_123 : vector<1x16xf32> to vector<16xf32>
    %swap3A_125 = vector.shape_cast %broadcast_in_dim3A_18 : vector<16xf32> to vector<1x16xf32>
    tpu.vector_store %arg9[%swap3A_121, %swap3A_122], %swap3A_125 {strides = array<i32>} : memref<8x128xf32, #tpu.memory_space<vmem>>, vector<1x16xf32>,
    %swap3A_126 = arith.constant 2 : i32
    %swap3A_127 = arith.index_cast %swap3A_126 : i32 to index
    %swap3A_128 = arith.constant 32 : index
    %swap3A_129 = tpu.vector_load %arg9[%swap3A_127, %swap3A_128] {strides = array<i32>} : memref<8x128xf32, #tpu.memory_space<vmem>>, vector<1x16xf32>,
    %swap3A_130 = vector.shape_cast %swap3A_129 : vector<1x16xf32> to vector<16xf32>
    %swap3A_131 = vector.shape_cast %broadcast_in_dim3A_18 : vector<16xf32> to vector<1x16xf32>
    tpu.vector_store %arg9[%swap3A_127, %swap3A_128], %swap3A_131 {strides = array<i32>} : memref<8x128xf32, #tpu.memory_space<vmem>>, vector<1x16xf32>,
    %swap3A_132 = arith.constant 2 : i32
    %swap3A_133 = arith.index_cast %swap3A_132 : i32 to index
    %swap3A_134 = arith.constant 48 : index
    %swap3A_135 = tpu.vector_load %arg9[%swap3A_133, %swap3A_134] {strides = array<i32>} : memref<8x128xf32, #tpu.memory_space<vmem>>, vector<1x16xf32>,
    %swap3A_136 = vector.shape_cast %swap3A_135 : vector<1x16xf32> to vector<16xf32>
    %swap3A_137 = vector.shape_cast %broadcast_in_dim3A_18 : vector<16xf32> to vector<1x16xf32>
    tpu.vector_store %arg9[%swap3A_133, %swap3A_134], %swap3A_137 {strides = array<i32>} : memref<8x128xf32, #tpu.memory_space<vmem>>, vector<1x16xf32>,
    %swap3A_138 = arith.constant 2 : i32
    %swap3A_139 = arith.index_cast %swap3A_138 : i32 to index
    %swap3A_140 = arith.constant 64 : index
    %swap3A_141 = tpu.vector_load %arg9[%swap3A_139, %swap3A_140] {strides = array<i32>} : memref<8x128xf32, #tpu.memory_space<vmem>>, vector<1x16xf32>,
    %swap3A_142 = vector.shape_cast %swap3A_141 : vector<1x16xf32> to vector<16xf32>
    %swap3A_143 = vector.shape_cast %broadcast_in_dim3A_18 : vector<16xf32> to vector<1x16xf32>
    tpu.vector_store %arg9[%swap3A_139, %swap3A_140], %swap3A_143 {strides = array<i32>} : memref<8x128xf32, #tpu.memory_space<vmem>>, vector<1x16xf32>,
    %swap3A_144 = arith.constant 2 : i32
    %swap3A_145 = arith.index_cast %swap3A_144 : i32 to index
    %swap3A_146 = arith.constant 80 : index
    %swap3A_147 = tpu.vector_load %arg9[%swap3A_145, %swap3A_146] {strides = array<i32>} : memref<8x128xf32, #tpu.memory_space<vmem>>, vector<1x16xf32>,
    %swap3A_148 = vector.shape_cast %swap3A_147 : vector<1x16xf32> to vector<16xf32>
    %swap3A_149 = vector.shape_cast %broadcast_in_dim3A_18 : vector<16xf32> to vector<1x16xf32>
    tpu.vector_store %arg9[%swap3A_145, %swap3A_146], %swap3A_149 {strides = array<i32>} : memref<8x128xf32, #tpu.memory_space<vmem>>, vector<1x16xf32>,
    %swap3A_150 = arith.constant 2 : i32
    %swap3A_151 = arith.index_cast %swap3A_150 : i32 to index
    %swap3A_152 = arith.constant 96 : index
    %swap3A_153 = tpu.vector_load %arg9[%swap3A_151, %swap3A_152] {strides = array<i32>} : memref<8x128xf32, #tpu.memory_space<vmem>>, vector<1x16xf32>,
    %swap3A_154 = vector.shape_cast %swap3A_153 : vector<1x16xf32> to vector<16xf32>
    %swap3A_155 = vector.shape_cast %broadcast_in_dim3A_18 : vector<16xf32> to vector<1x16xf32>
    tpu.vector_store %arg9[%swap3A_151, %swap3A_152], %swap3A_155 {strides = array<i32>} : memref<8x128xf32, #tpu.memory_space<vmem>>, vector<1x16xf32>,
    %swap3A_156 = arith.constant 2 : i32
    %swap3A_157 = arith.index_cast %swap3A_156 : i32 to index
    %swap3A_158 = arith.constant 112 : index
    %swap3A_159 = tpu.vector_load %arg9[%swap3A_157, %swap3A_158] {strides = array<i32>} : memref<8x128xf32, #tpu.memory_space<vmem>>, vector<1x16xf32>,
    %swap3A_160 = vector.shape_cast %swap3A_159 : vector<1x16xf32> to vector<16xf32>
    %swap3A_161 = vector.shape_cast %broadcast_in_dim3A_18 : vector<16xf32> to vector<1x16xf32>
    tpu.vector_store %arg9[%swap3A_157, %swap3A_158], %swap3A_161 {strides = array<i32>} : memref<8x128xf32, #tpu.memory_space<vmem>>, vector<1x16xf32>,
    %swap3A_162 = arith.constant 3 : i32
    %swap3A_163 = arith.index_cast %swap3A_162 : i32 to index
    %swap3A_164 = arith.constant 0 : index
    %swap3A_165 = tpu.vector_load %arg9[%swap3A_163, %swap3A_164] {strides = array<i32>} : memref<8x128xf32, #tpu.memory_space<vmem>>, vector<1x16xf32>,
    %swap3A_166 = vector.shape_cast %swap3A_165 : vector<1x16xf32> to vector<16xf32>
    %swap3A_167 = vector.shape_cast %broadcast_in_dim3A_18 : vector<16xf32> to vector<1x16xf32>
    tpu.vector_store %arg9[%swap3A_163, %swap3A_164], %swap3A_167 {strides = array<i32>} : memref<8x128xf32, #tpu.memory_space<vmem>>, vector<1x16xf32>,
    %swap3A_168 = arith.constant 3 : i32
    %swap3A_169 = arith.index_cast %swap3A_168 : i32 to index
    %swap3A_170 = arith.constant 16 : index
    %swap3A_171 = tpu.vector_load %arg9[%swap3A_169, %swap3A_170] {strides = array<i32>} : memref<8x128xf32, #tpu.memory_space<vmem>>, vector<1x16xf32>,
    %swap3A_172 = vector.shape_cast %swap3A_171 : vector<1x16xf32> to vector<16xf32>
    %swap3A_173 = vector.shape_cast %broadcast_in_dim3A_18 : vector<16xf32> to vector<1x16xf32>
    tpu.vector_store %arg9[%swap3A_169, %swap3A_170], %swap3A_173 {strides = array<i32>} : memref<8x128xf32, #tpu.memory_space<vmem>>, vector<1x16xf32>,
    %swap3A_174 = arith.constant 3 : i32
    %swap3A_175 = arith.index_cast %swap3A_174 : i32 to index
    %swap3A_176 = arith.constant 32 : index
    %swap3A_177 = tpu.vector_load %arg9[%swap3A_175, %swap3A_176] {strides = array<i32>} : memref<8x128xf32, #tpu.memory_space<vmem>>, vector<1x16xf32>,
    %swap3A_178 = vector.shape_cast %swap3A_177 : vector<1x16xf32> to vector<16xf32>
    %swap3A_179 = vector.shape_cast %broadcast_in_dim3A_18 : vector<16xf32> to vector<1x16xf32>
    tpu.vector_store %arg9[%swap3A_175, %swap3A_176], %swap3A_179 {strides = array<i32>} : memref<8x128xf32, #tpu.memory_space<vmem>>, vector<1x16xf32>,
    %swap3A_180 = arith.constant 3 : i32
    %swap3A_181 = arith.index_cast %swap3A_180 : i32 to index
    %swap3A_182 = arith.constant 48 : index
    %swap3A_183 = tpu.vector_load %arg9[%swap3A_181, %swap3A_182] {strides = array<i32>} : memref<8x128xf32, #tpu.memory_space<vmem>>, vector<1x16xf32>,
    %swap3A_184 = vector.shape_cast %swap3A_183 : vector<1x16xf32> to vector<16xf32>
    %swap3A_185 = vector.shape_cast %broadcast_in_dim3A_18 : vector<16xf32> to vector<1x16xf32>
    tpu.vector_store %arg9[%swap3A_181, %swap3A_182], %swap3A_185 {strides = array<i32>} : memref<8x128xf32, #tpu.memory_space<vmem>>, vector<1x16xf32>,
    %swap3A_186 = arith.constant 3 : i32
    %swap3A_187 = arith.index_cast %swap3A_186 : i32 to index
    %swap3A_188 = arith.constant 64 : index
    %swap3A_189 = tpu.vector_load %arg9[%swap3A_187, %swap3A_188] {strides = array<i32>} : memref<8x128xf32, #tpu.memory_space<vmem>>, vector<1x16xf32>,
    %swap3A_190 = vector.shape_cast %swap3A_189 : vector<1x16xf32> to vector<16xf32>
    %swap3A_191 = vector.shape_cast %broadcast_in_dim3A_18 : vector<16xf32> to vector<1x16xf32>
    tpu.vector_store %arg9[%swap3A_187, %swap3A_188], %swap3A_191 {strides = array<i32>} : memref<8x128xf32, #tpu.memory_space<vmem>>, vector<1x16xf32>,
    %swap3A_192 = arith.constant 3 : i32
    %swap3A_193 = arith.index_cast %swap3A_192 : i32 to index
    %swap3A_194 = arith.constant 80 : index
    %swap3A_195 = tpu.vector_load %arg9[%swap3A_193, %swap3A_194] {strides = array<i32>} : memref<8x128xf32, #tpu.memory_space<vmem>>, vector<1x16xf32>,
    %swap3A_196 = vector.shape_cast %swap3A_195 : vector<1x16xf32> to vector<16xf32>
    %swap3A_197 = vector.shape_cast %broadcast_in_dim3A_18 : vector<16xf32> to vector<1x16xf32>
    tpu.vector_store %arg9[%swap3A_193, %swap3A_194], %swap3A_197 {strides = array<i32>} : memref<8x128xf32, #tpu.memory_space<vmem>>, vector<1x16xf32>,
    %swap3A_198 = arith.constant 3 : i32
    %swap3A_199 = arith.index_cast %swap3A_198 : i32 to index
    %swap3A_200 = arith.constant 96 : index
    %swap3A_201 = tpu.vector_load %arg9[%swap3A_199, %swap3A_200] {strides = array<i32>} : memref<8x128xf32, #tpu.memory_space<vmem>>, vector<1x16xf32>,
    %swap3A_202 = vector.shape_cast %swap3A_201 : vector<1x16xf32> to vector<16xf32>
    %swap3A_203 = vector.shape_cast %broadcast_in_dim3A_18 : vector<16xf32> to vector<1x16xf32>
    tpu.vector_store %arg9[%swap3A_199, %swap3A_200], %swap3A_203 {strides = array<i32>} : memref<8x128xf32, #tpu.memory_space<vmem>>, vector<1x16xf32>,
    %swap3A_204 = arith.constant 3 : i32
    %swap3A_205 = arith.index_cast %swap3A_204 : i32 to index
    %swap3A_206 = arith.constant 112 : index
    %swap3A_207 = tpu.vector_load %arg9[%swap3A_205, %swap3A_206] {strides = array<i32>} : memref<8x128xf32, #tpu.memory_space<vmem>>, vector<1x16xf32>,
    %swap3A_208 = vector.shape_cast %swap3A_207 : vector<1x16xf32> to vector<16xf32>
    %swap3A_209 = vector.shape_cast %broadcast_in_dim3A_18 : vector<16xf32> to vector<1x16xf32>
    tpu.vector_store %arg9[%swap3A_205, %swap3A_206], %swap3A_209 {strides = array<i32>} : memref<8x128xf32, #tpu.memory_space<vmem>>, vector<1x16xf32>,
    %swap3A_210 = arith.constant 4 : i32
    %swap3A_211 = arith.index_cast %swap3A_210 : i32 to index
    %swap3A_212 = arith.constant 0 : index
    %swap3A_213 = tpu.vector_load %arg9[%swap3A_211, %swap3A_212] {strides = array<i32>} : memref<8x128xf32, #tpu.memory_space<vmem>>, vector<1x16xf32>,
    %swap3A_214 = vector.shape_cast %swap3A_213 : vector<1x16xf32> to vector<16xf32>
    %swap3A_215 = vector.shape_cast %broadcast_in_dim3A_18 : vector<16xf32> to vector<1x16xf32>
    tpu.vector_store %arg9[%swap3A_211, %swap3A_212], %swap3A_215 {strides = array<i32>} : memref<8x128xf32, #tpu.memory_space<vmem>>, vector<1x16xf32>,
    %swap3A_216 = arith.constant 4 : i32
    %swap3A_217 = arith.index_cast %swap3A_216 : i32 to index
    %swap3A_218 = arith.constant 16 : index
    %swap3A_219 = tpu.vector_load %arg9[%swap3A_217, %swap3A_218] {strides = array<i32>} : memref<8x128xf32, #tpu.memory_space<vmem>>, vector<1x16xf32>,
    %swap3A_220 = vector.shape_cast %swap3A_219 : vector<1x16xf32> to vector<16xf32>
    %swap3A_221 = vector.shape_cast %broadcast_in_dim3A_18 : vector<16xf32> to vector<1x16xf32>
    tpu.vector_store %arg9[%swap3A_217, %swap3A_218], %swap3A_221 {strides = array<i32>} : memref<8x128xf32, #tpu.memory_space<vmem>>, vector<1x16xf32>,
    %swap3A_222 = arith.constant 4 : i32
    %swap3A_223 = arith.index_cast %swap3A_222 : i32 to index
    %swap3A_224 = arith.constant 32 : index
    %swap3A_225 = tpu.vector_load %arg9[%swap3A_223, %swap3A_224] {strides = array<i32>} : memref<8x128xf32, #tpu.memory_space<vmem>>, vector<1x16xf32>,
    %swap3A_226 = vector.shape_cast %swap3A_225 : vector<1x16xf32> to vector<16xf32>
    %swap3A_227 = vector.shape_cast %broadcast_in_dim3A_18 : vector<16xf32> to vector<1x16xf32>
    tpu.vector_store %arg9[%swap3A_223, %swap3A_224], %swap3A_227 {strides = array<i32>} : memref<8x128xf32, #tpu.memory_space<vmem>>, vector<1x16xf32>,
    %swap3A_228 = arith.constant 4 : i32
    %swap3A_229 = arith.index_cast %swap3A_228 : i32 to index
    %swap3A_230 = arith.constant 48 : index
    %swap3A_231 = tpu.vector_load %arg9[%swap3A_229, %swap3A_230] {strides = array<i32>} : memref<8x128xf32, #tpu.memory_space<vmem>>, vector<1x16xf32>,
    %swap3A_232 = vector.shape_cast %swap3A_231 : vector<1x16xf32> to vector<16xf32>
    %swap3A_233 = vector.shape_cast %broadcast_in_dim3A_18 : vector<16xf32> to vector<1x16xf32>
    tpu.vector_store %arg9[%swap3A_229, %swap3A_230], %swap3A_233 {strides = array<i32>} : memref<8x128xf32, #tpu.memory_space<vmem>>, vector<1x16xf32>,
    %swap3A_234 = arith.constant 4 : i32
    %swap3A_235 = arith.index_cast %swap3A_234 : i32 to index
    %swap3A_236 = arith.constant 64 : index
    %swap3A_237 = tpu.vector_load %arg9[%swap3A_235, %swap3A_236] {strides = array<i32>} : memref<8x128xf32, #tpu.memory_space<vmem>>, vector<1x16xf32>,
    %swap3A_238 = vector.shape_cast %swap3A_237 : vector<1x16xf32> to vector<16xf32>
    %swap3A_239 = vector.shape_cast %broadcast_in_dim3A_18 : vector<16xf32> to vector<1x16xf32>
    tpu.vector_store %arg9[%swap3A_235, %swap3A_236], %swap3A_239 {strides = array<i32>} : memref<8x128xf32, #tpu.memory_space<vmem>>, vector<1x16xf32>,
    %swap3A_240 = arith.constant 4 : i32
    %swap3A_241 = arith.index_cast %swap3A_240 : i32 to index
    %swap3A_242 = arith.constant 80 : index
    %swap3A_243 = tpu.vector_load %arg9[%swap3A_241, %swap3A_242] {strides = array<i32>} : memref<8x128xf32, #tpu.memory_space<vmem>>, vector<1x16xf32>,
    %swap3A_244 = vector.shape_cast %swap3A_243 : vector<1x16xf32> to vector<16xf32>
    %swap3A_245 = vector.shape_cast %broadcast_in_dim3A_18 : vector<16xf32> to vector<1x16xf32>
    tpu.vector_store %arg9[%swap3A_241, %swap3A_242], %swap3A_245 {strides = array<i32>} : memref<8x128xf32, #tpu.memory_space<vmem>>, vector<1x16xf32>,
    %swap3A_246 = arith.constant 4 : i32
    %swap3A_247 = arith.index_cast %swap3A_246 : i32 to index
    %swap3A_248 = arith.constant 96 : index
    %swap3A_249 = tpu.vector_load %arg9[%swap3A_247, %swap3A_248] {strides = array<i32>} : memref<8x128xf32, #tpu.memory_space<vmem>>, vector<1x16xf32>,
    %swap3A_250 = vector.shape_cast %swap3A_249 : vector<1x16xf32> to vector<16xf32>
    %swap3A_251 = vector.shape_cast %broadcast_in_dim3A_18 : vector<16xf32> to vector<1x16xf32>
    tpu.vector_store %arg9[%swap3A_247, %swap3A_248], %swap3A_251 {strides = array<i32>} : memref<8x128xf32, #tpu.memory_space<vmem>>, vector<1x16xf32>,
    %swap3A_252 = arith.constant 4 : i32
    %swap3A_253 = arith.index_cast %swap3A_252 : i32 to index
    %swap3A_254 = arith.constant 112 : index
    %swap3A_255 = tpu.vector_load %arg9[%swap3A_253, %swap3A_254] {strides = array<i32>} : memref<8x128xf32, #tpu.memory_space<vmem>>, vector<1x16xf32>,
    %swap3A_256 = vector.shape_cast %swap3A_255 : vector<1x16xf32> to vector<16xf32>
    %swap3A_257 = vector.shape_cast %broadcast_in_dim3A_18 : vector<16xf32> to vector<1x16xf32>
    tpu.vector_store %arg9[%swap3A_253, %swap3A_254], %swap3A_257 {strides = array<i32>} : memref<8x128xf32, #tpu.memory_space<vmem>>, vector<1x16xf32>,
    %swap3A_258 = arith.constant 5 : i32
    %swap3A_259 = arith.index_cast %swap3A_258 : i32 to index
    %swap3A_260 = arith.constant 0 : index
    %swap3A_261 = tpu.vector_load %arg9[%swap3A_259, %swap3A_260] {strides = array<i32>} : memref<8x128xf32, #tpu.memory_space<vmem>>, vector<1x16xf32>,
    %swap3A_262 = vector.shape_cast %swap3A_261 : vector<1x16xf32> to vector<16xf32>
    %swap3A_263 = vector.shape_cast %broadcast_in_dim3A_18 : vector<16xf32> to vector<1x16xf32>
    tpu.vector_store %arg9[%swap3A_259, %swap3A_260], %swap3A_263 {strides = array<i32>} : memref<8x128xf32, #tpu.memory_space<vmem>>, vector<1x16xf32>,
    %swap3A_264 = arith.constant 5 : i32
    %swap3A_265 = arith.index_cast %swap3A_264 : i32 to index
    %swap3A_266 = arith.constant 16 : index
    %swap3A_267 = tpu.vector_load %arg9[%swap3A_265, %swap3A_266] {strides = array<i32>} : memref<8x128xf32, #tpu.memory_space<vmem>>, vector<1x16xf32>,
    %swap3A_268 = vector.shape_cast %swap3A_267 : vector<1x16xf32> to vector<16xf32>
    %swap3A_269 = vector.shape_cast %broadcast_in_dim3A_18 : vector<16xf32> to vector<1x16xf32>
    tpu.vector_store %arg9[%swap3A_265, %swap3A_266], %swap3A_269 {strides = array<i32>} : memref<8x128xf32, #tpu.memory_space<vmem>>, vector<1x16xf32>,
    %swap3A_270 = arith.constant 5 : i32
    %swap3A_271 = arith.index_cast %swap3A_270 : i32 to index
    %swap3A_272 = arith.constant 32 : index
    %swap3A_273 = tpu.vector_load %arg9[%swap3A_271, %swap3A_272] {strides = array<i32>} : memref<8x128xf32, #tpu.memory_space<vmem>>, vector<1x16xf32>,
    %swap3A_274 = vector.shape_cast %swap3A_273 : vector<1x16xf32> to vector<16xf32>
    %swap3A_275 = vector.shape_cast %broadcast_in_dim3A_18 : vector<16xf32> to vector<1x16xf32>
    tpu.vector_store %arg9[%swap3A_271, %swap3A_272], %swap3A_275 {strides = array<i32>} : memref<8x128xf32, #tpu.memory_space<vmem>>, vector<1x16xf32>,
    %swap3A_276 = arith.constant 5 : i32
    %swap3A_277 = arith.index_cast %swap3A_276 : i32 to index
    %swap3A_278 = arith.constant 48 : index
    %swap3A_279 = tpu.vector_load %arg9[%swap3A_277, %swap3A_278] {strides = array<i32>} : memref<8x128xf32, #tpu.memory_space<vmem>>, vector<1x16xf32>,
    %swap3A_280 = vector.shape_cast %swap3A_279 : vector<1x16xf32> to vector<16xf32>
    %swap3A_281 = vector.shape_cast %broadcast_in_dim3A_18 : vector<16xf32> to vector<1x16xf32>
    tpu.vector_store %arg9[%swap3A_277, %swap3A_278], %swap3A_281 {strides = array<i32>} : memref<8x128xf32, #tpu.memory_space<vmem>>, vector<1x16xf32>,
    %swap3A_282 = arith.constant 5 : i32
    %swap3A_283 = arith.index_cast %swap3A_282 : i32 to index
    %swap3A_284 = arith.constant 64 : index
    %swap3A_285 = tpu.vector_load %arg9[%swap3A_283, %swap3A_284] {strides = array<i32>} : memref<8x128xf32, #tpu.memory_space<vmem>>, vector<1x16xf32>,
    %swap3A_286 = vector.shape_cast %swap3A_285 : vector<1x16xf32> to vector<16xf32>
    %swap3A_287 = vector.shape_cast %broadcast_in_dim3A_18 : vector<16xf32> to vector<1x16xf32>
    tpu.vector_store %arg9[%swap3A_283, %swap3A_284], %swap3A_287 {strides = array<i32>} : memref<8x128xf32, #tpu.memory_space<vmem>>, vector<1x16xf32>,
    %swap3A_288 = arith.constant 5 : i32
    %swap3A_289 = arith.index_cast %swap3A_288 : i32 to index
    %swap3A_290 = arith.constant 80 : index
    %swap3A_291 = tpu.vector_load %arg9[%swap3A_289, %swap3A_290] {strides = array<i32>} : memref<8x128xf32, #tpu.memory_space<vmem>>, vector<1x16xf32>,
    %swap3A_292 = vector.shape_cast %swap3A_291 : vector<1x16xf32> to vector<16xf32>
    %swap3A_293 = vector.shape_cast %broadcast_in_dim3A_18 : vector<16xf32> to vector<1x16xf32>
    tpu.vector_store %arg9[%swap3A_289, %swap3A_290], %swap3A_293 {strides = array<i32>} : memref<8x128xf32, #tpu.memory_space<vmem>>, vector<1x16xf32>,
    %swap3A_294 = arith.constant 5 : i32
    %swap3A_295 = arith.index_cast %swap3A_294 : i32 to index
    %swap3A_296 = arith.constant 96 : index
    %swap3A_297 = tpu.vector_load %arg9[%swap3A_295, %swap3A_296] {strides = array<i32>} : memref<8x128xf32, #tpu.memory_space<vmem>>, vector<1x16xf32>,
    %swap3A_298 = vector.shape_cast %swap3A_297 : vector<1x16xf32> to vector<16xf32>
    %swap3A_299 = vector.shape_cast %broadcast_in_dim3A_18 : vector<16xf32> to vector<1x16xf32>
    tpu.vector_store %arg9[%swap3A_295, %swap3A_296], %swap3A_299 {strides = array<i32>} : memref<8x128xf32, #tpu.memory_space<vmem>>, vector<1x16xf32>,
    %swap3A_300 = arith.constant 5 : i32
    %swap3A_301 = arith.index_cast %swap3A_300 : i32 to index
    %swap3A_302 = arith.constant 112 : index
    %swap3A_303 = tpu.vector_load %arg9[%swap3A_301, %swap3A_302] {strides = array<i32>} : memref<8x128xf32, #tpu.memory_space<vmem>>, vector<1x16xf32>,
    %swap3A_304 = vector.shape_cast %swap3A_303 : vector<1x16xf32> to vector<16xf32>
    %swap3A_305 = vector.shape_cast %broadcast_in_dim3A_18 : vector<16xf32> to vector<1x16xf32>
    tpu.vector_store %arg9[%swap3A_301, %swap3A_302], %swap3A_305 {strides = array<i32>} : memref<8x128xf32, #tpu.memory_space<vmem>>, vector<1x16xf32>,
    %swap3A_306 = arith.constant 6 : i32
    %swap3A_307 = arith.index_cast %swap3A_306 : i32 to index
    %swap3A_308 = arith.constant 0 : index
    %swap3A_309 = tpu.vector_load %arg9[%swap3A_307, %swap3A_308] {strides = array<i32>} : memref<8x128xf32, #tpu.memory_space<vmem>>, vector<1x16xf32>,
    %swap3A_310 = vector.shape_cast %swap3A_309 : vector<1x16xf32> to vector<16xf32>
    %swap3A_311 = vector.shape_cast %broadcast_in_dim3A_18 : vector<16xf32> to vector<1x16xf32>
    tpu.vector_store %arg9[%swap3A_307, %swap3A_308], %swap3A_311 {strides = array<i32>} : memref<8x128xf32, #tpu.memory_space<vmem>>, vector<1x16xf32>,
    %swap3A_312 = arith.constant 6 : i32
    %swap3A_313 = arith.index_cast %swap3A_312 : i32 to index
    %swap3A_314 = arith.constant 16 : index
    %swap3A_315 = tpu.vector_load %arg9[%swap3A_313, %swap3A_314] {strides = array<i32>} : memref<8x128xf32, #tpu.memory_space<vmem>>, vector<1x16xf32>,
    %swap3A_316 = vector.shape_cast %swap3A_315 : vector<1x16xf32> to vector<16xf32>
    %swap3A_317 = vector.shape_cast %broadcast_in_dim3A_18 : vector<16xf32> to vector<1x16xf32>
    tpu.vector_store %arg9[%swap3A_313, %swap3A_314], %swap3A_317 {strides = array<i32>} : memref<8x128xf32, #tpu.memory_space<vmem>>, vector<1x16xf32>,
    %swap3A_318 = arith.constant 6 : i32
    %swap3A_319 = arith.index_cast %swap3A_318 : i32 to index
    %swap3A_320 = arith.constant 32 : index
    %swap3A_321 = tpu.vector_load %arg9[%swap3A_319, %swap3A_320] {strides = array<i32>} : memref<8x128xf32, #tpu.memory_space<vmem>>, vector<1x16xf32>,
    %swap3A_322 = vector.shape_cast %swap3A_321 : vector<1x16xf32> to vector<16xf32>
    %swap3A_323 = vector.shape_cast %broadcast_in_dim3A_18 : vector<16xf32> to vector<1x16xf32>
    tpu.vector_store %arg9[%swap3A_319, %swap3A_320], %swap3A_323 {strides = array<i32>} : memref<8x128xf32, #tpu.memory_space<vmem>>, vector<1x16xf32>,
    %swap3A_324 = arith.constant 6 : i32
    %swap3A_325 = arith.index_cast %swap3A_324 : i32 to index
    %swap3A_326 = arith.constant 48 : index
    %swap3A_327 = tpu.vector_load %arg9[%swap3A_325, %swap3A_326] {strides = array<i32>} : memref<8x128xf32, #tpu.memory_space<vmem>>, vector<1x16xf32>,
    %swap3A_328 = vector.shape_cast %swap3A_327 : vector<1x16xf32> to vector<16xf32>
    %swap3A_329 = vector.shape_cast %broadcast_in_dim3A_18 : vector<16xf32> to vector<1x16xf32>
    tpu.vector_store %arg9[%swap3A_325, %swap3A_326], %swap3A_329 {strides = array<i32>} : memref<8x128xf32, #tpu.memory_space<vmem>>, vector<1x16xf32>,
    %swap3A_330 = arith.constant 6 : i32
    %swap3A_331 = arith.index_cast %swap3A_330 : i32 to index
    %swap3A_332 = arith.constant 64 : index
    %swap3A_333 = tpu.vector_load %arg9[%swap3A_331, %swap3A_332] {strides = array<i32>} : memref<8x128xf32, #tpu.memory_space<vmem>>, vector<1x16xf32>,
    %swap3A_334 = vector.shape_cast %swap3A_333 : vector<1x16xf32> to vector<16xf32>
    %swap3A_335 = vector.shape_cast %broadcast_in_dim3A_18 : vector<16xf32> to vector<1x16xf32>
    tpu.vector_store %arg9[%swap3A_331, %swap3A_332], %swap3A_335 {strides = array<i32>} : memref<8x128xf32, #tpu.memory_space<vmem>>, vector<1x16xf32>,
    %swap3A_336 = arith.constant 6 : i32
    %swap3A_337 = arith.index_cast %swap3A_336 : i32 to index
    %swap3A_338 = arith.constant 80 : index
    %swap3A_339 = tpu.vector_load %arg9[%swap3A_337, %swap3A_338] {strides = array<i32>} : memref<8x128xf32, #tpu.memory_space<vmem>>, vector<1x16xf32>,
    %swap3A_340 = vector.shape_cast %swap3A_339 : vector<1x16xf32> to vector<16xf32>
    %swap3A_341 = vector.shape_cast %broadcast_in_dim3A_18 : vector<16xf32> to vector<1x16xf32>
    tpu.vector_store %arg9[%swap3A_337, %swap3A_338], %swap3A_341 {strides = array<i32>} : memref<8x128xf32, #tpu.memory_space<vmem>>, vector<1x16xf32>,
    %swap3A_342 = arith.constant 6 : i32
    %swap3A_343 = arith.index_cast %swap3A_342 : i32 to index
    %swap3A_344 = arith.constant 96 : index
    %swap3A_345 = tpu.vector_load %arg9[%swap3A_343, %swap3A_344] {strides = array<i32>} : memref<8x128xf32, #tpu.memory_space<vmem>>, vector<1x16xf32>,
    %swap3A_346 = vector.shape_cast %swap3A_345 : vector<1x16xf32> to vector<16xf32>
    %swap3A_347 = vector.shape_cast %broadcast_in_dim3A_18 : vector<16xf32> to vector<1x16xf32>
    tpu.vector_store %arg9[%swap3A_343, %swap3A_344], %swap3A_347 {strides = array<i32>} : memref<8x128xf32, #tpu.memory_space<vmem>>, vector<1x16xf32>,
    %swap3A_348 = arith.constant 6 : i32
    %swap3A_349 = arith.index_cast %swap3A_348 : i32 to index
    %swap3A_350 = arith.constant 112 : index
    %swap3A_351 = tpu.vector_load %arg9[%swap3A_349, %swap3A_350] {strides = array<i32>} : memref<8x128xf32, #tpu.memory_space<vmem>>, vector<1x16xf32>,
    %swap3A_352 = vector.shape_cast %swap3A_351 : vector<1x16xf32> to vector<16xf32>
    %swap3A_353 = vector.shape_cast %broadcast_in_dim3A_18 : vector<16xf32> to vector<1x16xf32>
    tpu.vector_store %arg9[%swap3A_349, %swap3A_350], %swap3A_353 {strides = array<i32>} : memref<8x128xf32, #tpu.memory_space<vmem>>, vector<1x16xf32>,
    %swap3A_354 = arith.constant 7 : i32
    %swap3A_355 = arith.index_cast %swap3A_354 : i32 to index
    %swap3A_356 = arith.constant 0 : index
    %swap3A_357 = tpu.vector_load %arg9[%swap3A_355, %swap3A_356] {strides = array<i32>} : memref<8x128xf32, #tpu.memory_space<vmem>>, vector<1x16xf32>,
    %swap3A_358 = vector.shape_cast %swap3A_357 : vector<1x16xf32> to vector<16xf32>
    %swap3A_359 = vector.shape_cast %broadcast_in_dim3A_18 : vector<16xf32> to vector<1x16xf32>
    tpu.vector_store %arg9[%swap3A_355, %swap3A_356], %swap3A_359 {strides = array<i32>} : memref<8x128xf32, #tpu.memory_space<vmem>>, vector<1x16xf32>,
    %swap3A_360 = arith.constant 7 : i32
    %swap3A_361 = arith.index_cast %swap3A_360 : i32 to index
    %swap3A_362 = arith.constant 16 : index
    %swap3A_363 = tpu.vector_load %arg9[%swap3A_361, %swap3A_362] {strides = array<i32>} : memref<8x128xf32, #tpu.memory_space<vmem>>, vector<1x16xf32>,
    %swap3A_364 = vector.shape_cast %swap3A_363 : vector<1x16xf32> to vector<16xf32>
    %swap3A_365 = vector.shape_cast %broadcast_in_dim3A_18 : vector<16xf32> to vector<1x16xf32>
    tpu.vector_store %arg9[%swap3A_361, %swap3A_362], %swap3A_365 {strides = array<i32>} : memref<8x128xf32, #tpu.memory_space<vmem>>, vector<1x16xf32>,
    %swap3A_366 = arith.constant 7 : i32
    %swap3A_367 = arith.index_cast %swap3A_366 : i32 to index
    %swap3A_368 = arith.constant 32 : index
    %swap3A_369 = tpu.vector_load %arg9[%swap3A_367, %swap3A_368] {strides = array<i32>} : memref<8x128xf32, #tpu.memory_space<vmem>>, vector<1x16xf32>,
    %swap3A_370 = vector.shape_cast %swap3A_369 : vector<1x16xf32> to vector<16xf32>
    %swap3A_371 = vector.shape_cast %broadcast_in_dim3A_18 : vector<16xf32> to vector<1x16xf32>
    tpu.vector_store %arg9[%swap3A_367, %swap3A_368], %swap3A_371 {strides = array<i32>} : memref<8x128xf32, #tpu.memory_space<vmem>>, vector<1x16xf32>,
    %swap3A_372 = arith.constant 7 : i32
    %swap3A_373 = arith.index_cast %swap3A_372 : i32 to index
    %swap3A_374 = arith.constant 48 : index
    %swap3A_375 = tpu.vector_load %arg9[%swap3A_373, %swap3A_374] {strides = array<i32>} : memref<8x128xf32, #tpu.memory_space<vmem>>, vector<1x16xf32>,
    %swap3A_376 = vector.shape_cast %swap3A_375 : vector<1x16xf32> to vector<16xf32>
    %swap3A_377 = vector.shape_cast %broadcast_in_dim3A_18 : vector<16xf32> to vector<1x16xf32>
    tpu.vector_store %arg9[%swap3A_373, %swap3A_374], %swap3A_377 {strides = array<i32>} : memref<8x128xf32, #tpu.memory_space<vmem>>, vector<1x16xf32>,
    %swap3A_378 = arith.constant 7 : i32
    %swap3A_379 = arith.index_cast %swap3A_378 : i32 to index
    %swap3A_380 = arith.constant 64 : index
    %swap3A_381 = tpu.vector_load %arg9[%swap3A_379, %swap3A_380] {strides = array<i32>} : memref<8x128xf32, #tpu.memory_space<vmem>>, vector<1x16xf32>,
    %swap3A_382 = vector.shape_cast %swap3A_381 : vector<1x16xf32> to vector<16xf32>
    %swap3A_383 = vector.shape_cast %broadcast_in_dim3A_18 : vector<16xf32> to vector<1x16xf32>
    tpu.vector_store %arg9[%swap3A_379, %swap3A_380], %swap3A_383 {strides = array<i32>} : memref<8x128xf32, #tpu.memory_space<vmem>>, vector<1x16xf32>,
    %swap3A_384 = arith.constant 7 : i32
    %swap3A_385 = arith.index_cast %swap3A_384 : i32 to index
    %swap3A_386 = arith.constant 80 : index
    %swap3A_387 = tpu.vector_load %arg9[%swap3A_385, %swap3A_386] {strides = array<i32>} : memref<8x128xf32, #tpu.memory_space<vmem>>, vector<1x16xf32>,
    %swap3A_388 = vector.shape_cast %swap3A_387 : vector<1x16xf32> to vector<16xf32>
    %swap3A_389 = vector.shape_cast %broadcast_in_dim3A_18 : vector<16xf32> to vector<1x16xf32>
    tpu.vector_store %arg9[%swap3A_385, %swap3A_386], %swap3A_389 {strides = array<i32>} : memref<8x128xf32, #tpu.memory_space<vmem>>, vector<1x16xf32>,
    %swap3A_390 = arith.constant 7 : i32
    %swap3A_391 = arith.index_cast %swap3A_390 : i32 to index
    %swap3A_392 = arith.constant 96 : index
    %swap3A_393 = tpu.vector_load %arg9[%swap3A_391, %swap3A_392] {strides = array<i32>} : memref<8x128xf32, #tpu.memory_space<vmem>>, vector<1x16xf32>,
    %swap3A_394 = vector.shape_cast %swap3A_393 : vector<1x16xf32> to vector<16xf32>
    %swap3A_395 = vector.shape_cast %broadcast_in_dim3A_18 : vector<16xf32> to vector<1x16xf32>
    tpu.vector_store %arg9[%swap3A_391, %swap3A_392], %swap3A_395 {strides = array<i32>} : memref<8x128xf32, #tpu.memory_space<vmem>>, vector<1x16xf32>,
    %swap3A_396 = arith.constant 7 : i32
    %swap3A_397 = arith.index_cast %swap3A_396 : i32 to index
    %swap3A_398 = arith.constant 112 : index
    %swap3A_399 = tpu.vector_load %arg9[%swap3A_397, %swap3A_398] {strides = array<i32>} : memref<8x128xf32, #tpu.memory_space<vmem>>, vector<1x16xf32>,
    %swap3A_400 = vector.shape_cast %swap3A_399 : vector<1x16xf32> to vector<16xf32>
    %swap3A_401 = vector.shape_cast %broadcast_in_dim3A_18 : vector<16xf32> to vector<1x16xf32>
    tpu.vector_store %arg9[%swap3A_397, %swap3A_398], %swap3A_401 {strides = array<i32>} : memref<8x128xf32, #tpu.memory_space<vmem>>, vector<1x16xf32>,
    %scan3A = arith.constant 0 : i32
    %scan3A_402 = arith.constant 0 : i32
    %scan3A_403 = arith.constant 79 : i32
    %scan3A_404 = arith.addi %scan3A_402, %scan3A_403 : i32
    %scan3A_405 = arith.constant 1 : i32
    scf.for %scan3A_491 = %scan3A_402 to %scan3A_404 step %scan3A_405  : i32 {
      %mul3A_492 = arith.constant 8 : i32
      %mul3A_493 = arith.muli %scan3A_491, %mul3A_492 : i32
      %add3A_494 = arith.addi %mul3A_2, %mul3A_493 : i32
      %dma_start3A_495 = arith.constant 0 : i32
      %dma_start3A_496 = tpu.memref_slice %arg10[%add3A_494, %dma_start3A_495] : memref<10112x128xf32, #tpu.memory_space<vmem_shared>> -> memref<8x128xf32, #tpu.memory_space<vmem_shared>>
      %dma_start3A_497 = arith.constant 0 : i32
      %dma_start3A_498 = tpu.memref_slice %arg10[%add3A_494, %dma_start3A_497] : memref<10112x128xf32, #tpu.memory_space<vmem_shared>> -> memref<8x128xf32, #tpu.memory_space<vmem_shared>>
      tpu.enqueue_dma source(%arg9 : memref<8x128xf32, #tpu.memory_space<vmem>>) target(%dma_start3A_498 : memref<8x128xf32, #tpu.memory_space<vmem_shared>>) target_semaphore(%arg13 : memref<!tpu.dma_semaphore, #tpu.memory_space<semaphore_mem>>)
    }
    %scan3A_406 = arith.constant 79 : i32
    %dma_wait3A = arith.constant 0 : i32
    %dma_wait3A_407 = tpu.memref_slice %arg10[%mul3A_2, %dma_wait3A] : memref<10112x128xf32, #tpu.memory_space<vmem_shared>> -> memref<632x128xf32, #tpu.memory_space<vmem_shared>>
    %dma_wait3A_408 = arith.constant 0 : i32
    %dma_wait3A_409 = arith.constant 0 : i32
    %dma_wait3A_410 = tpu.memref_slice %arg2[%dma_wait3A_408, %dma_wait3A_409] : memref<10112x128xf32, #tpu.memory_space<hbm>> -> memref<632x128xf32, #tpu.memory_space<hbm>>
    tpu.wait_dma2 semaphore(%arg13 : memref<!tpu.dma_semaphore, #tpu.memory_space<semaphore_mem>>) src(%dma_wait3A_410 : memref<632x128xf32, #tpu.memory_space<hbm>>) dst(%dma_wait3A_407 : memref<632x128xf32, #tpu.memory_space<vmem_shared>>)
    %dma_wait3A_411 = arith.constant 0 : i32
    %dma_wait3A_412 = arith.constant 0 : i32
    %dma_wait3A_413 = tpu.memref_slice %arg3[%add3A, %dma_wait3A_411, %dma_wait3A_412] : memref<32x40x128xi32, #tpu.memory_space<hbm>> -> memref<1x40x128xi32, #tpu.memory_space<hbm>>
    %dma_wait3A_414 = tpu.memref_squeeze %dma_wait3A_413 : memref<1x40x128xi32, #tpu.memory_space<hbm>> -> memref<40x128xi32, #tpu.memory_space<hbm>>
    %dma_wait3A_415 = arith.constant 0 : i32
    %dma_wait3A_416 = arith.constant 0 : i32
    %dma_wait3A_417 = tpu.memref_slice %arg3[%add3A, %dma_wait3A_415, %dma_wait3A_416] : memref<32x40x128xi32, #tpu.memory_space<hbm>> -> memref<1x40x128xi32, #tpu.memory_space<hbm>>
    %dma_wait3A_418 = tpu.memref_squeeze %dma_wait3A_417 : memref<1x40x128xi32, #tpu.memory_space<hbm>> -> memref<40x128xi32, #tpu.memory_space<hbm>>
    tpu.wait_dma2 semaphore(%arg14 : memref<!tpu.dma_semaphore, #tpu.memory_space<semaphore_mem>>) src(%dma_wait3A_418 : memref<40x128xi32, #tpu.memory_space<hbm>>) dst(%arg6 : memref<40x128xi32, #tpu.memory_space<vmem>>)
    %dma_wait3A_419 = arith.constant 0 : i32
    %dma_wait3A_420 = arith.constant 0 : i32
    %dma_wait3A_421 = tpu.memref_slice %arg4[%add3A, %dma_wait3A_419, %dma_wait3A_420] : memref<32x40x128xi32, #tpu.memory_space<hbm>> -> memref<1x40x128xi32, #tpu.memory_space<hbm>>
    %dma_wait3A_422 = tpu.memref_squeeze %dma_wait3A_421 : memref<1x40x128xi32, #tpu.memory_space<hbm>> -> memref<40x128xi32, #tpu.memory_space<hbm>>
    %dma_wait3A_423 = arith.constant 0 : i32
    %dma_wait3A_424 = arith.constant 0 : i32
    %dma_wait3A_425 = tpu.memref_slice %arg4[%add3A, %dma_wait3A_423, %dma_wait3A_424] : memref<32x40x128xi32, #tpu.memory_space<hbm>> -> memref<1x40x128xi32, #tpu.memory_space<hbm>>
    %dma_wait3A_426 = tpu.memref_squeeze %dma_wait3A_425 : memref<1x40x128xi32, #tpu.memory_space<hbm>> -> memref<40x128xi32, #tpu.memory_space<hbm>>
    tpu.wait_dma2 semaphore(%arg14 : memref<!tpu.dma_semaphore, #tpu.memory_space<semaphore_mem>>) src(%dma_wait3A_426 : memref<40x128xi32, #tpu.memory_space<hbm>>) dst(%arg7 : memref<40x128xi32, #tpu.memory_space<vmem>>)
    %dma_start3A_427 = arith.constant 0 : i32
    %dma_start3A_428 = arith.constant 0 : i32
    %dma_start3A_429 = arith.constant 0 : i32
    %dma_start3A_430 = arith.constant 0 : i32
    %dma_start3A_431 = tpu.memref_slice %arg8[%dma_start3A_428, %dma_start3A_429, %dma_start3A_430] : memref<2x128x128xf32, #tpu.memory_space<vmem>> -> memref<1x128x128xf32, #tpu.memory_space<vmem>>
    %dma_start3A_432 = tpu.memref_squeeze %dma_start3A_431 : memref<1x128x128xf32, #tpu.memory_space<vmem>> -> memref<128x128xf32, #tpu.memory_space<vmem>>
    %dma_start3A_433 = arith.constant 0 : i32
    %dma_start3A_434 = tpu.memref_slice %arg6[%dma_start3A_427, %dma_start3A_433] : memref<40x128xi32, #tpu.memory_space<vmem>> -> memref<1x128xi32, #tpu.memory_space<vmem>>
    %dma_start3A_435 = tpu.memref_squeeze %dma_start3A_434 : memref<1x128xi32, #tpu.memory_space<vmem>> -> memref<128xi32, #tpu.memory_space<vmem>>
    %dma_start3A_436 = arith.constant 0 : i32
    %dma_start3A_437 = arith.constant 0 : i32
    %dma_start3A_438 = tpu.memref_slice %arg2[%dma_start3A_436, %dma_start3A_437] : memref<10112x128xf32, #tpu.memory_space<hbm>> -> memref<10112x128xf32, #tpu.memory_space<hbm>>
    tpu.enqueue_indirect_dma source(%dma_start3A_438 : memref<10112x128xf32, #tpu.memory_space<hbm>>) target(%dma_start3A_432 : memref<128x128xf32, #tpu.memory_space<vmem>>) offsets(%dma_start3A_435 : memref<128xi32, #tpu.memory_space<vmem>>) semaphore(%arg11 : memref<!tpu.dma_semaphore, #tpu.memory_space<semaphore_mem>>)
    %dma_start3A_439 = arith.constant 1 : i32
    %dma_start3A_440 = arith.constant 1 : i32
    %dma_start3A_441 = arith.constant 0 : i32
    %dma_start3A_442 = arith.constant 0 : i32
    %dma_start3A_443 = tpu.memref_slice %arg8[%dma_start3A_440, %dma_start3A_441, %dma_start3A_442] : memref<2x128x128xf32, #tpu.memory_space<vmem>> -> memref<1x128x128xf32, #tpu.memory_space<vmem>>
    %dma_start3A_444 = tpu.memref_squeeze %dma_start3A_443 : memref<1x128x128xf32, #tpu.memory_space<vmem>> -> memref<128x128xf32, #tpu.memory_space<vmem>>
    %dma_start3A_445 = arith.constant 0 : i32
    %dma_start3A_446 = tpu.memref_slice %arg6[%dma_start3A_439, %dma_start3A_445] : memref<40x128xi32, #tpu.memory_space<vmem>> -> memref<1x128xi32, #tpu.memory_space<vmem>>
    %dma_start3A_447 = tpu.memref_squeeze %dma_start3A_446 : memref<1x128xi32, #tpu.memory_space<vmem>> -> memref<128xi32, #tpu.memory_space<vmem>>
    %dma_start3A_448 = arith.constant 0 : i32
    %dma_start3A_449 = arith.constant 0 : i32
    %dma_start3A_450 = tpu.memref_slice %arg2[%dma_start3A_448, %dma_start3A_449] : memref<10112x128xf32, #tpu.memory_space<hbm>> -> memref<10112x128xf32, #tpu.memory_space<hbm>>
    tpu.enqueue_indirect_dma source(%dma_start3A_450 : memref<10112x128xf32, #tpu.memory_space<hbm>>) target(%dma_start3A_444 : memref<128x128xf32, #tpu.memory_space<vmem>>) offsets(%dma_start3A_447 : memref<128xi32, #tpu.memory_space<vmem>>) semaphore(%arg12 : memref<!tpu.dma_semaphore, #tpu.memory_space<semaphore_mem>>)
    %barrier3A = arith.constant 0 : index
    tpu.barrier barrier_id(%barrier3A)
    %scan3A_451 = arith.constant 0 : i32
    %scan3A_452 = arith.constant 0 : i32
    %scan3A_453 = arith.constant 19 : i32
    %scan3A_454 = arith.addi %scan3A_452, %scan3A_453 : i32
    %scan3A_455 = arith.constant 1 : i32
    scf.for %scan3A_491 = %scan3A_452 to %scan3A_454 step %scan3A_455  : i32 {
      %mul3A_492 = arith.constant 2 : i32
      %mul3A_493 = arith.muli %scan3A_491, %mul3A_492 : i32
      %add3A_494 = arith.constant 0 : i32
      %add3A_495 = arith.addi %mul3A_493, %add3A_494 : i32
      %dma_wait3A_496 = arith.constant 0 : i32
      %dma_wait3A_497 = arith.constant 0 : i32
      %dma_wait3A_498 = arith.constant 0 : i32
      %dma_wait3A_499 = tpu.memref_slice %arg8[%dma_wait3A_496, %dma_wait3A_497, %dma_wait3A_498] : memref<2x128x128xf32, #tpu.memory_space<vmem>> -> memref<1x128x128xf32, #tpu.memory_space<vmem>>
      %dma_wait3A_500 = tpu.memref_squeeze %dma_wait3A_499 : memref<1x128x128xf32, #tpu.memory_space<vmem>> -> memref<128x128xf32, #tpu.memory_space<vmem>>
      %dma_wait3A_501 = arith.constant 0 : i32
      %dma_wait3A_502 = arith.constant 0 : i32
      %dma_wait3A_503 = tpu.memref_slice %arg2[%dma_wait3A_501, %dma_wait3A_502] : memref<10112x128xf32, #tpu.memory_space<hbm>> -> memref<128x128xf32, #tpu.memory_space<hbm>>
      %dma_wait3A_504 = arith.constant 0 : i32
      %dma_wait3A_505 = arith.constant 0 : i32
      %dma_wait3A_506 = tpu.memref_slice %arg8[%dma_wait3A_496, %dma_wait3A_504, %dma_wait3A_505] : memref<2x128x128xf32, #tpu.memory_space<vmem>> -> memref<1x128x128xf32, #tpu.memory_space<vmem>>
      %dma_wait3A_507 = tpu.memref_squeeze %dma_wait3A_506 : memref<1x128x128xf32, #tpu.memory_space<vmem>> -> memref<128x128xf32, #tpu.memory_space<vmem>>
      %dma_wait3A_508 = arith.constant 0 : i32
      %dma_wait3A_509 = arith.constant 0 : i32
      %dma_wait3A_510 = tpu.memref_slice %arg2[%dma_wait3A_508, %dma_wait3A_509] : memref<10112x128xf32, #tpu.memory_space<hbm>> -> memref<128x128xf32, #tpu.memory_space<hbm>>
      tpu.wait_dma2 semaphore(%arg11 : memref<!tpu.dma_semaphore, #tpu.memory_space<semaphore_mem>>) src(%dma_wait3A_510 : memref<128x128xf32, #tpu.memory_space<hbm>>) dst(%dma_wait3A_507 : memref<128x128xf32, #tpu.memory_space<vmem>>)
      %run_scoped3A_511 = arith.constant 0 : i32
      "tpu.region"() ({
        %run_scoped3A_558 = tpu.sem_alloc : memref<!tpu.dma_semaphore, #tpu.memory_space<semaphore_mem>>
        %dma_start3A_559 = arith.constant 0 : i32
        %dma_start3A_560 = arith.constant 0 : i32
        %dma_start3A_561 = tpu.memref_slice %arg8[%run_scoped3A_511, %dma_start3A_559, %dma_start3A_560] : memref<2x128x128xf32, #tpu.memory_space<vmem>> -> memref<1x128x128xf32, #tpu.memory_space<vmem>>
        %dma_start3A_562 = tpu.memref_squeeze %dma_start3A_561 : memref<1x128x128xf32, #tpu.memory_space<vmem>> -> memref<128x128xf32, #tpu.memory_space<vmem>>
        %dma_start3A_563 = arith.constant 0 : i32
        %dma_start3A_564 = tpu.memref_slice %arg7[%add3A_495, %dma_start3A_563] : memref<40x128xi32, #tpu.memory_space<vmem>> -> memref<1x128xi32, #tpu.memory_space<vmem>>
        %dma_start3A_565 = tpu.memref_squeeze %dma_start3A_564 : memref<1x128xi32, #tpu.memory_space<vmem>> -> memref<128xi32, #tpu.memory_space<vmem>>
        %dma_start3A_566 = arith.constant 0 : i32
        %dma_start3A_567 = arith.constant 0 : i32
        %dma_start3A_568 = tpu.memref_slice %arg10[%dma_start3A_566, %dma_start3A_567] : memref<10112x128xf32, #tpu.memory_space<vmem_shared>> -> memref<10112x128xf32, #tpu.memory_space<vmem_shared>>
        tpu.enqueue_indirect_dma source(%dma_start3A_562 : memref<128x128xf32, #tpu.memory_space<vmem>>) target(%dma_start3A_568 : memref<10112x128xf32, #tpu.memory_space<vmem_shared>>) offsets(%dma_start3A_565 : memref<128xi32, #tpu.memory_space<vmem>>) semaphore(%run_scoped3A_558 : memref<!tpu.dma_semaphore, #tpu.memory_space<semaphore_mem>>) {add = true}
        %dma_wait3A_569 = arith.constant 0 : i32
        %dma_wait3A_570 = arith.constant 0 : i32
        %dma_wait3A_571 = tpu.memref_slice %arg8[%run_scoped3A_511, %dma_wait3A_569, %dma_wait3A_570] : memref<2x128x128xf32, #tpu.memory_space<vmem>> -> memref<1x128x128xf32, #tpu.memory_space<vmem>>
        %dma_wait3A_572 = tpu.memref_squeeze %dma_wait3A_571 : memref<1x128x128xf32, #tpu.memory_space<vmem>> -> memref<128x128xf32, #tpu.memory_space<vmem>>
        %dma_wait3A_573 = arith.constant 0 : i32
        %dma_wait3A_574 = tpu.memref_slice %arg7[%add3A_495, %dma_wait3A_573] : memref<40x128xi32, #tpu.memory_space<vmem>> -> memref<1x128xi32, #tpu.memory_space<vmem>>
        %dma_wait3A_575 = tpu.memref_squeeze %dma_wait3A_574 : memref<1x128xi32, #tpu.memory_space<vmem>> -> memref<128xi32, #tpu.memory_space<vmem>>
        %dma_wait3A_576 = arith.constant 0 : i32
        %dma_wait3A_577 = arith.constant 0 : i32
        %dma_wait3A_578 = tpu.memref_slice %arg10[%dma_wait3A_576, %dma_wait3A_577] : memref<10112x128xf32, #tpu.memory_space<vmem_shared>> -> memref<10112x128xf32, #tpu.memory_space<vmem_shared>>
        tpu.wait_indirect_dma semaphore(%run_scoped3A_558 : memref<!tpu.dma_semaphore, #tpu.memory_space<semaphore_mem>>) src(%dma_wait3A_572 : memref<128x128xf32, #tpu.memory_space<vmem>>) dst(%dma_wait3A_578 : memref<10112x128xf32, #tpu.memory_space<vmem_shared>>)
        tpu.yield
      }) : () -> ()
      %add3A_512 = arith.constant 2 : i32
      %add3A_513 = arith.addi %add3A_495, %add3A_512 : i32
      %dma_start3A_514 = arith.constant 0 : i32
      %dma_start3A_515 = arith.constant 0 : i32
      %dma_start3A_516 = arith.constant 0 : i32
      %dma_start3A_517 = tpu.memref_slice %arg8[%dma_start3A_514, %dma_start3A_515, %dma_start3A_516] : memref<2x128x128xf32, #tpu.memory_space<vmem>> -> memref<1x128x128xf32, #tpu.memory_space<vmem>>
      %dma_start3A_518 = tpu.memref_squeeze %dma_start3A_517 : memref<1x128x128xf32, #tpu.memory_space<vmem>> -> memref<128x128xf32, #tpu.memory_space<vmem>>
      %dma_start3A_519 = arith.constant 0 : i32
      %dma_start3A_520 = tpu.memref_slice %arg6[%add3A_513, %dma_start3A_519] : memref<40x128xi32, #tpu.memory_space<vmem>> -> memref<1x128xi32, #tpu.memory_space<vmem>>
      %dma_start3A_521 = tpu.memref_squeeze %dma_start3A_520 : memref<1x128xi32, #tpu.memory_space<vmem>> -> memref<128xi32, #tpu.memory_space<vmem>>
      %dma_start3A_522 = arith.constant 0 : i32
      %dma_start3A_523 = arith.constant 0 : i32
      %dma_start3A_524 = tpu.memref_slice %arg2[%dma_start3A_522, %dma_start3A_523] : memref<10112x128xf32, #tpu.memory_space<hbm>> -> memref<10112x128xf32, #tpu.memory_space<hbm>>
      tpu.enqueue_indirect_dma source(%dma_start3A_524 : memref<10112x128xf32, #tpu.memory_space<hbm>>) target(%dma_start3A_518 : memref<128x128xf32, #tpu.memory_space<vmem>>) offsets(%dma_start3A_521 : memref<128xi32, #tpu.memory_space<vmem>>) semaphore(%arg11 : memref<!tpu.dma_semaphore, #tpu.memory_space<semaphore_mem>>)
      %mul3A_525 = arith.constant 2 : i32
      %mul3A_526 = arith.muli %scan3A_491, %mul3A_525 : i32
      %add3A_527 = arith.constant 1 : i32
      %add3A_528 = arith.addi %mul3A_526, %add3A_527 : i32
      %dma_wait3A_529 = arith.constant 1 : i32
      %dma_wait3A_530 = arith.constant 0 : i32
      %dma_wait3A_531 = arith.constant 0 : i32
      %dma_wait3A_532 = tpu.memref_slice %arg8[%dma_wait3A_529, %dma_wait3A_530, %dma_wait3A_531] : memref<2x128x128xf32, #tpu.memory_space<vmem>> -> memref<1x128x128xf32, #tpu.memory_space<vmem>>
      %dma_wait3A_533 = tpu.memref_squeeze %dma_wait3A_532 : memref<1x128x128xf32, #tpu.memory_space<vmem>> -> memref<128x128xf32, #tpu.memory_space<vmem>>
      %dma_wait3A_534 = arith.constant 0 : i32
      %dma_wait3A_535 = arith.constant 0 : i32
      %dma_wait3A_536 = tpu.memref_slice %arg2[%dma_wait3A_534, %dma_wait3A_535] : memref<10112x128xf32, #tpu.memory_space<hbm>> -> memref<128x128xf32, #tpu.memory_space<hbm>>
      %dma_wait3A_537 = arith.constant 0 : i32
      %dma_wait3A_538 = arith.constant 0 : i32
      %dma_wait3A_539 = tpu.memref_slice %arg8[%dma_wait3A_529, %dma_wait3A_537, %dma_wait3A_538] : memref<2x128x128xf32, #tpu.memory_space<vmem>> -> memref<1x128x128xf32, #tpu.memory_space<vmem>>
      %dma_wait3A_540 = tpu.memref_squeeze %dma_wait3A_539 : memref<1x128x128xf32, #tpu.memory_space<vmem>> -> memref<128x128xf32, #tpu.memory_space<vmem>>
      %dma_wait3A_541 = arith.constant 0 : i32
      %dma_wait3A_542 = arith.constant 0 : i32
      %dma_wait3A_543 = tpu.memref_slice %arg2[%dma_wait3A_541, %dma_wait3A_542] : memref<10112x128xf32, #tpu.memory_space<hbm>> -> memref<128x128xf32, #tpu.memory_space<hbm>>
      tpu.wait_dma2 semaphore(%arg12 : memref<!tpu.dma_semaphore, #tpu.memory_space<semaphore_mem>>) src(%dma_wait3A_543 : memref<128x128xf32, #tpu.memory_space<hbm>>) dst(%dma_wait3A_540 : memref<128x128xf32, #tpu.memory_space<vmem>>)
      %run_scoped3A_544 = arith.constant 1 : i32
      "tpu.region"() ({
        %run_scoped3A_558 = tpu.sem_alloc : memref<!tpu.dma_semaphore, #tpu.memory_space<semaphore_mem>>
        %dma_start3A_559 = arith.constant 0 : i32
        %dma_start3A_560 = arith.constant 0 : i32
        %dma_start3A_561 = tpu.memref_slice %arg8[%run_scoped3A_544, %dma_start3A_559, %dma_start3A_560] : memref<2x128x128xf32, #tpu.memory_space<vmem>> -> memref<1x128x128xf32, #tpu.memory_space<vmem>>
        %dma_start3A_562 = tpu.memref_squeeze %dma_start3A_561 : memref<1x128x128xf32, #tpu.memory_space<vmem>> -> memref<128x128xf32, #tpu.memory_space<vmem>>
        %dma_start3A_563 = arith.constant 0 : i32
        %dma_start3A_564 = tpu.memref_slice %arg7[%add3A_528, %dma_start3A_563] : memref<40x128xi32, #tpu.memory_space<vmem>> -> memref<1x128xi32, #tpu.memory_space<vmem>>
        %dma_start3A_565 = tpu.memref_squeeze %dma_start3A_564 : memref<1x128xi32, #tpu.memory_space<vmem>> -> memref<128xi32, #tpu.memory_space<vmem>>
        %dma_start3A_566 = arith.constant 0 : i32
        %dma_start3A_567 = arith.constant 0 : i32
        %dma_start3A_568 = tpu.memref_slice %arg10[%dma_start3A_566, %dma_start3A_567] : memref<10112x128xf32, #tpu.memory_space<vmem_shared>> -> memref<10112x128xf32, #tpu.memory_space<vmem_shared>>
        tpu.enqueue_indirect_dma source(%dma_start3A_562 : memref<128x128xf32, #tpu.memory_space<vmem>>) target(%dma_start3A_568 : memref<10112x128xf32, #tpu.memory_space<vmem_shared>>) offsets(%dma_start3A_565 : memref<128xi32, #tpu.memory_space<vmem>>) semaphore(%run_scoped3A_558 : memref<!tpu.dma_semaphore, #tpu.memory_space<semaphore_mem>>) {add = true}
        %dma_wait3A_569 = arith.constant 0 : i32
        %dma_wait3A_570 = arith.constant 0 : i32
        %dma_wait3A_571 = tpu.memref_slice %arg8[%run_scoped3A_544, %dma_wait3A_569, %dma_wait3A_570] : memref<2x128x128xf32, #tpu.memory_space<vmem>> -> memref<1x128x128xf32, #tpu.memory_space<vmem>>
        %dma_wait3A_572 = tpu.memref_squeeze %dma_wait3A_571 : memref<1x128x128xf32, #tpu.memory_space<vmem>> -> memref<128x128xf32, #tpu.memory_space<vmem>>
        %dma_wait3A_573 = arith.constant 0 : i32
        %dma_wait3A_574 = tpu.memref_slice %arg7[%add3A_528, %dma_wait3A_573] : memref<40x128xi32, #tpu.memory_space<vmem>> -> memref<1x128xi32, #tpu.memory_space<vmem>>
        %dma_wait3A_575 = tpu.memref_squeeze %dma_wait3A_574 : memref<1x128xi32, #tpu.memory_space<vmem>> -> memref<128xi32, #tpu.memory_space<vmem>>
        %dma_wait3A_576 = arith.constant 0 : i32
        %dma_wait3A_577 = arith.constant 0 : i32
        %dma_wait3A_578 = tpu.memref_slice %arg10[%dma_wait3A_576, %dma_wait3A_577] : memref<10112x128xf32, #tpu.memory_space<vmem_shared>> -> memref<10112x128xf32, #tpu.memory_space<vmem_shared>>
        tpu.wait_indirect_dma semaphore(%run_scoped3A_558 : memref<!tpu.dma_semaphore, #tpu.memory_space<semaphore_mem>>) src(%dma_wait3A_572 : memref<128x128xf32, #tpu.memory_space<vmem>>) dst(%dma_wait3A_578 : memref<10112x128xf32, #tpu.memory_space<vmem_shared>>)
        tpu.yield
      }) : () -> ()
      %add3A_545 = arith.constant 2 : i32
      %add3A_546 = arith.addi %add3A_528, %add3A_545 : i32
      %dma_start3A_547 = arith.constant 1 : i32
      %dma_start3A_548 = arith.constant 0 : i32
      %dma_start3A_549 = arith.constant 0 : i32
      %dma_start3A_550 = tpu.memref_slice %arg8[%dma_start3A_547, %dma_start3A_548, %dma_start3A_549] : memref<2x128x128xf32, #tpu.memory_space<vmem>> -> memref<1x128x128xf32, #tpu.memory_space<vmem>>
      %dma_start3A_551 = tpu.memref_squeeze %dma_start3A_550 : memref<1x128x128xf32, #tpu.memory_space<vmem>> -> memref<128x128xf32, #tpu.memory_space<vmem>>
      %dma_start3A_552 = arith.constant 0 : i32
      %dma_start3A_553 = tpu.memref_slice %arg6[%add3A_546, %dma_start3A_552] : memref<40x128xi32, #tpu.memory_space<vmem>> -> memref<1x128xi32, #tpu.memory_space<vmem>>
      %dma_start3A_554 = tpu.memref_squeeze %dma_start3A_553 : memref<1x128xi32, #tpu.memory_space<vmem>> -> memref<128xi32, #tpu.memory_space<vmem>>
      %dma_start3A_555 = arith.constant 0 : i32
      %dma_start3A_556 = arith.constant 0 : i32
      %dma_start3A_557 = tpu.memref_slice %arg2[%dma_start3A_555, %dma_start3A_556] : memref<10112x128xf32, #tpu.memory_space<hbm>> -> memref<10112x128xf32, #tpu.memory_space<hbm>>
      tpu.enqueue_indirect_dma source(%dma_start3A_557 : memref<10112x128xf32, #tpu.memory_space<hbm>>) target(%dma_start3A_551 : memref<128x128xf32, #tpu.memory_space<vmem>>) offsets(%dma_start3A_554 : memref<128xi32, #tpu.memory_space<vmem>>) semaphore(%arg12 : memref<!tpu.dma_semaphore, #tpu.memory_space<semaphore_mem>>)
    }
    %scan3A_456 = arith.constant 19 : i32
    %dma_wait3A_457 = arith.constant 0 : i32
    %dma_wait3A_458 = arith.constant 0 : i32
    %dma_wait3A_459 = arith.constant 0 : i32
    %dma_wait3A_460 = tpu.memref_slice %arg8[%dma_wait3A_457, %dma_wait3A_458, %dma_wait3A_459] : memref<2x128x128xf32, #tpu.memory_space<vmem>> -> memref<1x128x128xf32, #tpu.memory_space<vmem>>
    %dma_wait3A_461 = tpu.memref_squeeze %dma_wait3A_460 : memref<1x128x128xf32, #tpu.memory_space<vmem>> -> memref<128x128xf32, #tpu.memory_space<vmem>>
    %dma_wait3A_462 = arith.constant 0 : i32
    %dma_wait3A_463 = arith.constant 0 : i32
    %dma_wait3A_464 = tpu.memref_slice %arg2[%dma_wait3A_462, %dma_wait3A_463] : memref<10112x128xf32, #tpu.memory_space<hbm>> -> memref<128x128xf32, #tpu.memory_space<hbm>>
    %dma_wait3A_465 = arith.constant 0 : i32
    %dma_wait3A_466 = arith.constant 0 : i32
    %dma_wait3A_467 = tpu.memref_slice %arg8[%dma_wait3A_457, %dma_wait3A_465, %dma_wait3A_466] : memref<2x128x128xf32, #tpu.memory_space<vmem>> -> memref<1x128x128xf32, #tpu.memory_space<vmem>>
    %dma_wait3A_468 = tpu.memref_squeeze %dma_wait3A_467 : memref<1x128x128xf32, #tpu.memory_space<vmem>> -> memref<128x128xf32, #tpu.memory_space<vmem>>
    %dma_wait3A_469 = arith.constant 0 : i32
    %dma_wait3A_470 = arith.constant 0 : i32
    %dma_wait3A_471 = tpu.memref_slice %arg2[%dma_wait3A_469, %dma_wait3A_470] : memref<10112x128xf32, #tpu.memory_space<hbm>> -> memref<128x128xf32, #tpu.memory_space<hbm>>
    tpu.wait_dma2 semaphore(%arg11 : memref<!tpu.dma_semaphore, #tpu.memory_space<semaphore_mem>>) src(%dma_wait3A_471 : memref<128x128xf32, #tpu.memory_space<hbm>>) dst(%dma_wait3A_468 : memref<128x128xf32, #tpu.memory_space<vmem>>)
    %run_scoped3A = arith.constant 0 : i32
    %run_scoped3A_472 = arith.constant 38 : i32
    "tpu.region"() ({
      %run_scoped3A_491 = tpu.sem_alloc : memref<!tpu.dma_semaphore, #tpu.memory_space<semaphore_mem>>
      %dma_start3A_492 = arith.constant 0 : i32
      %dma_start3A_493 = arith.constant 0 : i32
      %dma_start3A_494 = tpu.memref_slice %arg8[%run_scoped3A, %dma_start3A_492, %dma_start3A_493] : memref<2x128x128xf32, #tpu.memory_space<vmem>> -> memref<1x128x128xf32, #tpu.memory_space<vmem>>
      %dma_start3A_495 = tpu.memref_squeeze %dma_start3A_494 : memref<1x128x128xf32, #tpu.memory_space<vmem>> -> memref<128x128xf32, #tpu.memory_space<vmem>>
      %dma_start3A_496 = arith.constant 0 : i32
      %dma_start3A_497 = tpu.memref_slice %arg7[%run_scoped3A_472, %dma_start3A_496] : memref<40x128xi32, #tpu.memory_space<vmem>> -> memref<1x128xi32, #tpu.memory_space<vmem>>
      %dma_start3A_498 = tpu.memref_squeeze %dma_start3A_497 : memref<1x128xi32, #tpu.memory_space<vmem>> -> memref<128xi32, #tpu.memory_space<vmem>>
      %dma_start3A_499 = arith.constant 0 : i32
      %dma_start3A_500 = arith.constant 0 : i32
      %dma_start3A_501 = tpu.memref_slice %arg10[%dma_start3A_499, %dma_start3A_500] : memref<10112x128xf32, #tpu.memory_space<vmem_shared>> -> memref<10112x128xf32, #tpu.memory_space<vmem_shared>>
      tpu.enqueue_indirect_dma source(%dma_start3A_495 : memref<128x128xf32, #tpu.memory_space<vmem>>) target(%dma_start3A_501 : memref<10112x128xf32, #tpu.memory_space<vmem_shared>>) offsets(%dma_start3A_498 : memref<128xi32, #tpu.memory_space<vmem>>) semaphore(%run_scoped3A_491 : memref<!tpu.dma_semaphore, #tpu.memory_space<semaphore_mem>>) {add = true}
      %dma_wait3A_502 = arith.constant 0 : i32
      %dma_wait3A_503 = arith.constant 0 : i32
      %dma_wait3A_504 = tpu.memref_slice %arg8[%run_scoped3A, %dma_wait3A_502, %dma_wait3A_503] : memref<2x128x128xf32, #tpu.memory_space<vmem>> -> memref<1x128x128xf32, #tpu.memory_space<vmem>>
      %dma_wait3A_505 = tpu.memref_squeeze %dma_wait3A_504 : memref<1x128x128xf32, #tpu.memory_space<vmem>> -> memref<128x128xf32, #tpu.memory_space<vmem>>
      %dma_wait3A_506 = arith.constant 0 : i32
      %dma_wait3A_507 = tpu.memref_slice %arg7[%run_scoped3A_472, %dma_wait3A_506] : memref<40x128xi32, #tpu.memory_space<vmem>> -> memref<1x128xi32, #tpu.memory_space<vmem>>
      %dma_wait3A_508 = tpu.memref_squeeze %dma_wait3A_507 : memref<1x128xi32, #tpu.memory_space<vmem>> -> memref<128xi32, #tpu.memory_space<vmem>>
      %dma_wait3A_509 = arith.constant 0 : i32
      %dma_wait3A_510 = arith.constant 0 : i32
      %dma_wait3A_511 = tpu.memref_slice %arg10[%dma_wait3A_509, %dma_wait3A_510] : memref<10112x128xf32, #tpu.memory_space<vmem_shared>> -> memref<10112x128xf32, #tpu.memory_space<vmem_shared>>
      tpu.wait_indirect_dma semaphore(%run_scoped3A_491 : memref<!tpu.dma_semaphore, #tpu.memory_space<semaphore_mem>>) src(%dma_wait3A_505 : memref<128x128xf32, #tpu.memory_space<vmem>>) dst(%dma_wait3A_511 : memref<10112x128xf32, #tpu.memory_space<vmem_shared>>)
      tpu.yield
    }) : () -> ()
    %dma_wait3A_473 = arith.constant 1 : i32
    %dma_wait3A_474 = arith.constant 0 : i32
    %dma_wait3A_475 = arith.constant 0 : i32
    %dma_wait3A_476 = tpu.memref_slice %arg8[%dma_wait3A_473, %dma_wait3A_474, %dma_wait3A_475] : memref<2x128x128xf32, #tpu.memory_space<vmem>> -> memref<1x128x128xf32, #tpu.memory_space<vmem>>
    %dma_wait3A_477 = tpu.memref_squeeze %dma_wait3A_476 : memref<1x128x128xf32, #tpu.memory_space<vmem>> -> memref<128x128xf32, #tpu.memory_space<vmem>>
    %dma_wait3A_478 = arith.constant 0 : i32
    %dma_wait3A_479 = arith.constant 0 : i32
    %dma_wait3A_480 = tpu.memref_slice %arg2[%dma_wait3A_478, %dma_wait3A_479] : memref<10112x128xf32, #tpu.memory_space<hbm>> -> memref<128x128xf32, #tpu.memory_space<hbm>>
    %dma_wait3A_481 = arith.constant 0 : i32
    %dma_wait3A_482 = arith.constant 0 : i32
    %dma_wait3A_483 = tpu.memref_slice %arg8[%dma_wait3A_473, %dma_wait3A_481, %dma_wait3A_482] : memref<2x128x128xf32, #tpu.memory_space<vmem>> -> memref<1x128x128xf32, #tpu.memory_space<vmem>>
    %dma_wait3A_484 = tpu.memref_squeeze %dma_wait3A_483 : memref<1x128x128xf32, #tpu.memory_space<vmem>> -> memref<128x128xf32, #tpu.memory_space<vmem>>
    %dma_wait3A_485 = arith.constant 0 : i32
    %dma_wait3A_486 = arith.constant 0 : i32
    %dma_wait3A_487 = tpu.memref_slice %arg2[%dma_wait3A_485, %dma_wait3A_486] : memref<10112x128xf32, #tpu.memory_space<hbm>> -> memref<128x128xf32, #tpu.memory_space<hbm>>
    tpu.wait_dma2 semaphore(%arg12 : memref<!tpu.dma_semaphore, #tpu.memory_space<semaphore_mem>>) src(%dma_wait3A_487 : memref<128x128xf32, #tpu.memory_space<hbm>>) dst(%dma_wait3A_484 : memref<128x128xf32, #tpu.memory_space<vmem>>)
    %run_scoped3A_488 = arith.constant 1 : i32
    %run_scoped3A_489 = arith.constant 39 : i32
    "tpu.region"() ({
      %run_scoped3A_491 = tpu.sem_alloc : memref<!tpu.dma_semaphore, #tpu.memory_space<semaphore_mem>>
      %dma_start3A_492 = arith.constant 0 : i32
      %dma_start3A_493 = arith.constant 0 : i32
      %dma_start3A_494 = tpu.memref_slice %arg8[%run_scoped3A_488, %dma_start3A_492, %dma_start3A_493] : memref<2x128x128xf32, #tpu.memory_space<vmem>> -> memref<1x128x128xf32, #tpu.memory_space<vmem>>
      %dma_start3A_495 = tpu.memref_squeeze %dma_start3A_494 : memref<1x128x128xf32, #tpu.memory_space<vmem>> -> memref<128x128xf32, #tpu.memory_space<vmem>>
      %dma_start3A_496 = arith.constant 0 : i32
      %dma_start3A_497 = tpu.memref_slice %arg7[%run_scoped3A_489, %dma_start3A_496] : memref<40x128xi32, #tpu.memory_space<vmem>> -> memref<1x128xi32, #tpu.memory_space<vmem>>
      %dma_start3A_498 = tpu.memref_squeeze %dma_start3A_497 : memref<1x128xi32, #tpu.memory_space<vmem>> -> memref<128xi32, #tpu.memory_space<vmem>>
      %dma_start3A_499 = arith.constant 0 : i32
      %dma_start3A_500 = arith.constant 0 : i32
      %dma_start3A_501 = tpu.memref_slice %arg10[%dma_start3A_499, %dma_start3A_500] : memref<10112x128xf32, #tpu.memory_space<vmem_shared>> -> memref<10112x128xf32, #tpu.memory_space<vmem_shared>>
      tpu.enqueue_indirect_dma source(%dma_start3A_495 : memref<128x128xf32, #tpu.memory_space<vmem>>) target(%dma_start3A_501 : memref<10112x128xf32, #tpu.memory_space<vmem_shared>>) offsets(%dma_start3A_498 : memref<128xi32, #tpu.memory_space<vmem>>) semaphore(%run_scoped3A_491 : memref<!tpu.dma_semaphore, #tpu.memory_space<semaphore_mem>>) {add = true}
      %dma_wait3A_502 = arith.constant 0 : i32
      %dma_wait3A_503 = arith.constant 0 : i32
      %dma_wait3A_504 = tpu.memref_slice %arg8[%run_scoped3A_488, %dma_wait3A_502, %dma_wait3A_503] : memref<2x128x128xf32, #tpu.memory_space<vmem>> -> memref<1x128x128xf32, #tpu.memory_space<vmem>>
      %dma_wait3A_505 = tpu.memref_squeeze %dma_wait3A_504 : memref<1x128x128xf32, #tpu.memory_space<vmem>> -> memref<128x128xf32, #tpu.memory_space<vmem>>
      %dma_wait3A_506 = arith.constant 0 : i32
      %dma_wait3A_507 = tpu.memref_slice %arg7[%run_scoped3A_489, %dma_wait3A_506] : memref<40x128xi32, #tpu.memory_space<vmem>> -> memref<1x128xi32, #tpu.memory_space<vmem>>
      %dma_wait3A_508 = tpu.memref_squeeze %dma_wait3A_507 : memref<1x128xi32, #tpu.memory_space<vmem>> -> memref<128xi32, #tpu.memory_space<vmem>>
      %dma_wait3A_509 = arith.constant 0 : i32
      %dma_wait3A_510 = arith.constant 0 : i32
      %dma_wait3A_511 = tpu.memref_slice %arg10[%dma_wait3A_509, %dma_wait3A_510] : memref<10112x128xf32, #tpu.memory_space<vmem_shared>> -> memref<10112x128xf32, #tpu.memory_space<vmem_shared>>
      tpu.wait_indirect_dma semaphore(%run_scoped3A_491 : memref<!tpu.dma_semaphore, #tpu.memory_space<semaphore_mem>>) src(%dma_wait3A_505 : memref<128x128xf32, #tpu.memory_space<vmem>>) dst(%dma_wait3A_511 : memref<10112x128xf32, #tpu.memory_space<vmem_shared>>)
      tpu.yield
    }) : () -> ()
    %barrier3A_490 = arith.constant 0 : index
    tpu.barrier barrier_id(%barrier3A_490)
    "tpu.region"() ({
      %run_scoped3A_491 = tpu.sem_alloc : memref<!tpu.dma_semaphore, #tpu.memory_space<semaphore_mem>>
      %dma_start3A_492 = arith.constant 0 : i32
      %dma_start3A_493 = tpu.memref_slice %arg5[%arg0, %mul3A_2, %dma_start3A_492] : memref<2x10112x128xf32, #tpu.memory_space<hbm>> -> memref<1x632x128xf32, #tpu.memory_space<hbm>>
      %dma_start3A_494 = tpu.memref_squeeze %dma_start3A_493 : memref<1x632x128xf32, #tpu.memory_space<hbm>> -> memref<632x128xf32, #tpu.memory_space<hbm>>
      %dma_start3A_495 = arith.constant 0 : i32
      %dma_start3A_496 = tpu.memref_slice %arg10[%mul3A_2, %dma_start3A_495] : memref<10112x128xf32, #tpu.memory_space<vmem_shared>> -> memref<632x128xf32, #tpu.memory_space<vmem_shared>>
      tpu.enqueue_dma source(%dma_start3A_496 : memref<632x128xf32, #tpu.memory_space<vmem_shared>>) target(%dma_start3A_494 : memref<632x128xf32, #tpu.memory_space<hbm>>) target_semaphore(%run_scoped3A_491 : memref<!tpu.dma_semaphore, #tpu.memory_space<semaphore_mem>>)
      %dma_wait3A_497 = arith.constant 0 : i32
      %dma_wait3A_498 = tpu.memref_slice %arg5[%arg0, %mul3A_2, %dma_wait3A_497] : memref<2x10112x128xf32, #tpu.memory_space<hbm>> -> memref<1x632x128xf32, #tpu.memory_space<hbm>>
      %dma_wait3A_499 = tpu.memref_squeeze %dma_wait3A_498 : memref<1x632x128xf32, #tpu.memory_space<hbm>> -> memref<632x128xf32, #tpu.memory_space<hbm>>
      %dma_wait3A_500 = arith.constant 0 : i32
      %dma_wait3A_501 = tpu.memref_slice %arg10[%mul3A_2, %dma_wait3A_500] : memref<10112x128xf32, #tpu.memory_space<vmem_shared>> -> memref<632x128xf32, #tpu.memory_space<vmem_shared>>
      tpu.wait_dma2 semaphore(%run_scoped3A_491 : memref<!tpu.dma_semaphore, #tpu.memory_space<semaphore_mem>>) src(%dma_wait3A_501 : memref<632x128xf32, #tpu.memory_space<vmem_shared>>) dst(%dma_wait3A_499 : memref<632x128xf32, #tpu.memory_space<hbm>>)
      tpu.yield
    }) : () -> ()
    return
  }
}

#map = affine_map<(d0, d1) -> (0, 0)>
#map1 = affine_map<(d0, d1) -> (0, 0, 0)>
module attributes {stable_mosaic.version = 14 : i64} {
  func.func @_sc_aggregate(%arg0: i32, %arg1: i32, %arg2: memref<10112x128xf32, #tpu.memory_space<hbm>>, %arg3: memref<32x40x128xi32, #tpu.memory_space<hbm>>, %arg4: memref<32x40x128xi32, #tpu.memory_space<hbm>>, %arg5: memref<2x10112x128xf32, #tpu.memory_space<hbm>>, %arg6: memref<40x128xi32, #tpu.memory_space<vmem>>, %arg7: memref<40x128xi32, #tpu.memory_space<vmem>>, %arg8: memref<2x128x128xf32, #tpu.memory_space<vmem>>, %arg9: memref<8x128xf32, #tpu.memory_space<vmem>>, %arg10: memref<10112x128xf32, #tpu.memory_space<vmem_shared>>, %arg11: memref<!tpu.dma_semaphore, #tpu.memory_space<semaphore_mem>>, %arg12: memref<!tpu.dma_semaphore, #tpu.memory_space<semaphore_mem>>, %arg13: memref<!tpu.dma_semaphore, #tpu.memory_space<semaphore_mem>>, %arg14: memref<!tpu.dma_semaphore, #tpu.memory_space<semaphore_mem>>) attributes {dimension_semantics = [#tpu.dimension_semantics<core_parallel>, #tpu.dimension_semantics<subcore_parallel>], iteration_bounds = array<i64: 2, 16>, scalar_prefetch = 0 : i64, scratch_operands = 9 : i64, tpu.core_type = #tpu.core_type<sc_vector_subcore>, window_params = [{transform_indices = #map}, {transform_indices = #map1}, {transform_indices = #map1}, {transform_indices = #map1}]} {
    %mul3A = arith.constant 2 : i32
    %mul3A_0 = arith.muli %arg1, %mul3A : i32
    %add3A = arith.addi %mul3A_0, %arg0 : i32
    %mul3A_1 = arith.constant 632 : i32
    %mul3A_2 = arith.muli %arg1, %mul3A_1 : i32
    %dma_start3A = arith.constant 0 : i32
    %dma_start3A_3 = arith.constant 0 : i32
    %dma_start3A_4 = tpu.memref_slice %arg3[%add3A, %dma_start3A, %dma_start3A_3] : memref<32x40x128xi32, #tpu.memory_space<hbm>> -> memref<1x40x128xi32, #tpu.memory_space<hbm>>
    %dma_start3A_5 = tpu.memref_squeeze %dma_start3A_4 : memref<1x40x128xi32, #tpu.memory_space<hbm>> -> memref<40x128xi32, #tpu.memory_space<hbm>>
    %dma_start3A_6 = arith.constant 0 : i32
    %dma_start3A_7 = arith.constant 0 : i32
    %dma_start3A_8 = tpu.memref_slice %arg3[%add3A, %dma_start3A_6, %dma_start3A_7] : memref<32x40x128xi32, #tpu.memory_space<hbm>> -> memref<1x40x128xi32, #tpu.memory_space<hbm>>
    %dma_start3A_9 = tpu.memref_squeeze %dma_start3A_8 : memref<1x40x128xi32, #tpu.memory_space<hbm>> -> memref<40x128xi32, #tpu.memory_space<hbm>>
    tpu.enqueue_dma source(%dma_start3A_9 : memref<40x128xi32, #tpu.memory_space<hbm>>) target(%arg6 : memref<40x128xi32, #tpu.memory_space<vmem>>) target_semaphore(%arg14 : memref<!tpu.dma_semaphore, #tpu.memory_space<semaphore_mem>>)
    %dma_start3A_10 = arith.constant 0 : i32
    %dma_start3A_11 = arith.constant 0 : i32
    %dma_start3A_12 = tpu.memref_slice %arg4[%add3A, %dma_start3A_10, %dma_start3A_11] : memref<32x40x128xi32, #tpu.memory_space<hbm>> -> memref<1x40x128xi32, #tpu.memory_space<hbm>>
    %dma_start3A_13 = tpu.memref_squeeze %dma_start3A_12 : memref<1x40x128xi32, #tpu.memory_space<hbm>> -> memref<40x128xi32, #tpu.memory_space<hbm>>
    %dma_start3A_14 = arith.constant 0 : i32
    %dma_start3A_15 = arith.constant 0 : i32
    %dma_start3A_16 = tpu.memref_slice %arg4[%add3A, %dma_start3A_14, %dma_start3A_15] : memref<32x40x128xi32, #tpu.memory_space<hbm>> -> memref<1x40x128xi32, #tpu.memory_space<hbm>>
    %dma_start3A_17 = tpu.memref_squeeze %dma_start3A_16 : memref<1x40x128xi32, #tpu.memory_space<hbm>> -> memref<40x128xi32, #tpu.memory_space<hbm>>
    tpu.enqueue_dma source(%dma_start3A_17 : memref<40x128xi32, #tpu.memory_space<hbm>>) target(%arg7 : memref<40x128xi32, #tpu.memory_space<vmem>>) target_semaphore(%arg14 : memref<!tpu.dma_semaphore, #tpu.memory_space<semaphore_mem>>)
    %broadcast_in_dim3A = arith.constant 0.000000e+00 : f32
    %broadcast_in_dim3A_18 = vector.broadcast %broadcast_in_dim3A : f32 to vector<16xf32>
    %swap3A = arith.constant 0 : i32
    %swap3A_19 = arith.index_cast %swap3A : i32 to index
    %swap3A_20 = arith.constant 0 : index
    %swap3A_21 = tpu.vector_load %arg9[%swap3A_19, %swap3A_20] {strides = array<i32>} : memref<8x128xf32, #tpu.memory_space<vmem>>, vector<1x16xf32>,
    %swap3A_22 = vector.shape_cast %swap3A_21 : vector<1x16xf32> to vector<16xf32>
    %swap3A_23 = vector.shape_cast %broadcast_in_dim3A_18 : vector<16xf32> to vector<1x16xf32>
    tpu.vector_store %arg9[%swap3A_19, %swap3A_20], %swap3A_23 {strides = array<i32>} : memref<8x128xf32, #tpu.memory_space<vmem>>, vector<1x16xf32>,
    %swap3A_24 = arith.constant 0 : i32
    %swap3A_25 = arith.index_cast %swap3A_24 : i32 to index
    %swap3A_26 = arith.constant 16 : index
    %swap3A_27 = tpu.vector_load %arg9[%swap3A_25, %swap3A_26] {strides = array<i32>} : memref<8x128xf32, #tpu.memory_space<vmem>>, vector<1x16xf32>,
    %swap3A_28 = vector.shape_cast %swap3A_27 : vector<1x16xf32> to vector<16xf32>
    %swap3A_29 = vector.shape_cast %broadcast_in_dim3A_18 : vector<16xf32> to vector<1x16xf32>
    tpu.vector_store %arg9[%swap3A_25, %swap3A_26], %swap3A_29 {strides = array<i32>} : memref<8x128xf32, #tpu.memory_space<vmem>>, vector<1x16xf32>,
    %swap3A_30 = arith.constant 0 : i32
    %swap3A_31 = arith.index_cast %swap3A_30 : i32 to index
    %swap3A_32 = arith.constant 32 : index
    %swap3A_33 = tpu.vector_load %arg9[%swap3A_31, %swap3A_32] {strides = array<i32>} : memref<8x128xf32, #tpu.memory_space<vmem>>, vector<1x16xf32>,
    %swap3A_34 = vector.shape_cast %swap3A_33 : vector<1x16xf32> to vector<16xf32>
    %swap3A_35 = vector.shape_cast %broadcast_in_dim3A_18 : vector<16xf32> to vector<1x16xf32>
    tpu.vector_store %arg9[%swap3A_31, %swap3A_32], %swap3A_35 {strides = array<i32>} : memref<8x128xf32, #tpu.memory_space<vmem>>, vector<1x16xf32>,
    %swap3A_36 = arith.constant 0 : i32
    %swap3A_37 = arith.index_cast %swap3A_36 : i32 to index
    %swap3A_38 = arith.constant 48 : index
    %swap3A_39 = tpu.vector_load %arg9[%swap3A_37, %swap3A_38] {strides = array<i32>} : memref<8x128xf32, #tpu.memory_space<vmem>>, vector<1x16xf32>,
    %swap3A_40 = vector.shape_cast %swap3A_39 : vector<1x16xf32> to vector<16xf32>
    %swap3A_41 = vector.shape_cast %broadcast_in_dim3A_18 : vector<16xf32> to vector<1x16xf32>
    tpu.vector_store %arg9[%swap3A_37, %swap3A_38], %swap3A_41 {strides = array<i32>} : memref<8x128xf32, #tpu.memory_space<vmem>>, vector<1x16xf32>,
    %swap3A_42 = arith.constant 0 : i32
    %swap3A_43 = arith.index_cast %swap3A_42 : i32 to index
    %swap3A_44 = arith.constant 64 : index
    %swap3A_45 = tpu.vector_load %arg9[%swap3A_43, %swap3A_44] {strides = array<i32>} : memref<8x128xf32, #tpu.memory_space<vmem>>, vector<1x16xf32>,
    %swap3A_46 = vector.shape_cast %swap3A_45 : vector<1x16xf32> to vector<16xf32>
    %swap3A_47 = vector.shape_cast %broadcast_in_dim3A_18 : vector<16xf32> to vector<1x16xf32>
    tpu.vector_store %arg9[%swap3A_43, %swap3A_44], %swap3A_47 {strides = array<i32>} : memref<8x128xf32, #tpu.memory_space<vmem>>, vector<1x16xf32>,
    %swap3A_48 = arith.constant 0 : i32
    %swap3A_49 = arith.index_cast %swap3A_48 : i32 to index
    %swap3A_50 = arith.constant 80 : index
    %swap3A_51 = tpu.vector_load %arg9[%swap3A_49, %swap3A_50] {strides = array<i32>} : memref<8x128xf32, #tpu.memory_space<vmem>>, vector<1x16xf32>,
    %swap3A_52 = vector.shape_cast %swap3A_51 : vector<1x16xf32> to vector<16xf32>
    %swap3A_53 = vector.shape_cast %broadcast_in_dim3A_18 : vector<16xf32> to vector<1x16xf32>
    tpu.vector_store %arg9[%swap3A_49, %swap3A_50], %swap3A_53 {strides = array<i32>} : memref<8x128xf32, #tpu.memory_space<vmem>>, vector<1x16xf32>,
    %swap3A_54 = arith.constant 0 : i32
    %swap3A_55 = arith.index_cast %swap3A_54 : i32 to index
    %swap3A_56 = arith.constant 96 : index
    %swap3A_57 = tpu.vector_load %arg9[%swap3A_55, %swap3A_56] {strides = array<i32>} : memref<8x128xf32, #tpu.memory_space<vmem>>, vector<1x16xf32>,
    %swap3A_58 = vector.shape_cast %swap3A_57 : vector<1x16xf32> to vector<16xf32>
    %swap3A_59 = vector.shape_cast %broadcast_in_dim3A_18 : vector<16xf32> to vector<1x16xf32>
    tpu.vector_store %arg9[%swap3A_55, %swap3A_56], %swap3A_59 {strides = array<i32>} : memref<8x128xf32, #tpu.memory_space<vmem>>, vector<1x16xf32>,
    %swap3A_60 = arith.constant 0 : i32
    %swap3A_61 = arith.index_cast %swap3A_60 : i32 to index
    %swap3A_62 = arith.constant 112 : index
    %swap3A_63 = tpu.vector_load %arg9[%swap3A_61, %swap3A_62] {strides = array<i32>} : memref<8x128xf32, #tpu.memory_space<vmem>>, vector<1x16xf32>,
    %swap3A_64 = vector.shape_cast %swap3A_63 : vector<1x16xf32> to vector<16xf32>
    %swap3A_65 = vector.shape_cast %broadcast_in_dim3A_18 : vector<16xf32> to vector<1x16xf32>
    tpu.vector_store %arg9[%swap3A_61, %swap3A_62], %swap3A_65 {strides = array<i32>} : memref<8x128xf32, #tpu.memory_space<vmem>>, vector<1x16xf32>,
    %swap3A_66 = arith.constant 1 : i32
    %swap3A_67 = arith.index_cast %swap3A_66 : i32 to index
    %swap3A_68 = arith.constant 0 : index
    %swap3A_69 = tpu.vector_load %arg9[%swap3A_67, %swap3A_68] {strides = array<i32>} : memref<8x128xf32, #tpu.memory_space<vmem>>, vector<1x16xf32>,
    %swap3A_70 = vector.shape_cast %swap3A_69 : vector<1x16xf32> to vector<16xf32>
    %swap3A_71 = vector.shape_cast %broadcast_in_dim3A_18 : vector<16xf32> to vector<1x16xf32>
    tpu.vector_store %arg9[%swap3A_67, %swap3A_68], %swap3A_71 {strides = array<i32>} : memref<8x128xf32, #tpu.memory_space<vmem>>, vector<1x16xf32>,
    %swap3A_72 = arith.constant 1 : i32
    %swap3A_73 = arith.index_cast %swap3A_72 : i32 to index
    %swap3A_74 = arith.constant 16 : index
    %swap3A_75 = tpu.vector_load %arg9[%swap3A_73, %swap3A_74] {strides = array<i32>} : memref<8x128xf32, #tpu.memory_space<vmem>>, vector<1x16xf32>,
    %swap3A_76 = vector.shape_cast %swap3A_75 : vector<1x16xf32> to vector<16xf32>
    %swap3A_77 = vector.shape_cast %broadcast_in_dim3A_18 : vector<16xf32> to vector<1x16xf32>
    tpu.vector_store %arg9[%swap3A_73, %swap3A_74], %swap3A_77 {strides = array<i32>} : memref<8x128xf32, #tpu.memory_space<vmem>>, vector<1x16xf32>,
    %swap3A_78 = arith.constant 1 : i32
    %swap3A_79 = arith.index_cast %swap3A_78 : i32 to index
    %swap3A_80 = arith.constant 32 : index
    %swap3A_81 = tpu.vector_load %arg9[%swap3A_79, %swap3A_80] {strides = array<i32>} : memref<8x128xf32, #tpu.memory_space<vmem>>, vector<1x16xf32>,
    %swap3A_82 = vector.shape_cast %swap3A_81 : vector<1x16xf32> to vector<16xf32>
    %swap3A_83 = vector.shape_cast %broadcast_in_dim3A_18 : vector<16xf32> to vector<1x16xf32>
    tpu.vector_store %arg9[%swap3A_79, %swap3A_80], %swap3A_83 {strides = array<i32>} : memref<8x128xf32, #tpu.memory_space<vmem>>, vector<1x16xf32>,
    %swap3A_84 = arith.constant 1 : i32
    %swap3A_85 = arith.index_cast %swap3A_84 : i32 to index
    %swap3A_86 = arith.constant 48 : index
    %swap3A_87 = tpu.vector_load %arg9[%swap3A_85, %swap3A_86] {strides = array<i32>} : memref<8x128xf32, #tpu.memory_space<vmem>>, vector<1x16xf32>,
    %swap3A_88 = vector.shape_cast %swap3A_87 : vector<1x16xf32> to vector<16xf32>
    %swap3A_89 = vector.shape_cast %broadcast_in_dim3A_18 : vector<16xf32> to vector<1x16xf32>
    tpu.vector_store %arg9[%swap3A_85, %swap3A_86], %swap3A_89 {strides = array<i32>} : memref<8x128xf32, #tpu.memory_space<vmem>>, vector<1x16xf32>,
    %swap3A_90 = arith.constant 1 : i32
    %swap3A_91 = arith.index_cast %swap3A_90 : i32 to index
    %swap3A_92 = arith.constant 64 : index
    %swap3A_93 = tpu.vector_load %arg9[%swap3A_91, %swap3A_92] {strides = array<i32>} : memref<8x128xf32, #tpu.memory_space<vmem>>, vector<1x16xf32>,
    %swap3A_94 = vector.shape_cast %swap3A_93 : vector<1x16xf32> to vector<16xf32>
    %swap3A_95 = vector.shape_cast %broadcast_in_dim3A_18 : vector<16xf32> to vector<1x16xf32>
    tpu.vector_store %arg9[%swap3A_91, %swap3A_92], %swap3A_95 {strides = array<i32>} : memref<8x128xf32, #tpu.memory_space<vmem>>, vector<1x16xf32>,
    %swap3A_96 = arith.constant 1 : i32
    %swap3A_97 = arith.index_cast %swap3A_96 : i32 to index
    %swap3A_98 = arith.constant 80 : index
    %swap3A_99 = tpu.vector_load %arg9[%swap3A_97, %swap3A_98] {strides = array<i32>} : memref<8x128xf32, #tpu.memory_space<vmem>>, vector<1x16xf32>,
    %swap3A_100 = vector.shape_cast %swap3A_99 : vector<1x16xf32> to vector<16xf32>
    %swap3A_101 = vector.shape_cast %broadcast_in_dim3A_18 : vector<16xf32> to vector<1x16xf32>
    tpu.vector_store %arg9[%swap3A_97, %swap3A_98], %swap3A_101 {strides = array<i32>} : memref<8x128xf32, #tpu.memory_space<vmem>>, vector<1x16xf32>,
    %swap3A_102 = arith.constant 1 : i32
    %swap3A_103 = arith.index_cast %swap3A_102 : i32 to index
    %swap3A_104 = arith.constant 96 : index
    %swap3A_105 = tpu.vector_load %arg9[%swap3A_103, %swap3A_104] {strides = array<i32>} : memref<8x128xf32, #tpu.memory_space<vmem>>, vector<1x16xf32>,
    %swap3A_106 = vector.shape_cast %swap3A_105 : vector<1x16xf32> to vector<16xf32>
    %swap3A_107 = vector.shape_cast %broadcast_in_dim3A_18 : vector<16xf32> to vector<1x16xf32>
    tpu.vector_store %arg9[%swap3A_103, %swap3A_104], %swap3A_107 {strides = array<i32>} : memref<8x128xf32, #tpu.memory_space<vmem>>, vector<1x16xf32>,
    %swap3A_108 = arith.constant 1 : i32
    %swap3A_109 = arith.index_cast %swap3A_108 : i32 to index
    %swap3A_110 = arith.constant 112 : index
    %swap3A_111 = tpu.vector_load %arg9[%swap3A_109, %swap3A_110] {strides = array<i32>} : memref<8x128xf32, #tpu.memory_space<vmem>>, vector<1x16xf32>,
    %swap3A_112 = vector.shape_cast %swap3A_111 : vector<1x16xf32> to vector<16xf32>
    %swap3A_113 = vector.shape_cast %broadcast_in_dim3A_18 : vector<16xf32> to vector<1x16xf32>
    tpu.vector_store %arg9[%swap3A_109, %swap3A_110], %swap3A_113 {strides = array<i32>} : memref<8x128xf32, #tpu.memory_space<vmem>>, vector<1x16xf32>,
    %swap3A_114 = arith.constant 2 : i32
    %swap3A_115 = arith.index_cast %swap3A_114 : i32 to index
    %swap3A_116 = arith.constant 0 : index
    %swap3A_117 = tpu.vector_load %arg9[%swap3A_115, %swap3A_116] {strides = array<i32>} : memref<8x128xf32, #tpu.memory_space<vmem>>, vector<1x16xf32>,
    %swap3A_118 = vector.shape_cast %swap3A_117 : vector<1x16xf32> to vector<16xf32>
    %swap3A_119 = vector.shape_cast %broadcast_in_dim3A_18 : vector<16xf32> to vector<1x16xf32>
    tpu.vector_store %arg9[%swap3A_115, %swap3A_116], %swap3A_119 {strides = array<i32>} : memref<8x128xf32, #tpu.memory_space<vmem>>, vector<1x16xf32>,
    %swap3A_120 = arith.constant 2 : i32
    %swap3A_121 = arith.index_cast %swap3A_120 : i32 to index
    %swap3A_122 = arith.constant 16 : index
    %swap3A_123 = tpu.vector_load %arg9[%swap3A_121, %swap3A_122] {strides = array<i32>} : memref<8x128xf32, #tpu.memory_space<vmem>>, vector<1x16xf32>,
    %swap3A_124 = vector.shape_cast %swap3A_123 : vector<1x16xf32> to vector<16xf32>
    %swap3A_125 = vector.shape_cast %broadcast_in_dim3A_18 : vector<16xf32> to vector<1x16xf32>
    tpu.vector_store %arg9[%swap3A_121, %swap3A_122], %swap3A_125 {strides = array<i32>} : memref<8x128xf32, #tpu.memory_space<vmem>>, vector<1x16xf32>,
    %swap3A_126 = arith.constant 2 : i32
    %swap3A_127 = arith.index_cast %swap3A_126 : i32 to index
    %swap3A_128 = arith.constant 32 : index
    %swap3A_129 = tpu.vector_load %arg9[%swap3A_127, %swap3A_128] {strides = array<i32>} : memref<8x128xf32, #tpu.memory_space<vmem>>, vector<1x16xf32>,
    %swap3A_130 = vector.shape_cast %swap3A_129 : vector<1x16xf32> to vector<16xf32>
    %swap3A_131 = vector.shape_cast %broadcast_in_dim3A_18 : vector<16xf32> to vector<1x16xf32>
    tpu.vector_store %arg9[%swap3A_127, %swap3A_128], %swap3A_131 {strides = array<i32>} : memref<8x128xf32, #tpu.memory_space<vmem>>, vector<1x16xf32>,
    %swap3A_132 = arith.constant 2 : i32
    %swap3A_133 = arith.index_cast %swap3A_132 : i32 to index
    %swap3A_134 = arith.constant 48 : index
    %swap3A_135 = tpu.vector_load %arg9[%swap3A_133, %swap3A_134] {strides = array<i32>} : memref<8x128xf32, #tpu.memory_space<vmem>>, vector<1x16xf32>,
    %swap3A_136 = vector.shape_cast %swap3A_135 : vector<1x16xf32> to vector<16xf32>
    %swap3A_137 = vector.shape_cast %broadcast_in_dim3A_18 : vector<16xf32> to vector<1x16xf32>
    tpu.vector_store %arg9[%swap3A_133, %swap3A_134], %swap3A_137 {strides = array<i32>} : memref<8x128xf32, #tpu.memory_space<vmem>>, vector<1x16xf32>,
    %swap3A_138 = arith.constant 2 : i32
    %swap3A_139 = arith.index_cast %swap3A_138 : i32 to index
    %swap3A_140 = arith.constant 64 : index
    %swap3A_141 = tpu.vector_load %arg9[%swap3A_139, %swap3A_140] {strides = array<i32>} : memref<8x128xf32, #tpu.memory_space<vmem>>, vector<1x16xf32>,
    %swap3A_142 = vector.shape_cast %swap3A_141 : vector<1x16xf32> to vector<16xf32>
    %swap3A_143 = vector.shape_cast %broadcast_in_dim3A_18 : vector<16xf32> to vector<1x16xf32>
    tpu.vector_store %arg9[%swap3A_139, %swap3A_140], %swap3A_143 {strides = array<i32>} : memref<8x128xf32, #tpu.memory_space<vmem>>, vector<1x16xf32>,
    %swap3A_144 = arith.constant 2 : i32
    %swap3A_145 = arith.index_cast %swap3A_144 : i32 to index
    %swap3A_146 = arith.constant 80 : index
    %swap3A_147 = tpu.vector_load %arg9[%swap3A_145, %swap3A_146] {strides = array<i32>} : memref<8x128xf32, #tpu.memory_space<vmem>>, vector<1x16xf32>,
    %swap3A_148 = vector.shape_cast %swap3A_147 : vector<1x16xf32> to vector<16xf32>
    %swap3A_149 = vector.shape_cast %broadcast_in_dim3A_18 : vector<16xf32> to vector<1x16xf32>
    tpu.vector_store %arg9[%swap3A_145, %swap3A_146], %swap3A_149 {strides = array<i32>} : memref<8x128xf32, #tpu.memory_space<vmem>>, vector<1x16xf32>,
    %swap3A_150 = arith.constant 2 : i32
    %swap3A_151 = arith.index_cast %swap3A_150 : i32 to index
    %swap3A_152 = arith.constant 96 : index
    %swap3A_153 = tpu.vector_load %arg9[%swap3A_151, %swap3A_152] {strides = array<i32>} : memref<8x128xf32, #tpu.memory_space<vmem>>, vector<1x16xf32>,
    %swap3A_154 = vector.shape_cast %swap3A_153 : vector<1x16xf32> to vector<16xf32>
    %swap3A_155 = vector.shape_cast %broadcast_in_dim3A_18 : vector<16xf32> to vector<1x16xf32>
    tpu.vector_store %arg9[%swap3A_151, %swap3A_152], %swap3A_155 {strides = array<i32>} : memref<8x128xf32, #tpu.memory_space<vmem>>, vector<1x16xf32>,
    %swap3A_156 = arith.constant 2 : i32
    %swap3A_157 = arith.index_cast %swap3A_156 : i32 to index
    %swap3A_158 = arith.constant 112 : index
    %swap3A_159 = tpu.vector_load %arg9[%swap3A_157, %swap3A_158] {strides = array<i32>} : memref<8x128xf32, #tpu.memory_space<vmem>>, vector<1x16xf32>,
    %swap3A_160 = vector.shape_cast %swap3A_159 : vector<1x16xf32> to vector<16xf32>
    %swap3A_161 = vector.shape_cast %broadcast_in_dim3A_18 : vector<16xf32> to vector<1x16xf32>
    tpu.vector_store %arg9[%swap3A_157, %swap3A_158], %swap3A_161 {strides = array<i32>} : memref<8x128xf32, #tpu.memory_space<vmem>>, vector<1x16xf32>,
    %swap3A_162 = arith.constant 3 : i32
    %swap3A_163 = arith.index_cast %swap3A_162 : i32 to index
    %swap3A_164 = arith.constant 0 : index
    %swap3A_165 = tpu.vector_load %arg9[%swap3A_163, %swap3A_164] {strides = array<i32>} : memref<8x128xf32, #tpu.memory_space<vmem>>, vector<1x16xf32>,
    %swap3A_166 = vector.shape_cast %swap3A_165 : vector<1x16xf32> to vector<16xf32>
    %swap3A_167 = vector.shape_cast %broadcast_in_dim3A_18 : vector<16xf32> to vector<1x16xf32>
    tpu.vector_store %arg9[%swap3A_163, %swap3A_164], %swap3A_167 {strides = array<i32>} : memref<8x128xf32, #tpu.memory_space<vmem>>, vector<1x16xf32>,
    %swap3A_168 = arith.constant 3 : i32
    %swap3A_169 = arith.index_cast %swap3A_168 : i32 to index
    %swap3A_170 = arith.constant 16 : index
    %swap3A_171 = tpu.vector_load %arg9[%swap3A_169, %swap3A_170] {strides = array<i32>} : memref<8x128xf32, #tpu.memory_space<vmem>>, vector<1x16xf32>,
    %swap3A_172 = vector.shape_cast %swap3A_171 : vector<1x16xf32> to vector<16xf32>
    %swap3A_173 = vector.shape_cast %broadcast_in_dim3A_18 : vector<16xf32> to vector<1x16xf32>
    tpu.vector_store %arg9[%swap3A_169, %swap3A_170], %swap3A_173 {strides = array<i32>} : memref<8x128xf32, #tpu.memory_space<vmem>>, vector<1x16xf32>,
    %swap3A_174 = arith.constant 3 : i32
    %swap3A_175 = arith.index_cast %swap3A_174 : i32 to index
    %swap3A_176 = arith.constant 32 : index
    %swap3A_177 = tpu.vector_load %arg9[%swap3A_175, %swap3A_176] {strides = array<i32>} : memref<8x128xf32, #tpu.memory_space<vmem>>, vector<1x16xf32>,
    %swap3A_178 = vector.shape_cast %swap3A_177 : vector<1x16xf32> to vector<16xf32>
    %swap3A_179 = vector.shape_cast %broadcast_in_dim3A_18 : vector<16xf32> to vector<1x16xf32>
    tpu.vector_store %arg9[%swap3A_175, %swap3A_176], %swap3A_179 {strides = array<i32>} : memref<8x128xf32, #tpu.memory_space<vmem>>, vector<1x16xf32>,
    %swap3A_180 = arith.constant 3 : i32
    %swap3A_181 = arith.index_cast %swap3A_180 : i32 to index
    %swap3A_182 = arith.constant 48 : index
    %swap3A_183 = tpu.vector_load %arg9[%swap3A_181, %swap3A_182] {strides = array<i32>} : memref<8x128xf32, #tpu.memory_space<vmem>>, vector<1x16xf32>,
    %swap3A_184 = vector.shape_cast %swap3A_183 : vector<1x16xf32> to vector<16xf32>
    %swap3A_185 = vector.shape_cast %broadcast_in_dim3A_18 : vector<16xf32> to vector<1x16xf32>
    tpu.vector_store %arg9[%swap3A_181, %swap3A_182], %swap3A_185 {strides = array<i32>} : memref<8x128xf32, #tpu.memory_space<vmem>>, vector<1x16xf32>,
    %swap3A_186 = arith.constant 3 : i32
    %swap3A_187 = arith.index_cast %swap3A_186 : i32 to index
    %swap3A_188 = arith.constant 64 : index
    %swap3A_189 = tpu.vector_load %arg9[%swap3A_187, %swap3A_188] {strides = array<i32>} : memref<8x128xf32, #tpu.memory_space<vmem>>, vector<1x16xf32>,
    %swap3A_190 = vector.shape_cast %swap3A_189 : vector<1x16xf32> to vector<16xf32>
    %swap3A_191 = vector.shape_cast %broadcast_in_dim3A_18 : vector<16xf32> to vector<1x16xf32>
    tpu.vector_store %arg9[%swap3A_187, %swap3A_188], %swap3A_191 {strides = array<i32>} : memref<8x128xf32, #tpu.memory_space<vmem>>, vector<1x16xf32>,
    %swap3A_192 = arith.constant 3 : i32
    %swap3A_193 = arith.index_cast %swap3A_192 : i32 to index
    %swap3A_194 = arith.constant 80 : index
    %swap3A_195 = tpu.vector_load %arg9[%swap3A_193, %swap3A_194] {strides = array<i32>} : memref<8x128xf32, #tpu.memory_space<vmem>>, vector<1x16xf32>,
    %swap3A_196 = vector.shape_cast %swap3A_195 : vector<1x16xf32> to vector<16xf32>
    %swap3A_197 = vector.shape_cast %broadcast_in_dim3A_18 : vector<16xf32> to vector<1x16xf32>
    tpu.vector_store %arg9[%swap3A_193, %swap3A_194], %swap3A_197 {strides = array<i32>} : memref<8x128xf32, #tpu.memory_space<vmem>>, vector<1x16xf32>,
    %swap3A_198 = arith.constant 3 : i32
    %swap3A_199 = arith.index_cast %swap3A_198 : i32 to index
    %swap3A_200 = arith.constant 96 : index
    %swap3A_201 = tpu.vector_load %arg9[%swap3A_199, %swap3A_200] {strides = array<i32>} : memref<8x128xf32, #tpu.memory_space<vmem>>, vector<1x16xf32>,
    %swap3A_202 = vector.shape_cast %swap3A_201 : vector<1x16xf32> to vector<16xf32>
    %swap3A_203 = vector.shape_cast %broadcast_in_dim3A_18 : vector<16xf32> to vector<1x16xf32>
    tpu.vector_store %arg9[%swap3A_199, %swap3A_200], %swap3A_203 {strides = array<i32>} : memref<8x128xf32, #tpu.memory_space<vmem>>, vector<1x16xf32>,
    %swap3A_204 = arith.constant 3 : i32
    %swap3A_205 = arith.index_cast %swap3A_204 : i32 to index
    %swap3A_206 = arith.constant 112 : index
    %swap3A_207 = tpu.vector_load %arg9[%swap3A_205, %swap3A_206] {strides = array<i32>} : memref<8x128xf32, #tpu.memory_space<vmem>>, vector<1x16xf32>,
    %swap3A_208 = vector.shape_cast %swap3A_207 : vector<1x16xf32> to vector<16xf32>
    %swap3A_209 = vector.shape_cast %broadcast_in_dim3A_18 : vector<16xf32> to vector<1x16xf32>
    tpu.vector_store %arg9[%swap3A_205, %swap3A_206], %swap3A_209 {strides = array<i32>} : memref<8x128xf32, #tpu.memory_space<vmem>>, vector<1x16xf32>,
    %swap3A_210 = arith.constant 4 : i32
    %swap3A_211 = arith.index_cast %swap3A_210 : i32 to index
    %swap3A_212 = arith.constant 0 : index
    %swap3A_213 = tpu.vector_load %arg9[%swap3A_211, %swap3A_212] {strides = array<i32>} : memref<8x128xf32, #tpu.memory_space<vmem>>, vector<1x16xf32>,
    %swap3A_214 = vector.shape_cast %swap3A_213 : vector<1x16xf32> to vector<16xf32>
    %swap3A_215 = vector.shape_cast %broadcast_in_dim3A_18 : vector<16xf32> to vector<1x16xf32>
    tpu.vector_store %arg9[%swap3A_211, %swap3A_212], %swap3A_215 {strides = array<i32>} : memref<8x128xf32, #tpu.memory_space<vmem>>, vector<1x16xf32>,
    %swap3A_216 = arith.constant 4 : i32
    %swap3A_217 = arith.index_cast %swap3A_216 : i32 to index
    %swap3A_218 = arith.constant 16 : index
    %swap3A_219 = tpu.vector_load %arg9[%swap3A_217, %swap3A_218] {strides = array<i32>} : memref<8x128xf32, #tpu.memory_space<vmem>>, vector<1x16xf32>,
    %swap3A_220 = vector.shape_cast %swap3A_219 : vector<1x16xf32> to vector<16xf32>
    %swap3A_221 = vector.shape_cast %broadcast_in_dim3A_18 : vector<16xf32> to vector<1x16xf32>
    tpu.vector_store %arg9[%swap3A_217, %swap3A_218], %swap3A_221 {strides = array<i32>} : memref<8x128xf32, #tpu.memory_space<vmem>>, vector<1x16xf32>,
    %swap3A_222 = arith.constant 4 : i32
    %swap3A_223 = arith.index_cast %swap3A_222 : i32 to index
    %swap3A_224 = arith.constant 32 : index
    %swap3A_225 = tpu.vector_load %arg9[%swap3A_223, %swap3A_224] {strides = array<i32>} : memref<8x128xf32, #tpu.memory_space<vmem>>, vector<1x16xf32>,
    %swap3A_226 = vector.shape_cast %swap3A_225 : vector<1x16xf32> to vector<16xf32>
    %swap3A_227 = vector.shape_cast %broadcast_in_dim3A_18 : vector<16xf32> to vector<1x16xf32>
    tpu.vector_store %arg9[%swap3A_223, %swap3A_224], %swap3A_227 {strides = array<i32>} : memref<8x128xf32, #tpu.memory_space<vmem>>, vector<1x16xf32>,
    %swap3A_228 = arith.constant 4 : i32
    %swap3A_229 = arith.index_cast %swap3A_228 : i32 to index
    %swap3A_230 = arith.constant 48 : index
    %swap3A_231 = tpu.vector_load %arg9[%swap3A_229, %swap3A_230] {strides = array<i32>} : memref<8x128xf32, #tpu.memory_space<vmem>>, vector<1x16xf32>,
    %swap3A_232 = vector.shape_cast %swap3A_231 : vector<1x16xf32> to vector<16xf32>
    %swap3A_233 = vector.shape_cast %broadcast_in_dim3A_18 : vector<16xf32> to vector<1x16xf32>
    tpu.vector_store %arg9[%swap3A_229, %swap3A_230], %swap3A_233 {strides = array<i32>} : memref<8x128xf32, #tpu.memory_space<vmem>>, vector<1x16xf32>,
    %swap3A_234 = arith.constant 4 : i32
    %swap3A_235 = arith.index_cast %swap3A_234 : i32 to index
    %swap3A_236 = arith.constant 64 : index
    %swap3A_237 = tpu.vector_load %arg9[%swap3A_235, %swap3A_236] {strides = array<i32>} : memref<8x128xf32, #tpu.memory_space<vmem>>, vector<1x16xf32>,
    %swap3A_238 = vector.shape_cast %swap3A_237 : vector<1x16xf32> to vector<16xf32>
    %swap3A_239 = vector.shape_cast %broadcast_in_dim3A_18 : vector<16xf32> to vector<1x16xf32>
    tpu.vector_store %arg9[%swap3A_235, %swap3A_236], %swap3A_239 {strides = array<i32>} : memref<8x128xf32, #tpu.memory_space<vmem>>, vector<1x16xf32>,
    %swap3A_240 = arith.constant 4 : i32
    %swap3A_241 = arith.index_cast %swap3A_240 : i32 to index
    %swap3A_242 = arith.constant 80 : index
    %swap3A_243 = tpu.vector_load %arg9[%swap3A_241, %swap3A_242] {strides = array<i32>} : memref<8x128xf32, #tpu.memory_space<vmem>>, vector<1x16xf32>,
    %swap3A_244 = vector.shape_cast %swap3A_243 : vector<1x16xf32> to vector<16xf32>
    %swap3A_245 = vector.shape_cast %broadcast_in_dim3A_18 : vector<16xf32> to vector<1x16xf32>
    tpu.vector_store %arg9[%swap3A_241, %swap3A_242], %swap3A_245 {strides = array<i32>} : memref<8x128xf32, #tpu.memory_space<vmem>>, vector<1x16xf32>,
    %swap3A_246 = arith.constant 4 : i32
    %swap3A_247 = arith.index_cast %swap3A_246 : i32 to index
    %swap3A_248 = arith.constant 96 : index
    %swap3A_249 = tpu.vector_load %arg9[%swap3A_247, %swap3A_248] {strides = array<i32>} : memref<8x128xf32, #tpu.memory_space<vmem>>, vector<1x16xf32>,
    %swap3A_250 = vector.shape_cast %swap3A_249 : vector<1x16xf32> to vector<16xf32>
    %swap3A_251 = vector.shape_cast %broadcast_in_dim3A_18 : vector<16xf32> to vector<1x16xf32>
    tpu.vector_store %arg9[%swap3A_247, %swap3A_248], %swap3A_251 {strides = array<i32>} : memref<8x128xf32, #tpu.memory_space<vmem>>, vector<1x16xf32>,
    %swap3A_252 = arith.constant 4 : i32
    %swap3A_253 = arith.index_cast %swap3A_252 : i32 to index
    %swap3A_254 = arith.constant 112 : index
    %swap3A_255 = tpu.vector_load %arg9[%swap3A_253, %swap3A_254] {strides = array<i32>} : memref<8x128xf32, #tpu.memory_space<vmem>>, vector<1x16xf32>,
    %swap3A_256 = vector.shape_cast %swap3A_255 : vector<1x16xf32> to vector<16xf32>
    %swap3A_257 = vector.shape_cast %broadcast_in_dim3A_18 : vector<16xf32> to vector<1x16xf32>
    tpu.vector_store %arg9[%swap3A_253, %swap3A_254], %swap3A_257 {strides = array<i32>} : memref<8x128xf32, #tpu.memory_space<vmem>>, vector<1x16xf32>,
    %swap3A_258 = arith.constant 5 : i32
    %swap3A_259 = arith.index_cast %swap3A_258 : i32 to index
    %swap3A_260 = arith.constant 0 : index
    %swap3A_261 = tpu.vector_load %arg9[%swap3A_259, %swap3A_260] {strides = array<i32>} : memref<8x128xf32, #tpu.memory_space<vmem>>, vector<1x16xf32>,
    %swap3A_262 = vector.shape_cast %swap3A_261 : vector<1x16xf32> to vector<16xf32>
    %swap3A_263 = vector.shape_cast %broadcast_in_dim3A_18 : vector<16xf32> to vector<1x16xf32>
    tpu.vector_store %arg9[%swap3A_259, %swap3A_260], %swap3A_263 {strides = array<i32>} : memref<8x128xf32, #tpu.memory_space<vmem>>, vector<1x16xf32>,
    %swap3A_264 = arith.constant 5 : i32
    %swap3A_265 = arith.index_cast %swap3A_264 : i32 to index
    %swap3A_266 = arith.constant 16 : index
    %swap3A_267 = tpu.vector_load %arg9[%swap3A_265, %swap3A_266] {strides = array<i32>} : memref<8x128xf32, #tpu.memory_space<vmem>>, vector<1x16xf32>,
    %swap3A_268 = vector.shape_cast %swap3A_267 : vector<1x16xf32> to vector<16xf32>
    %swap3A_269 = vector.shape_cast %broadcast_in_dim3A_18 : vector<16xf32> to vector<1x16xf32>
    tpu.vector_store %arg9[%swap3A_265, %swap3A_266], %swap3A_269 {strides = array<i32>} : memref<8x128xf32, #tpu.memory_space<vmem>>, vector<1x16xf32>,
    %swap3A_270 = arith.constant 5 : i32
    %swap3A_271 = arith.index_cast %swap3A_270 : i32 to index
    %swap3A_272 = arith.constant 32 : index
    %swap3A_273 = tpu.vector_load %arg9[%swap3A_271, %swap3A_272] {strides = array<i32>} : memref<8x128xf32, #tpu.memory_space<vmem>>, vector<1x16xf32>,
    %swap3A_274 = vector.shape_cast %swap3A_273 : vector<1x16xf32> to vector<16xf32>
    %swap3A_275 = vector.shape_cast %broadcast_in_dim3A_18 : vector<16xf32> to vector<1x16xf32>
    tpu.vector_store %arg9[%swap3A_271, %swap3A_272], %swap3A_275 {strides = array<i32>} : memref<8x128xf32, #tpu.memory_space<vmem>>, vector<1x16xf32>,
    %swap3A_276 = arith.constant 5 : i32
    %swap3A_277 = arith.index_cast %swap3A_276 : i32 to index
    %swap3A_278 = arith.constant 48 : index
    %swap3A_279 = tpu.vector_load %arg9[%swap3A_277, %swap3A_278] {strides = array<i32>} : memref<8x128xf32, #tpu.memory_space<vmem>>, vector<1x16xf32>,
    %swap3A_280 = vector.shape_cast %swap3A_279 : vector<1x16xf32> to vector<16xf32>
    %swap3A_281 = vector.shape_cast %broadcast_in_dim3A_18 : vector<16xf32> to vector<1x16xf32>
    tpu.vector_store %arg9[%swap3A_277, %swap3A_278], %swap3A_281 {strides = array<i32>} : memref<8x128xf32, #tpu.memory_space<vmem>>, vector<1x16xf32>,
    %swap3A_282 = arith.constant 5 : i32
    %swap3A_283 = arith.index_cast %swap3A_282 : i32 to index
    %swap3A_284 = arith.constant 64 : index
    %swap3A_285 = tpu.vector_load %arg9[%swap3A_283, %swap3A_284] {strides = array<i32>} : memref<8x128xf32, #tpu.memory_space<vmem>>, vector<1x16xf32>,
    %swap3A_286 = vector.shape_cast %swap3A_285 : vector<1x16xf32> to vector<16xf32>
    %swap3A_287 = vector.shape_cast %broadcast_in_dim3A_18 : vector<16xf32> to vector<1x16xf32>
    tpu.vector_store %arg9[%swap3A_283, %swap3A_284], %swap3A_287 {strides = array<i32>} : memref<8x128xf32, #tpu.memory_space<vmem>>, vector<1x16xf32>,
    %swap3A_288 = arith.constant 5 : i32
    %swap3A_289 = arith.index_cast %swap3A_288 : i32 to index
    %swap3A_290 = arith.constant 80 : index
    %swap3A_291 = tpu.vector_load %arg9[%swap3A_289, %swap3A_290] {strides = array<i32>} : memref<8x128xf32, #tpu.memory_space<vmem>>, vector<1x16xf32>,
    %swap3A_292 = vector.shape_cast %swap3A_291 : vector<1x16xf32> to vector<16xf32>
    %swap3A_293 = vector.shape_cast %broadcast_in_dim3A_18 : vector<16xf32> to vector<1x16xf32>
    tpu.vector_store %arg9[%swap3A_289, %swap3A_290], %swap3A_293 {strides = array<i32>} : memref<8x128xf32, #tpu.memory_space<vmem>>, vector<1x16xf32>,
    %swap3A_294 = arith.constant 5 : i32
    %swap3A_295 = arith.index_cast %swap3A_294 : i32 to index
    %swap3A_296 = arith.constant 96 : index
    %swap3A_297 = tpu.vector_load %arg9[%swap3A_295, %swap3A_296] {strides = array<i32>} : memref<8x128xf32, #tpu.memory_space<vmem>>, vector<1x16xf32>,
    %swap3A_298 = vector.shape_cast %swap3A_297 : vector<1x16xf32> to vector<16xf32>
    %swap3A_299 = vector.shape_cast %broadcast_in_dim3A_18 : vector<16xf32> to vector<1x16xf32>
    tpu.vector_store %arg9[%swap3A_295, %swap3A_296], %swap3A_299 {strides = array<i32>} : memref<8x128xf32, #tpu.memory_space<vmem>>, vector<1x16xf32>,
    %swap3A_300 = arith.constant 5 : i32
    %swap3A_301 = arith.index_cast %swap3A_300 : i32 to index
    %swap3A_302 = arith.constant 112 : index
    %swap3A_303 = tpu.vector_load %arg9[%swap3A_301, %swap3A_302] {strides = array<i32>} : memref<8x128xf32, #tpu.memory_space<vmem>>, vector<1x16xf32>,
    %swap3A_304 = vector.shape_cast %swap3A_303 : vector<1x16xf32> to vector<16xf32>
    %swap3A_305 = vector.shape_cast %broadcast_in_dim3A_18 : vector<16xf32> to vector<1x16xf32>
    tpu.vector_store %arg9[%swap3A_301, %swap3A_302], %swap3A_305 {strides = array<i32>} : memref<8x128xf32, #tpu.memory_space<vmem>>, vector<1x16xf32>,
    %swap3A_306 = arith.constant 6 : i32
    %swap3A_307 = arith.index_cast %swap3A_306 : i32 to index
    %swap3A_308 = arith.constant 0 : index
    %swap3A_309 = tpu.vector_load %arg9[%swap3A_307, %swap3A_308] {strides = array<i32>} : memref<8x128xf32, #tpu.memory_space<vmem>>, vector<1x16xf32>,
    %swap3A_310 = vector.shape_cast %swap3A_309 : vector<1x16xf32> to vector<16xf32>
    %swap3A_311 = vector.shape_cast %broadcast_in_dim3A_18 : vector<16xf32> to vector<1x16xf32>
    tpu.vector_store %arg9[%swap3A_307, %swap3A_308], %swap3A_311 {strides = array<i32>} : memref<8x128xf32, #tpu.memory_space<vmem>>, vector<1x16xf32>,
    %swap3A_312 = arith.constant 6 : i32
    %swap3A_313 = arith.index_cast %swap3A_312 : i32 to index
    %swap3A_314 = arith.constant 16 : index
    %swap3A_315 = tpu.vector_load %arg9[%swap3A_313, %swap3A_314] {strides = array<i32>} : memref<8x128xf32, #tpu.memory_space<vmem>>, vector<1x16xf32>,
    %swap3A_316 = vector.shape_cast %swap3A_315 : vector<1x16xf32> to vector<16xf32>
    %swap3A_317 = vector.shape_cast %broadcast_in_dim3A_18 : vector<16xf32> to vector<1x16xf32>
    tpu.vector_store %arg9[%swap3A_313, %swap3A_314], %swap3A_317 {strides = array<i32>} : memref<8x128xf32, #tpu.memory_space<vmem>>, vector<1x16xf32>,
    %swap3A_318 = arith.constant 6 : i32
    %swap3A_319 = arith.index_cast %swap3A_318 : i32 to index
    %swap3A_320 = arith.constant 32 : index
    %swap3A_321 = tpu.vector_load %arg9[%swap3A_319, %swap3A_320] {strides = array<i32>} : memref<8x128xf32, #tpu.memory_space<vmem>>, vector<1x16xf32>,
    %swap3A_322 = vector.shape_cast %swap3A_321 : vector<1x16xf32> to vector<16xf32>
    %swap3A_323 = vector.shape_cast %broadcast_in_dim3A_18 : vector<16xf32> to vector<1x16xf32>
    tpu.vector_store %arg9[%swap3A_319, %swap3A_320], %swap3A_323 {strides = array<i32>} : memref<8x128xf32, #tpu.memory_space<vmem>>, vector<1x16xf32>,
    %swap3A_324 = arith.constant 6 : i32
    %swap3A_325 = arith.index_cast %swap3A_324 : i32 to index
    %swap3A_326 = arith.constant 48 : index
    %swap3A_327 = tpu.vector_load %arg9[%swap3A_325, %swap3A_326] {strides = array<i32>} : memref<8x128xf32, #tpu.memory_space<vmem>>, vector<1x16xf32>,
    %swap3A_328 = vector.shape_cast %swap3A_327 : vector<1x16xf32> to vector<16xf32>
    %swap3A_329 = vector.shape_cast %broadcast_in_dim3A_18 : vector<16xf32> to vector<1x16xf32>
    tpu.vector_store %arg9[%swap3A_325, %swap3A_326], %swap3A_329 {strides = array<i32>} : memref<8x128xf32, #tpu.memory_space<vmem>>, vector<1x16xf32>,
    %swap3A_330 = arith.constant 6 : i32
    %swap3A_331 = arith.index_cast %swap3A_330 : i32 to index
    %swap3A_332 = arith.constant 64 : index
    %swap3A_333 = tpu.vector_load %arg9[%swap3A_331, %swap3A_332] {strides = array<i32>} : memref<8x128xf32, #tpu.memory_space<vmem>>, vector<1x16xf32>,
    %swap3A_334 = vector.shape_cast %swap3A_333 : vector<1x16xf32> to vector<16xf32>
    %swap3A_335 = vector.shape_cast %broadcast_in_dim3A_18 : vector<16xf32> to vector<1x16xf32>
    tpu.vector_store %arg9[%swap3A_331, %swap3A_332], %swap3A_335 {strides = array<i32>} : memref<8x128xf32, #tpu.memory_space<vmem>>, vector<1x16xf32>,
    %swap3A_336 = arith.constant 6 : i32
    %swap3A_337 = arith.index_cast %swap3A_336 : i32 to index
    %swap3A_338 = arith.constant 80 : index
    %swap3A_339 = tpu.vector_load %arg9[%swap3A_337, %swap3A_338] {strides = array<i32>} : memref<8x128xf32, #tpu.memory_space<vmem>>, vector<1x16xf32>,
    %swap3A_340 = vector.shape_cast %swap3A_339 : vector<1x16xf32> to vector<16xf32>
    %swap3A_341 = vector.shape_cast %broadcast_in_dim3A_18 : vector<16xf32> to vector<1x16xf32>
    tpu.vector_store %arg9[%swap3A_337, %swap3A_338], %swap3A_341 {strides = array<i32>} : memref<8x128xf32, #tpu.memory_space<vmem>>, vector<1x16xf32>,
    %swap3A_342 = arith.constant 6 : i32
    %swap3A_343 = arith.index_cast %swap3A_342 : i32 to index
    %swap3A_344 = arith.constant 96 : index
    %swap3A_345 = tpu.vector_load %arg9[%swap3A_343, %swap3A_344] {strides = array<i32>} : memref<8x128xf32, #tpu.memory_space<vmem>>, vector<1x16xf32>,
    %swap3A_346 = vector.shape_cast %swap3A_345 : vector<1x16xf32> to vector<16xf32>
    %swap3A_347 = vector.shape_cast %broadcast_in_dim3A_18 : vector<16xf32> to vector<1x16xf32>
    tpu.vector_store %arg9[%swap3A_343, %swap3A_344], %swap3A_347 {strides = array<i32>} : memref<8x128xf32, #tpu.memory_space<vmem>>, vector<1x16xf32>,
    %swap3A_348 = arith.constant 6 : i32
    %swap3A_349 = arith.index_cast %swap3A_348 : i32 to index
    %swap3A_350 = arith.constant 112 : index
    %swap3A_351 = tpu.vector_load %arg9[%swap3A_349, %swap3A_350] {strides = array<i32>} : memref<8x128xf32, #tpu.memory_space<vmem>>, vector<1x16xf32>,
    %swap3A_352 = vector.shape_cast %swap3A_351 : vector<1x16xf32> to vector<16xf32>
    %swap3A_353 = vector.shape_cast %broadcast_in_dim3A_18 : vector<16xf32> to vector<1x16xf32>
    tpu.vector_store %arg9[%swap3A_349, %swap3A_350], %swap3A_353 {strides = array<i32>} : memref<8x128xf32, #tpu.memory_space<vmem>>, vector<1x16xf32>,
    %swap3A_354 = arith.constant 7 : i32
    %swap3A_355 = arith.index_cast %swap3A_354 : i32 to index
    %swap3A_356 = arith.constant 0 : index
    %swap3A_357 = tpu.vector_load %arg9[%swap3A_355, %swap3A_356] {strides = array<i32>} : memref<8x128xf32, #tpu.memory_space<vmem>>, vector<1x16xf32>,
    %swap3A_358 = vector.shape_cast %swap3A_357 : vector<1x16xf32> to vector<16xf32>
    %swap3A_359 = vector.shape_cast %broadcast_in_dim3A_18 : vector<16xf32> to vector<1x16xf32>
    tpu.vector_store %arg9[%swap3A_355, %swap3A_356], %swap3A_359 {strides = array<i32>} : memref<8x128xf32, #tpu.memory_space<vmem>>, vector<1x16xf32>,
    %swap3A_360 = arith.constant 7 : i32
    %swap3A_361 = arith.index_cast %swap3A_360 : i32 to index
    %swap3A_362 = arith.constant 16 : index
    %swap3A_363 = tpu.vector_load %arg9[%swap3A_361, %swap3A_362] {strides = array<i32>} : memref<8x128xf32, #tpu.memory_space<vmem>>, vector<1x16xf32>,
    %swap3A_364 = vector.shape_cast %swap3A_363 : vector<1x16xf32> to vector<16xf32>
    %swap3A_365 = vector.shape_cast %broadcast_in_dim3A_18 : vector<16xf32> to vector<1x16xf32>
    tpu.vector_store %arg9[%swap3A_361, %swap3A_362], %swap3A_365 {strides = array<i32>} : memref<8x128xf32, #tpu.memory_space<vmem>>, vector<1x16xf32>,
    %swap3A_366 = arith.constant 7 : i32
    %swap3A_367 = arith.index_cast %swap3A_366 : i32 to index
    %swap3A_368 = arith.constant 32 : index
    %swap3A_369 = tpu.vector_load %arg9[%swap3A_367, %swap3A_368] {strides = array<i32>} : memref<8x128xf32, #tpu.memory_space<vmem>>, vector<1x16xf32>,
    %swap3A_370 = vector.shape_cast %swap3A_369 : vector<1x16xf32> to vector<16xf32>
    %swap3A_371 = vector.shape_cast %broadcast_in_dim3A_18 : vector<16xf32> to vector<1x16xf32>
    tpu.vector_store %arg9[%swap3A_367, %swap3A_368], %swap3A_371 {strides = array<i32>} : memref<8x128xf32, #tpu.memory_space<vmem>>, vector<1x16xf32>,
    %swap3A_372 = arith.constant 7 : i32
    %swap3A_373 = arith.index_cast %swap3A_372 : i32 to index
    %swap3A_374 = arith.constant 48 : index
    %swap3A_375 = tpu.vector_load %arg9[%swap3A_373, %swap3A_374] {strides = array<i32>} : memref<8x128xf32, #tpu.memory_space<vmem>>, vector<1x16xf32>,
    %swap3A_376 = vector.shape_cast %swap3A_375 : vector<1x16xf32> to vector<16xf32>
    %swap3A_377 = vector.shape_cast %broadcast_in_dim3A_18 : vector<16xf32> to vector<1x16xf32>
    tpu.vector_store %arg9[%swap3A_373, %swap3A_374], %swap3A_377 {strides = array<i32>} : memref<8x128xf32, #tpu.memory_space<vmem>>, vector<1x16xf32>,
    %swap3A_378 = arith.constant 7 : i32
    %swap3A_379 = arith.index_cast %swap3A_378 : i32 to index
    %swap3A_380 = arith.constant 64 : index
    %swap3A_381 = tpu.vector_load %arg9[%swap3A_379, %swap3A_380] {strides = array<i32>} : memref<8x128xf32, #tpu.memory_space<vmem>>, vector<1x16xf32>,
    %swap3A_382 = vector.shape_cast %swap3A_381 : vector<1x16xf32> to vector<16xf32>
    %swap3A_383 = vector.shape_cast %broadcast_in_dim3A_18 : vector<16xf32> to vector<1x16xf32>
    tpu.vector_store %arg9[%swap3A_379, %swap3A_380], %swap3A_383 {strides = array<i32>} : memref<8x128xf32, #tpu.memory_space<vmem>>, vector<1x16xf32>,
    %swap3A_384 = arith.constant 7 : i32
    %swap3A_385 = arith.index_cast %swap3A_384 : i32 to index
    %swap3A_386 = arith.constant 80 : index
    %swap3A_387 = tpu.vector_load %arg9[%swap3A_385, %swap3A_386] {strides = array<i32>} : memref<8x128xf32, #tpu.memory_space<vmem>>, vector<1x16xf32>,
    %swap3A_388 = vector.shape_cast %swap3A_387 : vector<1x16xf32> to vector<16xf32>
    %swap3A_389 = vector.shape_cast %broadcast_in_dim3A_18 : vector<16xf32> to vector<1x16xf32>
    tpu.vector_store %arg9[%swap3A_385, %swap3A_386], %swap3A_389 {strides = array<i32>} : memref<8x128xf32, #tpu.memory_space<vmem>>, vector<1x16xf32>,
    %swap3A_390 = arith.constant 7 : i32
    %swap3A_391 = arith.index_cast %swap3A_390 : i32 to index
    %swap3A_392 = arith.constant 96 : index
    %swap3A_393 = tpu.vector_load %arg9[%swap3A_391, %swap3A_392] {strides = array<i32>} : memref<8x128xf32, #tpu.memory_space<vmem>>, vector<1x16xf32>,
    %swap3A_394 = vector.shape_cast %swap3A_393 : vector<1x16xf32> to vector<16xf32>
    %swap3A_395 = vector.shape_cast %broadcast_in_dim3A_18 : vector<16xf32> to vector<1x16xf32>
    tpu.vector_store %arg9[%swap3A_391, %swap3A_392], %swap3A_395 {strides = array<i32>} : memref<8x128xf32, #tpu.memory_space<vmem>>, vector<1x16xf32>,
    %swap3A_396 = arith.constant 7 : i32
    %swap3A_397 = arith.index_cast %swap3A_396 : i32 to index
    %swap3A_398 = arith.constant 112 : index
    %swap3A_399 = tpu.vector_load %arg9[%swap3A_397, %swap3A_398] {strides = array<i32>} : memref<8x128xf32, #tpu.memory_space<vmem>>, vector<1x16xf32>,
    %swap3A_400 = vector.shape_cast %swap3A_399 : vector<1x16xf32> to vector<16xf32>
    %swap3A_401 = vector.shape_cast %broadcast_in_dim3A_18 : vector<16xf32> to vector<1x16xf32>
    tpu.vector_store %arg9[%swap3A_397, %swap3A_398], %swap3A_401 {strides = array<i32>} : memref<8x128xf32, #tpu.memory_space<vmem>>, vector<1x16xf32>,
    %scan3A = arith.constant 0 : i32
    %scan3A_402 = arith.constant 0 : i32
    %scan3A_403 = arith.constant 79 : i32
    %scan3A_404 = arith.addi %scan3A_402, %scan3A_403 : i32
    %scan3A_405 = arith.constant 1 : i32
    scf.for %scan3A_491 = %scan3A_402 to %scan3A_404 step %scan3A_405  : i32 {
      %mul3A_492 = arith.constant 8 : i32
      %mul3A_493 = arith.muli %scan3A_491, %mul3A_492 : i32
      %add3A_494 = arith.addi %mul3A_2, %mul3A_493 : i32
      %dma_start3A_495 = arith.constant 0 : i32
      %dma_start3A_496 = tpu.memref_slice %arg10[%add3A_494, %dma_start3A_495] : memref<10112x128xf32, #tpu.memory_space<vmem_shared>> -> memref<8x128xf32, #tpu.memory_space<vmem_shared>>
      %dma_start3A_497 = arith.constant 0 : i32
      %dma_start3A_498 = tpu.memref_slice %arg10[%add3A_494, %dma_start3A_497] : memref<10112x128xf32, #tpu.memory_space<vmem_shared>> -> memref<8x128xf32, #tpu.memory_space<vmem_shared>>
      tpu.enqueue_dma source(%arg9 : memref<8x128xf32, #tpu.memory_space<vmem>>) target(%dma_start3A_498 : memref<8x128xf32, #tpu.memory_space<vmem_shared>>) target_semaphore(%arg13 : memref<!tpu.dma_semaphore, #tpu.memory_space<semaphore_mem>>)
    }
    %scan3A_406 = arith.constant 79 : i32
    %dma_wait3A = arith.constant 0 : i32
    %dma_wait3A_407 = tpu.memref_slice %arg10[%mul3A_2, %dma_wait3A] : memref<10112x128xf32, #tpu.memory_space<vmem_shared>> -> memref<632x128xf32, #tpu.memory_space<vmem_shared>>
    %dma_wait3A_408 = arith.constant 0 : i32
    %dma_wait3A_409 = arith.constant 0 : i32
    %dma_wait3A_410 = tpu.memref_slice %arg2[%dma_wait3A_408, %dma_wait3A_409] : memref<10112x128xf32, #tpu.memory_space<hbm>> -> memref<632x128xf32, #tpu.memory_space<hbm>>
    tpu.wait_dma2 semaphore(%arg13 : memref<!tpu.dma_semaphore, #tpu.memory_space<semaphore_mem>>) src(%dma_wait3A_410 : memref<632x128xf32, #tpu.memory_space<hbm>>) dst(%dma_wait3A_407 : memref<632x128xf32, #tpu.memory_space<vmem_shared>>)
    %dma_wait3A_411 = arith.constant 0 : i32
    %dma_wait3A_412 = arith.constant 0 : i32
    %dma_wait3A_413 = tpu.memref_slice %arg3[%add3A, %dma_wait3A_411, %dma_wait3A_412] : memref<32x40x128xi32, #tpu.memory_space<hbm>> -> memref<1x40x128xi32, #tpu.memory_space<hbm>>
    %dma_wait3A_414 = tpu.memref_squeeze %dma_wait3A_413 : memref<1x40x128xi32, #tpu.memory_space<hbm>> -> memref<40x128xi32, #tpu.memory_space<hbm>>
    %dma_wait3A_415 = arith.constant 0 : i32
    %dma_wait3A_416 = arith.constant 0 : i32
    %dma_wait3A_417 = tpu.memref_slice %arg3[%add3A, %dma_wait3A_415, %dma_wait3A_416] : memref<32x40x128xi32, #tpu.memory_space<hbm>> -> memref<1x40x128xi32, #tpu.memory_space<hbm>>
    %dma_wait3A_418 = tpu.memref_squeeze %dma_wait3A_417 : memref<1x40x128xi32, #tpu.memory_space<hbm>> -> memref<40x128xi32, #tpu.memory_space<hbm>>
    tpu.wait_dma2 semaphore(%arg14 : memref<!tpu.dma_semaphore, #tpu.memory_space<semaphore_mem>>) src(%dma_wait3A_418 : memref<40x128xi32, #tpu.memory_space<hbm>>) dst(%arg6 : memref<40x128xi32, #tpu.memory_space<vmem>>)
    %dma_wait3A_419 = arith.constant 0 : i32
    %dma_wait3A_420 = arith.constant 0 : i32
    %dma_wait3A_421 = tpu.memref_slice %arg4[%add3A, %dma_wait3A_419, %dma_wait3A_420] : memref<32x40x128xi32, #tpu.memory_space<hbm>> -> memref<1x40x128xi32, #tpu.memory_space<hbm>>
    %dma_wait3A_422 = tpu.memref_squeeze %dma_wait3A_421 : memref<1x40x128xi32, #tpu.memory_space<hbm>> -> memref<40x128xi32, #tpu.memory_space<hbm>>
    %dma_wait3A_423 = arith.constant 0 : i32
    %dma_wait3A_424 = arith.constant 0 : i32
    %dma_wait3A_425 = tpu.memref_slice %arg4[%add3A, %dma_wait3A_423, %dma_wait3A_424] : memref<32x40x128xi32, #tpu.memory_space<hbm>> -> memref<1x40x128xi32, #tpu.memory_space<hbm>>
    %dma_wait3A_426 = tpu.memref_squeeze %dma_wait3A_425 : memref<1x40x128xi32, #tpu.memory_space<hbm>> -> memref<40x128xi32, #tpu.memory_space<hbm>>
    tpu.wait_dma2 semaphore(%arg14 : memref<!tpu.dma_semaphore, #tpu.memory_space<semaphore_mem>>) src(%dma_wait3A_426 : memref<40x128xi32, #tpu.memory_space<hbm>>) dst(%arg7 : memref<40x128xi32, #tpu.memory_space<vmem>>)
    %dma_start3A_427 = arith.constant 0 : i32
    %dma_start3A_428 = arith.constant 0 : i32
    %dma_start3A_429 = arith.constant 0 : i32
    %dma_start3A_430 = arith.constant 0 : i32
    %dma_start3A_431 = tpu.memref_slice %arg8[%dma_start3A_428, %dma_start3A_429, %dma_start3A_430] : memref<2x128x128xf32, #tpu.memory_space<vmem>> -> memref<1x128x128xf32, #tpu.memory_space<vmem>>
    %dma_start3A_432 = tpu.memref_squeeze %dma_start3A_431 : memref<1x128x128xf32, #tpu.memory_space<vmem>> -> memref<128x128xf32, #tpu.memory_space<vmem>>
    %dma_start3A_433 = arith.constant 0 : i32
    %dma_start3A_434 = tpu.memref_slice %arg6[%dma_start3A_427, %dma_start3A_433] : memref<40x128xi32, #tpu.memory_space<vmem>> -> memref<1x128xi32, #tpu.memory_space<vmem>>
    %dma_start3A_435 = tpu.memref_squeeze %dma_start3A_434 : memref<1x128xi32, #tpu.memory_space<vmem>> -> memref<128xi32, #tpu.memory_space<vmem>>
    %dma_start3A_436 = arith.constant 0 : i32
    %dma_start3A_437 = arith.constant 0 : i32
    %dma_start3A_438 = tpu.memref_slice %arg2[%dma_start3A_436, %dma_start3A_437] : memref<10112x128xf32, #tpu.memory_space<hbm>> -> memref<10112x128xf32, #tpu.memory_space<hbm>>
    tpu.enqueue_indirect_dma source(%dma_start3A_438 : memref<10112x128xf32, #tpu.memory_space<hbm>>) target(%dma_start3A_432 : memref<128x128xf32, #tpu.memory_space<vmem>>) offsets(%dma_start3A_435 : memref<128xi32, #tpu.memory_space<vmem>>) semaphore(%arg11 : memref<!tpu.dma_semaphore, #tpu.memory_space<semaphore_mem>>)
    %dma_start3A_439 = arith.constant 1 : i32
    %dma_start3A_440 = arith.constant 1 : i32
    %dma_start3A_441 = arith.constant 0 : i32
    %dma_start3A_442 = arith.constant 0 : i32
    %dma_start3A_443 = tpu.memref_slice %arg8[%dma_start3A_440, %dma_start3A_441, %dma_start3A_442] : memref<2x128x128xf32, #tpu.memory_space<vmem>> -> memref<1x128x128xf32, #tpu.memory_space<vmem>>
    %dma_start3A_444 = tpu.memref_squeeze %dma_start3A_443 : memref<1x128x128xf32, #tpu.memory_space<vmem>> -> memref<128x128xf32, #tpu.memory_space<vmem>>
    %dma_start3A_445 = arith.constant 0 : i32
    %dma_start3A_446 = tpu.memref_slice %arg6[%dma_start3A_439, %dma_start3A_445] : memref<40x128xi32, #tpu.memory_space<vmem>> -> memref<1x128xi32, #tpu.memory_space<vmem>>
    %dma_start3A_447 = tpu.memref_squeeze %dma_start3A_446 : memref<1x128xi32, #tpu.memory_space<vmem>> -> memref<128xi32, #tpu.memory_space<vmem>>
    %dma_start3A_448 = arith.constant 0 : i32
    %dma_start3A_449 = arith.constant 0 : i32
    %dma_start3A_450 = tpu.memref_slice %arg2[%dma_start3A_448, %dma_start3A_449] : memref<10112x128xf32, #tpu.memory_space<hbm>> -> memref<10112x128xf32, #tpu.memory_space<hbm>>
    tpu.enqueue_indirect_dma source(%dma_start3A_450 : memref<10112x128xf32, #tpu.memory_space<hbm>>) target(%dma_start3A_444 : memref<128x128xf32, #tpu.memory_space<vmem>>) offsets(%dma_start3A_447 : memref<128xi32, #tpu.memory_space<vmem>>) semaphore(%arg12 : memref<!tpu.dma_semaphore, #tpu.memory_space<semaphore_mem>>)
    %barrier3A = arith.constant 0 : index
    tpu.barrier barrier_id(%barrier3A)
    %scan3A_451 = arith.constant 0 : i32
    %scan3A_452 = arith.constant 0 : i32
    %scan3A_453 = arith.constant 19 : i32
    %scan3A_454 = arith.addi %scan3A_452, %scan3A_453 : i32
    %scan3A_455 = arith.constant 1 : i32
    scf.for %scan3A_491 = %scan3A_452 to %scan3A_454 step %scan3A_455  : i32 {
      %mul3A_492 = arith.constant 2 : i32
      %mul3A_493 = arith.muli %scan3A_491, %mul3A_492 : i32
      %add3A_494 = arith.constant 0 : i32
      %add3A_495 = arith.addi %mul3A_493, %add3A_494 : i32
      %dma_wait3A_496 = arith.constant 0 : i32
      %dma_wait3A_497 = arith.constant 0 : i32
      %dma_wait3A_498 = arith.constant 0 : i32
      %dma_wait3A_499 = tpu.memref_slice %arg8[%dma_wait3A_496, %dma_wait3A_497, %dma_wait3A_498] : memref<2x128x128xf32, #tpu.memory_space<vmem>> -> memref<1x128x128xf32, #tpu.memory_space<vmem>>
      %dma_wait3A_500 = tpu.memref_squeeze %dma_wait3A_499 : memref<1x128x128xf32, #tpu.memory_space<vmem>> -> memref<128x128xf32, #tpu.memory_space<vmem>>
      %dma_wait3A_501 = arith.constant 0 : i32
      %dma_wait3A_502 = arith.constant 0 : i32
      %dma_wait3A_503 = tpu.memref_slice %arg2[%dma_wait3A_501, %dma_wait3A_502] : memref<10112x128xf32, #tpu.memory_space<hbm>> -> memref<128x128xf32, #tpu.memory_space<hbm>>
      %dma_wait3A_504 = arith.constant 0 : i32
      %dma_wait3A_505 = arith.constant 0 : i32
      %dma_wait3A_506 = tpu.memref_slice %arg8[%dma_wait3A_496, %dma_wait3A_504, %dma_wait3A_505] : memref<2x128x128xf32, #tpu.memory_space<vmem>> -> memref<1x128x128xf32, #tpu.memory_space<vmem>>
      %dma_wait3A_507 = tpu.memref_squeeze %dma_wait3A_506 : memref<1x128x128xf32, #tpu.memory_space<vmem>> -> memref<128x128xf32, #tpu.memory_space<vmem>>
      %dma_wait3A_508 = arith.constant 0 : i32
      %dma_wait3A_509 = arith.constant 0 : i32
      %dma_wait3A_510 = tpu.memref_slice %arg2[%dma_wait3A_508, %dma_wait3A_509] : memref<10112x128xf32, #tpu.memory_space<hbm>> -> memref<128x128xf32, #tpu.memory_space<hbm>>
      tpu.wait_dma2 semaphore(%arg11 : memref<!tpu.dma_semaphore, #tpu.memory_space<semaphore_mem>>) src(%dma_wait3A_510 : memref<128x128xf32, #tpu.memory_space<hbm>>) dst(%dma_wait3A_507 : memref<128x128xf32, #tpu.memory_space<vmem>>)
      %run_scoped3A_511 = arith.constant 0 : i32
      "tpu.region"() ({
        %run_scoped3A_558 = tpu.sem_alloc : memref<!tpu.dma_semaphore, #tpu.memory_space<semaphore_mem>>
        %dma_start3A_559 = arith.constant 0 : i32
        %dma_start3A_560 = arith.constant 0 : i32
        %dma_start3A_561 = tpu.memref_slice %arg8[%run_scoped3A_511, %dma_start3A_559, %dma_start3A_560] : memref<2x128x128xf32, #tpu.memory_space<vmem>> -> memref<1x128x128xf32, #tpu.memory_space<vmem>>
        %dma_start3A_562 = tpu.memref_squeeze %dma_start3A_561 : memref<1x128x128xf32, #tpu.memory_space<vmem>> -> memref<128x128xf32, #tpu.memory_space<vmem>>
        %dma_start3A_563 = arith.constant 0 : i32
        %dma_start3A_564 = tpu.memref_slice %arg7[%add3A_495, %dma_start3A_563] : memref<40x128xi32, #tpu.memory_space<vmem>> -> memref<1x128xi32, #tpu.memory_space<vmem>>
        %dma_start3A_565 = tpu.memref_squeeze %dma_start3A_564 : memref<1x128xi32, #tpu.memory_space<vmem>> -> memref<128xi32, #tpu.memory_space<vmem>>
        %dma_start3A_566 = arith.constant 0 : i32
        %dma_start3A_567 = arith.constant 0 : i32
        %dma_start3A_568 = tpu.memref_slice %arg10[%dma_start3A_566, %dma_start3A_567] : memref<10112x128xf32, #tpu.memory_space<vmem_shared>> -> memref<10112x128xf32, #tpu.memory_space<vmem_shared>>
        tpu.enqueue_indirect_dma source(%dma_start3A_562 : memref<128x128xf32, #tpu.memory_space<vmem>>) target(%dma_start3A_568 : memref<10112x128xf32, #tpu.memory_space<vmem_shared>>) offsets(%dma_start3A_565 : memref<128xi32, #tpu.memory_space<vmem>>) semaphore(%run_scoped3A_558 : memref<!tpu.dma_semaphore, #tpu.memory_space<semaphore_mem>>) {add = true}
        %dma_wait3A_569 = arith.constant 0 : i32
        %dma_wait3A_570 = arith.constant 0 : i32
        %dma_wait3A_571 = tpu.memref_slice %arg8[%run_scoped3A_511, %dma_wait3A_569, %dma_wait3A_570] : memref<2x128x128xf32, #tpu.memory_space<vmem>> -> memref<1x128x128xf32, #tpu.memory_space<vmem>>
        %dma_wait3A_572 = tpu.memref_squeeze %dma_wait3A_571 : memref<1x128x128xf32, #tpu.memory_space<vmem>> -> memref<128x128xf32, #tpu.memory_space<vmem>>
        %dma_wait3A_573 = arith.constant 0 : i32
        %dma_wait3A_574 = tpu.memref_slice %arg7[%add3A_495, %dma_wait3A_573] : memref<40x128xi32, #tpu.memory_space<vmem>> -> memref<1x128xi32, #tpu.memory_space<vmem>>
        %dma_wait3A_575 = tpu.memref_squeeze %dma_wait3A_574 : memref<1x128xi32, #tpu.memory_space<vmem>> -> memref<128xi32, #tpu.memory_space<vmem>>
        %dma_wait3A_576 = arith.constant 0 : i32
        %dma_wait3A_577 = arith.constant 0 : i32
        %dma_wait3A_578 = tpu.memref_slice %arg10[%dma_wait3A_576, %dma_wait3A_577] : memref<10112x128xf32, #tpu.memory_space<vmem_shared>> -> memref<10112x128xf32, #tpu.memory_space<vmem_shared>>
        tpu.wait_indirect_dma semaphore(%run_scoped3A_558 : memref<!tpu.dma_semaphore, #tpu.memory_space<semaphore_mem>>) src(%dma_wait3A_572 : memref<128x128xf32, #tpu.memory_space<vmem>>) dst(%dma_wait3A_578 : memref<10112x128xf32, #tpu.memory_space<vmem_shared>>)
        tpu.yield
      }) : () -> ()
      %add3A_512 = arith.constant 2 : i32
      %add3A_513 = arith.addi %add3A_495, %add3A_512 : i32
      %dma_start3A_514 = arith.constant 0 : i32
      %dma_start3A_515 = arith.constant 0 : i32
      %dma_start3A_516 = arith.constant 0 : i32
      %dma_start3A_517 = tpu.memref_slice %arg8[%dma_start3A_514, %dma_start3A_515, %dma_start3A_516] : memref<2x128x128xf32, #tpu.memory_space<vmem>> -> memref<1x128x128xf32, #tpu.memory_space<vmem>>
      %dma_start3A_518 = tpu.memref_squeeze %dma_start3A_517 : memref<1x128x128xf32, #tpu.memory_space<vmem>> -> memref<128x128xf32, #tpu.memory_space<vmem>>
      %dma_start3A_519 = arith.constant 0 : i32
      %dma_start3A_520 = tpu.memref_slice %arg6[%add3A_513, %dma_start3A_519] : memref<40x128xi32, #tpu.memory_space<vmem>> -> memref<1x128xi32, #tpu.memory_space<vmem>>
      %dma_start3A_521 = tpu.memref_squeeze %dma_start3A_520 : memref<1x128xi32, #tpu.memory_space<vmem>> -> memref<128xi32, #tpu.memory_space<vmem>>
      %dma_start3A_522 = arith.constant 0 : i32
      %dma_start3A_523 = arith.constant 0 : i32
      %dma_start3A_524 = tpu.memref_slice %arg2[%dma_start3A_522, %dma_start3A_523] : memref<10112x128xf32, #tpu.memory_space<hbm>> -> memref<10112x128xf32, #tpu.memory_space<hbm>>
      tpu.enqueue_indirect_dma source(%dma_start3A_524 : memref<10112x128xf32, #tpu.memory_space<hbm>>) target(%dma_start3A_518 : memref<128x128xf32, #tpu.memory_space<vmem>>) offsets(%dma_start3A_521 : memref<128xi32, #tpu.memory_space<vmem>>) semaphore(%arg11 : memref<!tpu.dma_semaphore, #tpu.memory_space<semaphore_mem>>)
      %mul3A_525 = arith.constant 2 : i32
      %mul3A_526 = arith.muli %scan3A_491, %mul3A_525 : i32
      %add3A_527 = arith.constant 1 : i32
      %add3A_528 = arith.addi %mul3A_526, %add3A_527 : i32
      %dma_wait3A_529 = arith.constant 1 : i32
      %dma_wait3A_530 = arith.constant 0 : i32
      %dma_wait3A_531 = arith.constant 0 : i32
      %dma_wait3A_532 = tpu.memref_slice %arg8[%dma_wait3A_529, %dma_wait3A_530, %dma_wait3A_531] : memref<2x128x128xf32, #tpu.memory_space<vmem>> -> memref<1x128x128xf32, #tpu.memory_space<vmem>>
      %dma_wait3A_533 = tpu.memref_squeeze %dma_wait3A_532 : memref<1x128x128xf32, #tpu.memory_space<vmem>> -> memref<128x128xf32, #tpu.memory_space<vmem>>
      %dma_wait3A_534 = arith.constant 0 : i32
      %dma_wait3A_535 = arith.constant 0 : i32
      %dma_wait3A_536 = tpu.memref_slice %arg2[%dma_wait3A_534, %dma_wait3A_535] : memref<10112x128xf32, #tpu.memory_space<hbm>> -> memref<128x128xf32, #tpu.memory_space<hbm>>
      %dma_wait3A_537 = arith.constant 0 : i32
      %dma_wait3A_538 = arith.constant 0 : i32
      %dma_wait3A_539 = tpu.memref_slice %arg8[%dma_wait3A_529, %dma_wait3A_537, %dma_wait3A_538] : memref<2x128x128xf32, #tpu.memory_space<vmem>> -> memref<1x128x128xf32, #tpu.memory_space<vmem>>
      %dma_wait3A_540 = tpu.memref_squeeze %dma_wait3A_539 : memref<1x128x128xf32, #tpu.memory_space<vmem>> -> memref<128x128xf32, #tpu.memory_space<vmem>>
      %dma_wait3A_541 = arith.constant 0 : i32
      %dma_wait3A_542 = arith.constant 0 : i32
      %dma_wait3A_543 = tpu.memref_slice %arg2[%dma_wait3A_541, %dma_wait3A_542] : memref<10112x128xf32, #tpu.memory_space<hbm>> -> memref<128x128xf32, #tpu.memory_space<hbm>>
      tpu.wait_dma2 semaphore(%arg12 : memref<!tpu.dma_semaphore, #tpu.memory_space<semaphore_mem>>) src(%dma_wait3A_543 : memref<128x128xf32, #tpu.memory_space<hbm>>) dst(%dma_wait3A_540 : memref<128x128xf32, #tpu.memory_space<vmem>>)
      %run_scoped3A_544 = arith.constant 1 : i32
      "tpu.region"() ({
        %run_scoped3A_558 = tpu.sem_alloc : memref<!tpu.dma_semaphore, #tpu.memory_space<semaphore_mem>>
        %dma_start3A_559 = arith.constant 0 : i32
        %dma_start3A_560 = arith.constant 0 : i32
        %dma_start3A_561 = tpu.memref_slice %arg8[%run_scoped3A_544, %dma_start3A_559, %dma_start3A_560] : memref<2x128x128xf32, #tpu.memory_space<vmem>> -> memref<1x128x128xf32, #tpu.memory_space<vmem>>
        %dma_start3A_562 = tpu.memref_squeeze %dma_start3A_561 : memref<1x128x128xf32, #tpu.memory_space<vmem>> -> memref<128x128xf32, #tpu.memory_space<vmem>>
        %dma_start3A_563 = arith.constant 0 : i32
        %dma_start3A_564 = tpu.memref_slice %arg7[%add3A_528, %dma_start3A_563] : memref<40x128xi32, #tpu.memory_space<vmem>> -> memref<1x128xi32, #tpu.memory_space<vmem>>
        %dma_start3A_565 = tpu.memref_squeeze %dma_start3A_564 : memref<1x128xi32, #tpu.memory_space<vmem>> -> memref<128xi32, #tpu.memory_space<vmem>>
        %dma_start3A_566 = arith.constant 0 : i32
        %dma_start3A_567 = arith.constant 0 : i32
        %dma_start3A_568 = tpu.memref_slice %arg10[%dma_start3A_566, %dma_start3A_567] : memref<10112x128xf32, #tpu.memory_space<vmem_shared>> -> memref<10112x128xf32, #tpu.memory_space<vmem_shared>>
        tpu.enqueue_indirect_dma source(%dma_start3A_562 : memref<128x128xf32, #tpu.memory_space<vmem>>) target(%dma_start3A_568 : memref<10112x128xf32, #tpu.memory_space<vmem_shared>>) offsets(%dma_start3A_565 : memref<128xi32, #tpu.memory_space<vmem>>) semaphore(%run_scoped3A_558 : memref<!tpu.dma_semaphore, #tpu.memory_space<semaphore_mem>>) {add = true}
        %dma_wait3A_569 = arith.constant 0 : i32
        %dma_wait3A_570 = arith.constant 0 : i32
        %dma_wait3A_571 = tpu.memref_slice %arg8[%run_scoped3A_544, %dma_wait3A_569, %dma_wait3A_570] : memref<2x128x128xf32, #tpu.memory_space<vmem>> -> memref<1x128x128xf32, #tpu.memory_space<vmem>>
        %dma_wait3A_572 = tpu.memref_squeeze %dma_wait3A_571 : memref<1x128x128xf32, #tpu.memory_space<vmem>> -> memref<128x128xf32, #tpu.memory_space<vmem>>
        %dma_wait3A_573 = arith.constant 0 : i32
        %dma_wait3A_574 = tpu.memref_slice %arg7[%add3A_528, %dma_wait3A_573] : memref<40x128xi32, #tpu.memory_space<vmem>> -> memref<1x128xi32, #tpu.memory_space<vmem>>
        %dma_wait3A_575 = tpu.memref_squeeze %dma_wait3A_574 : memref<1x128xi32, #tpu.memory_space<vmem>> -> memref<128xi32, #tpu.memory_space<vmem>>
        %dma_wait3A_576 = arith.constant 0 : i32
        %dma_wait3A_577 = arith.constant 0 : i32
        %dma_wait3A_578 = tpu.memref_slice %arg10[%dma_wait3A_576, %dma_wait3A_577] : memref<10112x128xf32, #tpu.memory_space<vmem_shared>> -> memref<10112x128xf32, #tpu.memory_space<vmem_shared>>
        tpu.wait_indirect_dma semaphore(%run_scoped3A_558 : memref<!tpu.dma_semaphore, #tpu.memory_space<semaphore_mem>>) src(%dma_wait3A_572 : memref<128x128xf32, #tpu.memory_space<vmem>>) dst(%dma_wait3A_578 : memref<10112x128xf32, #tpu.memory_space<vmem_shared>>)
        tpu.yield
      }) : () -> ()
      %add3A_545 = arith.constant 2 : i32
      %add3A_546 = arith.addi %add3A_528, %add3A_545 : i32
      %dma_start3A_547 = arith.constant 1 : i32
      %dma_start3A_548 = arith.constant 0 : i32
      %dma_start3A_549 = arith.constant 0 : i32
      %dma_start3A_550 = tpu.memref_slice %arg8[%dma_start3A_547, %dma_start3A_548, %dma_start3A_549] : memref<2x128x128xf32, #tpu.memory_space<vmem>> -> memref<1x128x128xf32, #tpu.memory_space<vmem>>
      %dma_start3A_551 = tpu.memref_squeeze %dma_start3A_550 : memref<1x128x128xf32, #tpu.memory_space<vmem>> -> memref<128x128xf32, #tpu.memory_space<vmem>>
      %dma_start3A_552 = arith.constant 0 : i32
      %dma_start3A_553 = tpu.memref_slice %arg6[%add3A_546, %dma_start3A_552] : memref<40x128xi32, #tpu.memory_space<vmem>> -> memref<1x128xi32, #tpu.memory_space<vmem>>
      %dma_start3A_554 = tpu.memref_squeeze %dma_start3A_553 : memref<1x128xi32, #tpu.memory_space<vmem>> -> memref<128xi32, #tpu.memory_space<vmem>>
      %dma_start3A_555 = arith.constant 0 : i32
      %dma_start3A_556 = arith.constant 0 : i32
      %dma_start3A_557 = tpu.memref_slice %arg2[%dma_start3A_555, %dma_start3A_556] : memref<10112x128xf32, #tpu.memory_space<hbm>> -> memref<10112x128xf32, #tpu.memory_space<hbm>>
      tpu.enqueue_indirect_dma source(%dma_start3A_557 : memref<10112x128xf32, #tpu.memory_space<hbm>>) target(%dma_start3A_551 : memref<128x128xf32, #tpu.memory_space<vmem>>) offsets(%dma_start3A_554 : memref<128xi32, #tpu.memory_space<vmem>>) semaphore(%arg12 : memref<!tpu.dma_semaphore, #tpu.memory_space<semaphore_mem>>)
    }
    %scan3A_456 = arith.constant 19 : i32
    %dma_wait3A_457 = arith.constant 0 : i32
    %dma_wait3A_458 = arith.constant 0 : i32
    %dma_wait3A_459 = arith.constant 0 : i32
    %dma_wait3A_460 = tpu.memref_slice %arg8[%dma_wait3A_457, %dma_wait3A_458, %dma_wait3A_459] : memref<2x128x128xf32, #tpu.memory_space<vmem>> -> memref<1x128x128xf32, #tpu.memory_space<vmem>>
    %dma_wait3A_461 = tpu.memref_squeeze %dma_wait3A_460 : memref<1x128x128xf32, #tpu.memory_space<vmem>> -> memref<128x128xf32, #tpu.memory_space<vmem>>
    %dma_wait3A_462 = arith.constant 0 : i32
    %dma_wait3A_463 = arith.constant 0 : i32
    %dma_wait3A_464 = tpu.memref_slice %arg2[%dma_wait3A_462, %dma_wait3A_463] : memref<10112x128xf32, #tpu.memory_space<hbm>> -> memref<128x128xf32, #tpu.memory_space<hbm>>
    %dma_wait3A_465 = arith.constant 0 : i32
    %dma_wait3A_466 = arith.constant 0 : i32
    %dma_wait3A_467 = tpu.memref_slice %arg8[%dma_wait3A_457, %dma_wait3A_465, %dma_wait3A_466] : memref<2x128x128xf32, #tpu.memory_space<vmem>> -> memref<1x128x128xf32, #tpu.memory_space<vmem>>
    %dma_wait3A_468 = tpu.memref_squeeze %dma_wait3A_467 : memref<1x128x128xf32, #tpu.memory_space<vmem>> -> memref<128x128xf32, #tpu.memory_space<vmem>>
    %dma_wait3A_469 = arith.constant 0 : i32
    %dma_wait3A_470 = arith.constant 0 : i32
    %dma_wait3A_471 = tpu.memref_slice %arg2[%dma_wait3A_469, %dma_wait3A_470] : memref<10112x128xf32, #tpu.memory_space<hbm>> -> memref<128x128xf32, #tpu.memory_space<hbm>>
    tpu.wait_dma2 semaphore(%arg11 : memref<!tpu.dma_semaphore, #tpu.memory_space<semaphore_mem>>) src(%dma_wait3A_471 : memref<128x128xf32, #tpu.memory_space<hbm>>) dst(%dma_wait3A_468 : memref<128x128xf32, #tpu.memory_space<vmem>>)
    %run_scoped3A = arith.constant 0 : i32
    %run_scoped3A_472 = arith.constant 38 : i32
    "tpu.region"() ({
      %run_scoped3A_491 = tpu.sem_alloc : memref<!tpu.dma_semaphore, #tpu.memory_space<semaphore_mem>>
      %dma_start3A_492 = arith.constant 0 : i32
      %dma_start3A_493 = arith.constant 0 : i32
      %dma_start3A_494 = tpu.memref_slice %arg8[%run_scoped3A, %dma_start3A_492, %dma_start3A_493] : memref<2x128x128xf32, #tpu.memory_space<vmem>> -> memref<1x128x128xf32, #tpu.memory_space<vmem>>
      %dma_start3A_495 = tpu.memref_squeeze %dma_start3A_494 : memref<1x128x128xf32, #tpu.memory_space<vmem>> -> memref<128x128xf32, #tpu.memory_space<vmem>>
      %dma_start3A_496 = arith.constant 0 : i32
      %dma_start3A_497 = tpu.memref_slice %arg7[%run_scoped3A_472, %dma_start3A_496] : memref<40x128xi32, #tpu.memory_space<vmem>> -> memref<1x128xi32, #tpu.memory_space<vmem>>
      %dma_start3A_498 = tpu.memref_squeeze %dma_start3A_497 : memref<1x128xi32, #tpu.memory_space<vmem>> -> memref<128xi32, #tpu.memory_space<vmem>>
      %dma_start3A_499 = arith.constant 0 : i32
      %dma_start3A_500 = arith.constant 0 : i32
      %dma_start3A_501 = tpu.memref_slice %arg10[%dma_start3A_499, %dma_start3A_500] : memref<10112x128xf32, #tpu.memory_space<vmem_shared>> -> memref<10112x128xf32, #tpu.memory_space<vmem_shared>>
      tpu.enqueue_indirect_dma source(%dma_start3A_495 : memref<128x128xf32, #tpu.memory_space<vmem>>) target(%dma_start3A_501 : memref<10112x128xf32, #tpu.memory_space<vmem_shared>>) offsets(%dma_start3A_498 : memref<128xi32, #tpu.memory_space<vmem>>) semaphore(%run_scoped3A_491 : memref<!tpu.dma_semaphore, #tpu.memory_space<semaphore_mem>>) {add = true}
      %dma_wait3A_502 = arith.constant 0 : i32
      %dma_wait3A_503 = arith.constant 0 : i32
      %dma_wait3A_504 = tpu.memref_slice %arg8[%run_scoped3A, %dma_wait3A_502, %dma_wait3A_503] : memref<2x128x128xf32, #tpu.memory_space<vmem>> -> memref<1x128x128xf32, #tpu.memory_space<vmem>>
      %dma_wait3A_505 = tpu.memref_squeeze %dma_wait3A_504 : memref<1x128x128xf32, #tpu.memory_space<vmem>> -> memref<128x128xf32, #tpu.memory_space<vmem>>
      %dma_wait3A_506 = arith.constant 0 : i32
      %dma_wait3A_507 = tpu.memref_slice %arg7[%run_scoped3A_472, %dma_wait3A_506] : memref<40x128xi32, #tpu.memory_space<vmem>> -> memref<1x128xi32, #tpu.memory_space<vmem>>
      %dma_wait3A_508 = tpu.memref_squeeze %dma_wait3A_507 : memref<1x128xi32, #tpu.memory_space<vmem>> -> memref<128xi32, #tpu.memory_space<vmem>>
      %dma_wait3A_509 = arith.constant 0 : i32
      %dma_wait3A_510 = arith.constant 0 : i32
      %dma_wait3A_511 = tpu.memref_slice %arg10[%dma_wait3A_509, %dma_wait3A_510] : memref<10112x128xf32, #tpu.memory_space<vmem_shared>> -> memref<10112x128xf32, #tpu.memory_space<vmem_shared>>
      tpu.wait_indirect_dma semaphore(%run_scoped3A_491 : memref<!tpu.dma_semaphore, #tpu.memory_space<semaphore_mem>>) src(%dma_wait3A_505 : memref<128x128xf32, #tpu.memory_space<vmem>>) dst(%dma_wait3A_511 : memref<10112x128xf32, #tpu.memory_space<vmem_shared>>)
      tpu.yield
    }) : () -> ()
    %dma_wait3A_473 = arith.constant 1 : i32
    %dma_wait3A_474 = arith.constant 0 : i32
    %dma_wait3A_475 = arith.constant 0 : i32
    %dma_wait3A_476 = tpu.memref_slice %arg8[%dma_wait3A_473, %dma_wait3A_474, %dma_wait3A_475] : memref<2x128x128xf32, #tpu.memory_space<vmem>> -> memref<1x128x128xf32, #tpu.memory_space<vmem>>
    %dma_wait3A_477 = tpu.memref_squeeze %dma_wait3A_476 : memref<1x128x128xf32, #tpu.memory_space<vmem>> -> memref<128x128xf32, #tpu.memory_space<vmem>>
    %dma_wait3A_478 = arith.constant 0 : i32
    %dma_wait3A_479 = arith.constant 0 : i32
    %dma_wait3A_480 = tpu.memref_slice %arg2[%dma_wait3A_478, %dma_wait3A_479] : memref<10112x128xf32, #tpu.memory_space<hbm>> -> memref<128x128xf32, #tpu.memory_space<hbm>>
    %dma_wait3A_481 = arith.constant 0 : i32
    %dma_wait3A_482 = arith.constant 0 : i32
    %dma_wait3A_483 = tpu.memref_slice %arg8[%dma_wait3A_473, %dma_wait3A_481, %dma_wait3A_482] : memref<2x128x128xf32, #tpu.memory_space<vmem>> -> memref<1x128x128xf32, #tpu.memory_space<vmem>>
    %dma_wait3A_484 = tpu.memref_squeeze %dma_wait3A_483 : memref<1x128x128xf32, #tpu.memory_space<vmem>> -> memref<128x128xf32, #tpu.memory_space<vmem>>
    %dma_wait3A_485 = arith.constant 0 : i32
    %dma_wait3A_486 = arith.constant 0 : i32
    %dma_wait3A_487 = tpu.memref_slice %arg2[%dma_wait3A_485, %dma_wait3A_486] : memref<10112x128xf32, #tpu.memory_space<hbm>> -> memref<128x128xf32, #tpu.memory_space<hbm>>
    tpu.wait_dma2 semaphore(%arg12 : memref<!tpu.dma_semaphore, #tpu.memory_space<semaphore_mem>>) src(%dma_wait3A_487 : memref<128x128xf32, #tpu.memory_space<hbm>>) dst(%dma_wait3A_484 : memref<128x128xf32, #tpu.memory_space<vmem>>)
    %run_scoped3A_488 = arith.constant 1 : i32
    %run_scoped3A_489 = arith.constant 39 : i32
    "tpu.region"() ({
      %run_scoped3A_491 = tpu.sem_alloc : memref<!tpu.dma_semaphore, #tpu.memory_space<semaphore_mem>>
      %dma_start3A_492 = arith.constant 0 : i32
      %dma_start3A_493 = arith.constant 0 : i32
      %dma_start3A_494 = tpu.memref_slice %arg8[%run_scoped3A_488, %dma_start3A_492, %dma_start3A_493] : memref<2x128x128xf32, #tpu.memory_space<vmem>> -> memref<1x128x128xf32, #tpu.memory_space<vmem>>
      %dma_start3A_495 = tpu.memref_squeeze %dma_start3A_494 : memref<1x128x128xf32, #tpu.memory_space<vmem>> -> memref<128x128xf32, #tpu.memory_space<vmem>>
      %dma_start3A_496 = arith.constant 0 : i32
      %dma_start3A_497 = tpu.memref_slice %arg7[%run_scoped3A_489, %dma_start3A_496] : memref<40x128xi32, #tpu.memory_space<vmem>> -> memref<1x128xi32, #tpu.memory_space<vmem>>
      %dma_start3A_498 = tpu.memref_squeeze %dma_start3A_497 : memref<1x128xi32, #tpu.memory_space<vmem>> -> memref<128xi32, #tpu.memory_space<vmem>>
      %dma_start3A_499 = arith.constant 0 : i32
      %dma_start3A_500 = arith.constant 0 : i32
      %dma_start3A_501 = tpu.memref_slice %arg10[%dma_start3A_499, %dma_start3A_500] : memref<10112x128xf32, #tpu.memory_space<vmem_shared>> -> memref<10112x128xf32, #tpu.memory_space<vmem_shared>>
      tpu.enqueue_indirect_dma source(%dma_start3A_495 : memref<128x128xf32, #tpu.memory_space<vmem>>) target(%dma_start3A_501 : memref<10112x128xf32, #tpu.memory_space<vmem_shared>>) offsets(%dma_start3A_498 : memref<128xi32, #tpu.memory_space<vmem>>) semaphore(%run_scoped3A_491 : memref<!tpu.dma_semaphore, #tpu.memory_space<semaphore_mem>>) {add = true}
      %dma_wait3A_502 = arith.constant 0 : i32
      %dma_wait3A_503 = arith.constant 0 : i32
      %dma_wait3A_504 = tpu.memref_slice %arg8[%run_scoped3A_488, %dma_wait3A_502, %dma_wait3A_503] : memref<2x128x128xf32, #tpu.memory_space<vmem>> -> memref<1x128x128xf32, #tpu.memory_space<vmem>>
      %dma_wait3A_505 = tpu.memref_squeeze %dma_wait3A_504 : memref<1x128x128xf32, #tpu.memory_space<vmem>> -> memref<128x128xf32, #tpu.memory_space<vmem>>
      %dma_wait3A_506 = arith.constant 0 : i32
      %dma_wait3A_507 = tpu.memref_slice %arg7[%run_scoped3A_489, %dma_wait3A_506] : memref<40x128xi32, #tpu.memory_space<vmem>> -> memref<1x128xi32, #tpu.memory_space<vmem>>
      %dma_wait3A_508 = tpu.memref_squeeze %dma_wait3A_507 : memref<1x128xi32, #tpu.memory_space<vmem>> -> memref<128xi32, #tpu.memory_space<vmem>>
      %dma_wait3A_509 = arith.constant 0 : i32
      %dma_wait3A_510 = arith.constant 0 : i32
      %dma_wait3A_511 = tpu.memref_slice %arg10[%dma_wait3A_509, %dma_wait3A_510] : memref<10112x128xf32, #tpu.memory_space<vmem_shared>> -> memref<10112x128xf32, #tpu.memory_space<vmem_shared>>
      tpu.wait_indirect_dma semaphore(%run_scoped3A_491 : memref<!tpu.dma_semaphore, #tpu.memory_space<semaphore_mem>>) src(%dma_wait3A_505 : memref<128x128xf32, #tpu.memory_space<vmem>>) dst(%dma_wait3A_511 : memref<10112x128xf32, #tpu.memory_space<vmem_shared>>)
      tpu.yield
    }) : () -> ()
    %barrier3A_490 = arith.constant 0 : index
    tpu.barrier barrier_id(%barrier3A_490)
    "tpu.region"() ({
      %run_scoped3A_491 = tpu.sem_alloc : memref<!tpu.dma_semaphore, #tpu.memory_space<semaphore_mem>>
      %dma_start3A_492 = arith.constant 0 : i32
      %dma_start3A_493 = tpu.memref_slice %arg5[%arg0, %mul3A_2, %dma_start3A_492] : memref<2x10112x128xf32, #tpu.memory_space<hbm>> -> memref<1x632x128xf32, #tpu.memory_space<hbm>>
      %dma_start3A_494 = tpu.memref_squeeze %dma_start3A_493 : memref<1x632x128xf32, #tpu.memory_space<hbm>> -> memref<632x128xf32, #tpu.memory_space<hbm>>
      %dma_start3A_495 = arith.constant 0 : i32
      %dma_start3A_496 = tpu.memref_slice %arg10[%mul3A_2, %dma_start3A_495] : memref<10112x128xf32, #tpu.memory_space<vmem_shared>> -> memref<632x128xf32, #tpu.memory_space<vmem_shared>>
      tpu.enqueue_dma source(%dma_start3A_496 : memref<632x128xf32, #tpu.memory_space<vmem_shared>>) target(%dma_start3A_494 : memref<632x128xf32, #tpu.memory_space<hbm>>) target_semaphore(%run_scoped3A_491 : memref<!tpu.dma_semaphore, #tpu.memory_space<semaphore_mem>>)
      %dma_wait3A_497 = arith.constant 0 : i32
      %dma_wait3A_498 = tpu.memref_slice %arg5[%arg0, %mul3A_2, %dma_wait3A_497] : memref<2x10112x128xf32, #tpu.memory_space<hbm>> -> memref<1x632x128xf32, #tpu.memory_space<hbm>>
      %dma_wait3A_499 = tpu.memref_squeeze %dma_wait3A_498 : memref<1x632x128xf32, #tpu.memory_space<hbm>> -> memref<632x128xf32, #tpu.memory_space<hbm>>
      %dma_wait3A_500 = arith.constant 0 : i32
      %dma_wait3A_501 = tpu.memref_slice %arg10[%mul3A_2, %dma_wait3A_500] : memref<10112x128xf32, #tpu.memory_space<vmem_shared>> -> memref<632x128xf32, #tpu.memory_space<vmem_shared>>
      tpu.wait_dma2 semaphore(%run_scoped3A_491 : memref<!tpu.dma_semaphore, #tpu.memory_space<semaphore_mem>>) src(%dma_wait3A_501 : memref<632x128xf32, #tpu.memory_space<vmem_shared>>) dst(%dma_wait3A_499 : memref<632x128xf32, #tpu.memory_space<hbm>>)
      tpu.yield
    }) : () -> ()
    return
  }
}

module attributes {stable_mosaic.version = 14 : i64} {
  func.func @_mm_body(%arg0: i32, %arg1: memref<10000x256xf32, #tpu.memory_space<vmem>>, %arg2: memref<128x256xf32, #tpu.memory_space<vmem>>, %arg3: memref<10112x128xf32, #tpu.memory_space<vmem>>) attributes {dimension_semantics = [#tpu.dimension_semantics<arbitrary>], iteration_bounds = array<i64: 1>, scalar_prefetch = 0 : i64, scratch_operands = 0 : i64, tpu.core_type = #tpu.core_type<tc>, window_params = [{pipeline_mode = #tpu.pipeline_mode<synchronous>, transform_indices = @transform_0, window_bounds = array<i64: 10000, 256>}, {pipeline_mode = #tpu.pipeline_mode<synchronous>, transform_indices = @transform_1, window_bounds = array<i64: 128, 256>}, {pipeline_mode = #tpu.pipeline_mode<synchronous>, transform_indices = @transform_2, window_bounds = array<i64: 10112, 128>}]} {
    %get3A = arith.constant 0 : index
    %get3A_0 = arith.constant 0 : index
    %get3A_1 = vector.load %arg1[%get3A, %get3A_0] : memref<10000x256xf32, #tpu.memory_space<vmem>>, vector<10000x256xf32>
    %get3A_2 = arith.constant 0 : index
    %get3A_3 = arith.constant 0 : index
    %get3A_4 = vector.load %arg2[%get3A_2, %get3A_3] : memref<128x256xf32, #tpu.memory_space<vmem>>, vector<128x256xf32>
    %dot_general3A = arith.constant dense<0.000000e+00> : vector<10000x128xf32>
    %dot_general3A_5 = tpu.matmul %get3A_1, %get3A_4, %dot_general3A {dimension_numbers = #tpu.dot_dimension_numbers<[1], [1], [0], [0], [0, 0, 1, 0], [], []>, transpose_lhs_hint = false} : vector<10000x256xf32>, vector<128x256xf32>, vector<10000x128xf32> -> vector<10000x128xf32>
    %swap3A = arith.constant 0 : index
    %swap3A_6 = arith.constant 0 : index
    %swap3A_7 = vector.load %arg3[%swap3A, %swap3A_6] : memref<10112x128xf32, #tpu.memory_space<vmem>>, vector<10000x128xf32>
    tpu.vector_store %arg3[%swap3A, %swap3A_6], %dot_general3A_5 {strides = array<i32>} : memref<10112x128xf32, #tpu.memory_space<vmem>>, vector<10000x128xf32>,
    %broadcast_in_dim3A = arith.constant 0.000000e+00 : f32
    %broadcast_in_dim3A_8 = vector.broadcast %broadcast_in_dim3A : f32 to vector<112x128xf32>
    %swap3A_9 = arith.constant 10000 : index
    %swap3A_10 = arith.constant 0 : index
    %swap3A_11 = vector.load %arg3[%swap3A_9, %swap3A_10] : memref<10112x128xf32, #tpu.memory_space<vmem>>, vector<112x128xf32>
    tpu.vector_store %arg3[%swap3A_9, %swap3A_10], %broadcast_in_dim3A_8 {strides = array<i32>} : memref<10112x128xf32, #tpu.memory_space<vmem>>, vector<112x128xf32>,
    return
  }
  func.func @transform_0(%arg0: i32) -> (i32, i32) {
    %c0_i32 = arith.constant 0 : i32
    %c0_i32_0 = arith.constant 0 : i32
    %c0_i32_1 = arith.constant 0 : i32
    return %c0_i32, %c0_i32_0 : i32, i32
  }
  func.func @transform_1(%arg0: i32) -> (i32, i32) {
    %c0_i32 = arith.constant 0 : i32
    %c0_i32_0 = arith.constant 0 : i32
    %c0_i32_1 = arith.constant 0 : i32
    return %c0_i32, %c0_i32_0 : i32, i32
  }
  func.func @transform_2(%arg0: i32) -> (i32, i32) {
    %c0_i32 = arith.constant 0 : i32
    %c0_i32_0 = arith.constant 0 : i32
    %c0_i32_1 = arith.constant 0 : i32
    return %c0_i32, %c0_i32_0 : i32, i32
  }
}

module attributes {stable_mosaic.version = 14 : i64} {
  func.func @_mm_relu_body(%arg0: i32, %arg1: memref<2x10112x128xf32, #tpu.memory_space<vmem>>, %arg2: memref<128x128xf32, #tpu.memory_space<vmem>>, %arg3: memref<10112x128xf32, #tpu.memory_space<vmem>>) attributes {dimension_semantics = [#tpu.dimension_semantics<arbitrary>], iteration_bounds = array<i64: 1>, scalar_prefetch = 0 : i64, scratch_operands = 0 : i64, tpu.core_type = #tpu.core_type<tc>, window_params = [{transform_indices = @transform_0, window_bounds = array<i64: 2, 10112, 128>}, {pipeline_mode = #tpu.pipeline_mode<synchronous>, transform_indices = @transform_1, window_bounds = array<i64: 128, 128>}, {transform_indices = @transform_2, window_bounds = array<i64: 10112, 128>}]} {
    %get3A = arith.constant 0 : index
    %get3A_0 = arith.constant 0 : index
    %get3A_1 = arith.constant 0 : index
    %get3A_2 = vector.load %arg1[%get3A, %get3A_0, %get3A_1] : memref<2x10112x128xf32, #tpu.memory_space<vmem>>, vector<1x10112x128xf32>
    %get3A_3 = vector.shape_cast %get3A_2 : vector<1x10112x128xf32> to vector<10112x128xf32>
    %get3A_4 = arith.constant 1 : index
    %get3A_5 = arith.constant 0 : index
    %get3A_6 = arith.constant 0 : index
    %get3A_7 = vector.load %arg1[%get3A_4, %get3A_5, %get3A_6] : memref<2x10112x128xf32, #tpu.memory_space<vmem>>, vector<1x10112x128xf32>
    %get3A_8 = vector.shape_cast %get3A_7 : vector<1x10112x128xf32> to vector<10112x128xf32>
    %add3A = arith.addf %get3A_3, %get3A_8 : vector<10112x128xf32>
    %max3A = arith.constant 0.000000e+00 : f32
    %max3A_9 = vector.broadcast %max3A : f32 to vector<10112x128xf32>
    %max3A_10 = arith.maximumf %add3A, %max3A_9 : vector<10112x128xf32>
    %get3A_11 = arith.constant 0 : index
    %get3A_12 = arith.constant 0 : index
    %get3A_13 = vector.load %arg2[%get3A_11, %get3A_12] : memref<128x128xf32, #tpu.memory_space<vmem>>, vector<128x128xf32>
    %dot_general3A = arith.constant dense<0.000000e+00> : vector<10112x128xf32>
    %dot_general3A_14 = tpu.matmul %max3A_10, %get3A_13, %dot_general3A {dimension_numbers = #tpu.dot_dimension_numbers<[1], [1], [0], [0], [0, 0, 1, 0], [], []>, transpose_lhs_hint = false} : vector<10112x128xf32>, vector<128x128xf32>, vector<10112x128xf32> -> vector<10112x128xf32>
    %swap3A = arith.constant 0 : index
    %swap3A_15 = arith.constant 0 : index
    %swap3A_16 = vector.load %arg3[%swap3A, %swap3A_15] : memref<10112x128xf32, #tpu.memory_space<vmem>>, vector<10112x128xf32>
    tpu.vector_store %arg3[%swap3A, %swap3A_15], %dot_general3A_14 {strides = array<i32>} : memref<10112x128xf32, #tpu.memory_space<vmem>>, vector<10112x128xf32>,
    return
  }
  func.func @transform_0(%arg0: i32) -> (i32, i32, i32) {
    %c0_i32 = arith.constant 0 : i32
    %c0_i32_0 = arith.constant 0 : i32
    %c0_i32_1 = arith.constant 0 : i32
    return %c0_i32, %arg0, %c0_i32_0 : i32, i32, i32
  }
  func.func @transform_1(%arg0: i32) -> (i32, i32) {
    %c0_i32 = arith.constant 0 : i32
    %c0_i32_0 = arith.constant 0 : i32
    %c0_i32_1 = arith.constant 0 : i32
    return %c0_i32, %c0_i32_0 : i32, i32
  }
  func.func @transform_2(%arg0: i32) -> (i32, i32) {
    %c0_i32 = arith.constant 0 : i32
    %c0_i32_0 = arith.constant 0 : i32
    return %arg0, %c0_i32 : i32, i32
  }
}

module attributes {stable_mosaic.version = 14 : i64} {
  func.func @_sum2_body(%arg0: i32, %arg1: memref<2x10112x128xf32, #tpu.memory_space<vmem>>, %arg2: memref<10000x128xf32, #tpu.memory_space<vmem>>) attributes {dimension_semantics = [#tpu.dimension_semantics<arbitrary>], iteration_bounds = array<i64: 1>, scalar_prefetch = 0 : i64, scratch_operands = 0 : i64, tpu.core_type = #tpu.core_type<tc>, window_params = [{pipeline_mode = #tpu.pipeline_mode<synchronous>, transform_indices = @transform_0, window_bounds = array<i64: 2, 10112, 128>}, {pipeline_mode = #tpu.pipeline_mode<synchronous>, transform_indices = @transform_1, window_bounds = array<i64: 10000, 128>}]} {
    %get3A = arith.constant 0 : index
    %get3A_0 = arith.constant 0 : index
    %get3A_1 = arith.constant 0 : index
    %get3A_2 = vector.load %arg1[%get3A, %get3A_0, %get3A_1] : memref<2x10112x128xf32, #tpu.memory_space<vmem>>, vector<1x10000x128xf32>
    %get3A_3 = vector.shape_cast %get3A_2 : vector<1x10000x128xf32> to vector<10000x128xf32>
    %get3A_4 = arith.constant 1 : index
    %get3A_5 = arith.constant 0 : index
    %get3A_6 = arith.constant 0 : index
    %get3A_7 = vector.load %arg1[%get3A_4, %get3A_5, %get3A_6] : memref<2x10112x128xf32, #tpu.memory_space<vmem>>, vector<1x10000x128xf32>
    %get3A_8 = vector.shape_cast %get3A_7 : vector<1x10000x128xf32> to vector<10000x128xf32>
    %add3A = arith.addf %get3A_3, %get3A_8 : vector<10000x128xf32>
    %swap3A = arith.constant 0 : index
    %swap3A_9 = arith.constant 0 : index
    %swap3A_10 = vector.load %arg2[%swap3A, %swap3A_9] : memref<10000x128xf32, #tpu.memory_space<vmem>>, vector<10000x128xf32>
    tpu.vector_store %arg2[%swap3A, %swap3A_9], %add3A {strides = array<i32>} : memref<10000x128xf32, #tpu.memory_space<vmem>>, vector<10000x128xf32>,
    return
  }
  func.func @transform_0(%arg0: i32) -> (i32, i32, i32) {
    %c0_i32 = arith.constant 0 : i32
    %c0_i32_0 = arith.constant 0 : i32
    %c0_i32_1 = arith.constant 0 : i32
    %c0_i32_2 = arith.constant 0 : i32
    return %c0_i32, %c0_i32_0, %c0_i32_1 : i32, i32, i32
  }
  func.func @transform_1(%arg0: i32) -> (i32, i32) {
    %c0_i32 = arith.constant 0 : i32
    %c0_i32_0 = arith.constant 0 : i32
    %c0_i32_1 = arith.constant 0 : i32
    return %c0_i32, %c0_i32_0 : i32, i32
  }
}

</mosaic_0001>

<sc_bundles>
// kernel: kernel.12.cloned.1.call-start
scs
__scs_entry_jumppad:
0x0: {  	(pc) =	sbr.rel $0x88, $3  }
0x1: {  	(tag) =	ssettag $0x0;
	lr =	simm.s32 $0x1  }
0x2: {  	[smem:$0x3F9C] =	sst lr;
	_ =	strace $0xD0000000  }
0x3: {  	_ = 	snop  }
0x4: {  	_ = 	snop  }
0x5: {  	_ = 	snop  }
0x6: {  	_ = 	snop  }
0x7: {  	_ = 	snop  }
__scs_overlays_trampoline_lowered:
0x8: {  	[smem:$0x3FAB] =	sst s0  }
0x9: {  	[smem:$0x3FAC] =	sst s1  }
0xa: {  	[smem:$0x3FAD] =	sst s2  }
0xb: {  	[smem:$0x3FAE] =	sst s3  }
0xc: {  	[smem:$0x3FAF] =	sst s4  }
0xd: {  	[smem:$0x3FB0] =	sst s5  }
0xe: {  	[smem:$0x3FB1] =	sst s6  }
0xf: {  	[smem:$0x3FB2] =	sst s7  }
0x10: {  	[smem:$0x3FB3] =	sst s8  }
0x11: {  	[smem:$0x3FB4] =	sst s9;
	s0 =	simm.s32 @!p0 $0x0  }
0x12: {  	s1 =	sld [smem:$0x3F9A];
	s0 =	simm.s32 @p0 $0x1  }
0x13: {  	[smem:$0x3FB5] =	sst s0;
	s0 =	simm.s32 @!p1 $0x0  }
0x14: {  	s2 =	sld [smem:$0x3F99];
	s0 =	simm.s32 @p1 $0x1  }
0x15: {  	[smem:$0x3FB6] =	sst s0;
	s0 =	simm.s32 @!p2 $0x0  }
0x16: {  	s3 =	sld [smem:$0x3FDB];
	s0 =	simm.s32 @p2 $0x1  }
0x17: {  	s4 =	simm.s32 $0x1BF5;
	[smem:$0x3FB8] =	sst s0  }
0x18: {  	s0 =	sld [smem:$0x3F9B];
	_ =	swait.ge [sflag:s4], $0x0  }
0x19: {  	s7 =	sld [smem:$0x3F9C]  }
0x1a: {  	s8 =	sadd.s32 $0xFFFFE003, lr  }
0x1b: {  	s9 =	sadd.s32 $0xFFFFFEF7, lr;
	s5 =	simm.s32 $0xFFFFFFFF;
	p2 =	slt.u32 s8, $0xFFFFF086  }
0x1c: {  	p1 =	slt.u32 s9, $0xF7A;
	s5 =	simm.s32 @!p2 $0x0  }
0x1d: {  	s5 =	simm.s32 @p1 $0x1;
	p0 =	seq.s32 s7, s2  }
0x1e: {  	s7 =	smul.u32 @!p0 $0xF7A, s2;
	p2 =	seq.s32 @!p0 s5, $0x0  }
0x1f: {  	s9 =	smul.u32 $0xF7A, s1;
	s8 =	simm.s32 @!p0 $0x1BF5;
	p2 =	por !p2, p0  }
0x20: {  	[sflag:s8] =	ssyncset.s32 @!p0 $0xFFFFF086;
	s6 =	sadd.s32 @!p0 s3, s7;
	s7 =	simm.s32 @!p0 $0x108  }
0x21: {  	s3 =	sadd.s32 s3, s9;
	s6 =	sadd.s32 @!p0 $0x88, s6;
	s7 =	simm.s32 @p2 $0x1082  }
0x22: {  	[simem:s7], [sflag:s8] =	dma.local @!p0 [hbm:s6], $0xF7A  }
0x23: {  	s9 =	sor.u32 $0xD0000000, s2;
	s6 =	simm.s32 $0x108;
	_ =	swait.ge @!p0 [sflag:s8], $0x0  }
0x24: {  	s3 =	sadd.s32 $0x88, s3;
	s6 =	simm.s32 @!p1 $0x1082;
	[sflag:s4] =	ssyncset.s32 $0xFFFFF086  }
0x25: {  	[simem:s6], [sflag:s4] =	dma.local [hbm:s3], $0xF7A  }
0x26: {  	[smem:$0x3F9C] =	sst s1;
	(tag) =	ssettag s2;
	_ =	strace s9  }
0x27: {  	s1 =	sld [smem:$0x3FAC]  }
0x28: {  	s2 =	sld [smem:$0x3FAD]  }
0x29: {  	s4 =	sld [smem:$0x3FAF]  }
0x2a: {  	p0 =	seq.s32 s5, $0x0;
	s5 =	sld [smem:$0x3FB0]  }
0x2b: {  	s6 =	sld [smem:$0x3FB1]  }
0x2c: {  	s7 =	sld [smem:$0x3FB2]  }
0x2d: {  	s3 =	simm.s32 $0x108;
	s8 =	sld [smem:$0x3FB3]  }
0x2e: {  	s3 =	simm.s32 @!p0 $0x1082;
	s9 =	sld [smem:$0x3FB4]  }
0x2f: {  	lr =	sadd.s32 s0, s3;
	s0 =	sld [smem:$0x3FAB]  }
0x30: {  	s3 =	sld [smem:$0x3FAE]  }
0x31: {  	[smem:$0x3FB7] =	sst s10  }
0x32: {  	s10 =	sld [smem:$0x3FB5];
	_ =	sdelay $0x3  }
0x33: {  	p0 =	seq.s32 s10, $0x1;
	s10 =	sld [smem:$0x3FB7];
	_ =	sdelay $0x3  }
0x34: {  	[smem:$0x3FB7] =	sst s10  }
0x35: {  	s10 =	sld [smem:$0x3FB6];
	_ =	sdelay $0x3  }
0x36: {  	p1 =	seq.s32 s10, $0x1;
	s10 =	sld [smem:$0x3FB7];
	_ =	sdelay $0x3  }
0x37: {  	[smem:$0x3FB7] =	sst s10  }
0x38: {  	s10 =	sld [smem:$0x3FB8]  }
0x39: {  	_ = 	snop;
	(pc) =	sbr.ind lr, $3  }
0x3a: {  	_ = 	snop  }
0x3b: {  	_ = 	snop  }
0x3c: {  	p2 =	seq.s32 s10, $0x1;
	s10 =	sld [smem:$0x3FB7]  }
0x3d: {  	_ =	shalt  }
0x3e: {  	_ =	shalt  }
0x3f: {  	_ =	shalt  }
0x40: {  	_ =	shalt  }
0x41: {  	_ =	shalt  }
0x42: {  	_ =	shalt  }
0x43: {  	_ =	shalt  }
0x44: {  	_ =	shalt  }
0x45: {  	_ =	shalt  }
0x46: {  	_ =	shalt  }
0x47: {  	_ =	shalt  }
0x48: {  	_ =	shalt  }
0x49: {  	_ =	shalt  }
0x4a: {  	_ =	shalt  }
0x4b: {  	_ =	shalt  }
0x4c: {  	_ =	shalt  }
0x4d: {  	_ =	shalt  }
0x4e: {  	_ =	shalt  }
0x4f: {  	_ =	shalt  }
0x50: {  	_ =	shalt  }
0x51: {  	_ =	shalt  }
0x52: {  	_ =	shalt  }
0x53: {  	_ =	shalt  }
0x54: {  	_ =	shalt  }
0x55: {  	_ =	shalt  }
0x56: {  	_ =	shalt  }
0x57: {  	_ =	shalt  }
0x58: {  	_ =	shalt  }
0x59: {  	_ =	shalt  }
0x5a: {  	_ =	shalt  }
0x5b: {  	_ =	shalt  }
0x5c: {  	_ =	shalt  }
0x5d: {  	_ =	shalt  }
0x5e: {  	_ =	shalt  }
0x5f: {  	_ =	shalt  }
0x60: {  	_ =	shalt  }
0x61: {  	_ =	shalt  }
0x62: {  	_ =	shalt  }
0x63: {  	_ =	shalt  }
0x64: {  	_ =	shalt  }
0x65: {  	_ =	shalt  }
0x66: {  	_ =	shalt  }
0x67: {  	_ =	shalt  }
0x68: {  	_ =	shalt  }
0x69: {  	_ =	shalt  }
0x6a: {  	_ =	shalt  }
0x6b: {  	_ =	shalt  }
0x6c: {  	_ =	shalt  }
0x6d: {  	_ =	shalt  }
0x6e: {  	_ =	shalt  }
0x6f: {  	_ =	shalt  }
0x70: {  	_ =	shalt  }
0x71: {  	_ =	shalt  }
0x72: {  	_ =	shalt  }
0x73: {  	_ =	shalt  }
0x74: {  	_ =	shalt  }
0x75: {  	_ =	shalt  }
0x76: {  	_ =	shalt  }
0x77: {  	_ =	shalt  }
0x78: {  	_ =	shalt  }
0x79: {  	_ =	shalt  }
0x7a: {  	_ =	shalt  }
0x7b: {  	_ =	shalt  }
0x7c: {  	_ =	shalt  }
0x7d: {  	_ =	shalt  }
0x7e: {  	_ =	shalt  }
0x7f: {  	_ =	shalt  }
0x80: {  	_ =	shalt  }
0x81: {  	_ =	shalt  }
0x82: {  	_ =	shalt  }
0x83: {  	_ =	shalt  }
0x84: {  	_ =	shalt  }
0x85: {  	_ =	shalt  }
0x86: {  	_ =	shalt  }
0x87: {  	_ =	shalt  }
.Lfunc_end0:
.L_simem_size_0:
called_computation.1_lowered:
.L_overlay_start_0:
0x88: {  	s2 =	sld [smem:$0x3FD9]  }
0x89: {  	s3 =	sld [smem:$0x3FFE];
	_ =	sdelay $0x1  }
0x8a: {  	s1 =	srdreg.scid  }
0x8b: {  	s0 =	sand.u32 $0x1, s1  }
0x8c: {  	s17 =	sshll.u32 s0, $0xA;
	s2 =	sadd.s32 s3, s2  }
0x8d: {  	s2 =	sadd.s32 s2, s17  }
0x8e: {  	[smem:$0x3FC3] =	sst s2  }
0x8f: {  	_ = 	snop  }
0x90: {  	s2 =	sld [smem:$0x3FD0];
	(tm) =	ssettm $0x1  }
0x91: {  	s18 =	sld [smem:$0x3FFB];
	_ =	sdelay $0x3  }
0x92: {  	_ =	strace s18  }
0x93: {  	s3 =	sld [smem:$0x3FFC];
	_ =	sdelay $0x3  }
0x94: {  	_ =	strace s3  }
0x95: {  	s3 =	sld [smem:$0x3FFD];
	_ =	sdelay $0x3  }
0x96: {  	_ =	strace s3  }
0x97: {  	_ =	strace $0x8FFFFFFF  }
0x98: {  	s19 =	sld [smem:$0x3FDB];
	_ =	sdelay $0x1  }
0x99: {  	s4 =	simm.s32 $_scs_section_size  }
0x9a: {  	s5 =	simm.s32 $_size__tile_overlayer_lowered;
	s6 =	simm.s32 $_tile_overlayer_lowered  }
0x9b: {  	s22 =	simm.s32 $0x1BFF;
	s21 =	sshll.u32 s6, $0x1;
	s3 =	sadd.s32 s4, s19  }
0x9c: {  	s7 =	simm.s32 $0x0;
	s20 =	sshll.u32 s5, $0x1;
	s5 =	sadd.s32 s21, s3  }
0x9d: {  	[timem:s7], [sflag:s22] =	dma.local [hbm:s5], s20  }
0x9e: {  	_ =	swait.ge [sflag:s22], s20  }
0x9f: {  	s4 =	ssub.s32 $0x0, s20;
	[sflag:s22] =	ssyncset.done $0x0  }
0xa0: {  	[sflag:s22] =	ssyncadd.s32 s4;
	_ =	sdelay $0x1  }
0xa1: {  	s23 =	simm.s32 $0x1B8B  }
0xa2: {  	_ =	swait.ge [sflag:s23], $0x1  }
0xa3: {  	[sflag:s23] =	ssyncset.done $0x0  }
0xa4: {  	s25 =	simm.s32 $0x1B8E;
	s24 =	sld [smem:$0x3FFE];
	[sflag:s23] =	ssyncadd.s32 $0xFFFFFFFF  }
0xa5: {  	s26 =	simm.s32 $execute0_lowered;
	[smem:$0x3FD2] =	sst s25  }
0xa6: {  	s5 =	sshll.u32 s26, $0x1;
	_ =	strace $0x80000049;
	[dreg:$0x1] =	wrdreg $0xFFFFFFFF  }
0xa7: {  	s28 =	simm.s32 $_size_execute0_lowered;
	s3 =	sadd.s32 s3, s5;
	[dreg:$0x0] =	wrdreg $0x0  }
0xa8: {  	s5 =	sshll.u32 s28, $0x1;
	[dreg:$0x2] =	wrdreg s3  }
0xa9: {  	[dreg:$0x3] =	wrdreg s5  }
0xaa: {  	[dreg:$0x4] =	wrdreg $0xC0  }
0xab: {  	_ =	task [dreg:s7], $0x5FFFF  }
0xac: {  	[dreg:$0x1] =	wrdreg $0xFFFFFFFF  }
0xad: {  	[dreg:$0x0] =	wrdreg $0x60  }
0xae: {  	[dreg:$0x2] =	wrdreg s24  }
0xaf: {  	[dreg:$0x3] =	wrdreg s2  }
0xb0: {  	[dreg:$0x4] =	wrdreg $0xAC000  }
0xb1: {  	[dreg:$0x5] =	wrdreg $0x9  }
0xb2: {  	_ =	task.clear_ibuf [dreg:s7], $0x6FFFF;
	_ =	strace $0x90000049  }
0xb3: {  	s29 =	simm.s32 $0x9;
	_ =	strace $0x8000004B  }
0xb4: {  	_ =	swait.ge [sflag:s29], $0x1  }
0xb5: {  	[sflag:s29] =	ssyncadd.s32 $0xFFFFFFFF  }
0xb6: {  	_ =	strace $0x9000004B  }
0xb7: {  	_ =	sfence  }
0xb8: {  	s30 =	sld [smem:$0x0];
	_ =	sdelay $0x2  }
0xb9: {  	s31 =	sshll.u32 s1, $0xD;
	s1 =	sshrl.u32 s1, $0x2  }
0xba: {  	s3 =	sand.u32 $0x4000, s31;
	s1 =	sadd.s32 s1, s30  }
0xbb: {  	s0 =	sor.u32 s3, s0;
	s1 =	sshll.u32 s1, $0x11  }
0xbc: {  	s0 =	sor.u32 s1, s0  }
0xbd: {  	s0 =	sadd.s32 $0x8F2B, s0  }
0xbe: {  	[sflag:s0] =	ssyncadd.remote.s32 $0x1  }
0xbf: {  	_ =	sfence.sel $0xFFFF  }
0xc0: {  	[dreg:$0x0] =	wrdreg $0xFFFFFFFF;
	(pc) =	sbr.abs _section_cstart, $3  }
0xc1: {  	[dreg:$0x1] =	wrdreg $0xFFFFFFFF  }
0xc2: {  	_ =	task.clear_ibuf [dreg:s7], $0x2FFFF;
	_ =	strace $0x9FFFFFFF  }
0xc3: {  	(tm) =	ssettm $0x7FFFFFFF  }
tec
execute0_lowered:
.L_overlay_start_1:
0x0: {  	(tag) =	ssettag $0x1  }
0x1: {  	s5 =	rddreg [dreg:$0x0]  }
0x2: {  	s6 =	rddreg [dreg:$0x1]  }
0x3: {  	s2 =	rddreg [dreg:$0x2];
	s3 =	srdreg.scid  }
0x4: {  	s0 =	rddreg [dreg:$0x3];
	s1 =	stileid.u32;
	s13 =	simm.s32 $0x4  }
0x5: {  	s14 =	simm.s32 $0x80;
	s15 =	simm.s32 $0x2800;
	s16 =	simm.s32 $0x6800  }
0x6: {  	s17 =	simm.s32 $0x1;
	s18 =	simm.s32 $0x5;
	s19 =	simm.s32 $0x2  }
0x7: {  	s20 =	simm.s32 $0x2700;
	s21 =	simm.s32 $0x2780;
	s24 =	simm.s32 $0x0  }
0x8: {  	s7 =	sand.u32 $0x1, s3;
	s3 =	simm.s32 $0x0;
	s10 =	smul.u32 $0x13C00, s1  }
0x9: {  	s4 =	sshll.u32 s1, $0x1;
	s30 =	smul.u32 $0x4F000, s1;
	s22 =	sshll.u32 s1, $0x6  }
0xa: {  	s8 =	smul.u32 $0x13C000, s7;
	[smem:$0x7FF] =	sst s3;
	s9 =	sor.u32 s7, s4  }
0xb: {  	s4 =	sadd.s32 $0x1A00, s5;
	s7 =	ssub.s32 $0x2, s7;
	s22 =	sor.u32 $0x1C05, s22  }
0xc: {  	_ =	strace $0x8000004A;
	s9 =	smul.u32 $0x280, s9;
	s12 =	sshrl.u32 s7, $0x1  }
0xd: {  	s31 =	sshrl.u32 s30, $0x2;
	s8 =	sadd.s32 s10, s8;
	s12 =	ssub.s32 s7, s12  }
0xe: {  	s7 =	sadd.s32 s31, s2;
	s10 =	simm.s32 $0x1400;
	s11 =	sadd.s32 s9, s5  }
0xf: {  	s8 =	sshrl.u32 s8, $0x3;
	s6 =	sadd.s32 s6, s9;
	s9 =	smax.u32 s12, $0x1  }
0x10: {  	s12 =	simm.s32 $0x3;
	s23 =	sshrl.u32 s7, $0x3;
	s8 =	sadd.s32 s8, s5  }
0x11: {  	v0 =	vimm.f32 $0.0e+00;
	s5 =	sadd.s32 $0x29200, s11;
	s11 =	simm.s32 $0xA800;
	s8 =	sadd.s32 $0x2E200, s8  }
.LBB2_1:
0x12: {  	[tilespmem:s3], [sflag:$0x4] =	stream.linear.gather [hbm4b:s5+s3], $0x1400, $0x38;
	[tilespmem:$0x1E800] =	vst v63  }
0x13: {  	_ = 	snop  }
0x14: {  	[tilespmem:s10], [sflag:$0x4] =	stream.linear.gather [hbm4b:s6+s3], $0x1400, $0x38;
	[tilespmem:$0x1E800] =	vst v63  }
0x15: {  	[tilespmem:$0xA800] =	vst v0  }
0x16: {  	[tilespmem:$0xA810] =	vst v0  }
0x17: {  	[tilespmem:$0xA820] =	vst v0  }
0x18: {  	[tilespmem:$0xA830] =	vst v0  }
0x19: {  	[tilespmem:$0xA840] =	vst v0  }
0x1a: {  	[tilespmem:$0xA850] =	vst v0  }
0x1b: {  	[tilespmem:$0xA860] =	vst v0  }
0x1c: {  	[tilespmem:$0xA870] =	vst v0  }
0x1d: {  	[tilespmem:$0xA880] =	vst v0  }
0x1e: {  	[tilespmem:$0xA890] =	vst v0  }
0x1f: {  	[tilespmem:$0xA8A0] =	vst v0  }
0x20: {  	[tilespmem:$0xA8B0] =	vst v0  }
0x21: {  	[tilespmem:$0xA8C0] =	vst v0  }
0x22: {  	[tilespmem:$0xA8D0] =	vst v0  }
0x23: {  	[tilespmem:$0xA8E0] =	vst v0  }
0x24: {  	[tilespmem:$0xA8F0] =	vst v0  }
0x25: {  	[tilespmem:$0xA900] =	vst v0  }
0x26: {  	[tilespmem:$0xA910] =	vst v0  }
0x27: {  	[tilespmem:$0xA920] =	vst v0  }
0x28: {  	[tilespmem:$0xA930] =	vst v0  }
0x29: {  	[tilespmem:$0xA940] =	vst v0  }
0x2a: {  	[tilespmem:$0xA950] =	vst v0  }
0x2b: {  	[tilespmem:$0xA960] =	vst v0  }
0x2c: {  	[tilespmem:$0xA970] =	vst v0  }
0x2d: {  	[tilespmem:$0xA980] =	vst v0  }
0x2e: {  	[tilespmem:$0xA990] =	vst v0  }
0x2f: {  	[tilespmem:$0xA9A0] =	vst v0  }
0x30: {  	[tilespmem:$0xA9B0] =	vst v0  }
0x31: {  	[tilespmem:$0xA9C0] =	vst v0  }
0x32: {  	[tilespmem:$0xA9D0] =	vst v0  }
0x33: {  	[tilespmem:$0xA9E0] =	vst v0  }
0x34: {  	[tilespmem:$0xA9F0] =	vst v0  }
0x35: {  	[tilespmem:$0xAA00] =	vst v0  }
0x36: {  	[tilespmem:$0xAA10] =	vst v0  }
0x37: {  	[tilespmem:$0xAA20] =	vst v0  }
0x38: {  	[tilespmem:$0xAA30] =	vst v0  }
0x39: {  	[tilespmem:$0xAA40] =	vst v0  }
0x3a: {  	[tilespmem:$0xAA50] =	vst v0  }
0x3b: {  	[tilespmem:$0xAA60] =	vst v0  }
0x3c: {  	[tilespmem:$0xAA70] =	vst v0  }
0x3d: {  	[tilespmem:$0xAA80] =	vst v0  }
0x3e: {  	[tilespmem:$0xAA90] =	vst v0  }
0x3f: {  	[tilespmem:$0xAAA0] =	vst v0  }
0x40: {  	[tilespmem:$0xAAB0] =	vst v0  }
0x41: {  	[tilespmem:$0xAAC0] =	vst v0  }
0x42: {  	[tilespmem:$0xAAD0] =	vst v0  }
0x43: {  	[tilespmem:$0xAAE0] =	vst v0  }
0x44: {  	[tilespmem:$0xAAF0] =	vst v0  }
0x45: {  	[tilespmem:$0xAB00] =	vst v0  }
0x46: {  	[tilespmem:$0xAB10] =	vst v0  }
0x47: {  	[tilespmem:$0xAB20] =	vst v0  }
0x48: {  	[tilespmem:$0xAB30] =	vst v0  }
0x49: {  	[tilespmem:$0xAB40] =	vst v0  }
0x4a: {  	[tilespmem:$0xAB50] =	vst v0  }
0x4b: {  	[tilespmem:$0xAB60] =	vst v0  }
0x4c: {  	[tilespmem:$0xAB70] =	vst v0  }
0x4d: {  	[tilespmem:$0xAB80] =	vst v0  }
0x4e: {  	[tilespmem:$0xAB90] =	vst v0  }
0x4f: {  	[tilespmem:$0xABA0] =	vst v0  }
0x50: {  	[tilespmem:$0xABB0] =	vst v0  }
0x51: {  	[tilespmem:$0xABC0] =	vst v0  }
0x52: {  	[tilespmem:$0xABD0] =	vst v0  }
0x53: {  	[tilespmem:$0xABE0] =	vst v0  }
0x54: {  	s25 =	simm.s32 $0x1000;
	s26 =	sadd.s32 $0x0, s7;
	[tilespmem:$0xABF0] =	vst v0  }
.LBB2_2:
0x55: {  	[spmem:s26] =	stream.linear.scatter [tilespmem:s11], [sflag:$0x3], $0x400, $0x38;
	[tilespmem:$0x1E800] =	vst v63  }
0x56: {  	s26 =	smov.u32 s25;
	p0 =	sne.s32 s25, $0x4E000  }
.Ltmp0:
0x57: {  	s25 =	sadd.s32 $0x1000, s25;
	(pc) =	sbr.rel @p0 .LBB2_2-.Ltmp0, $3  }
0x58: {  	_ =	sdelay $0x1  }
0x59: {  	s26 =	sshra.s32 s26, $0x2  }
0x5a: {  	s26 =	sadd.s32 s26, s7  }
0x5b: {  	[spmem:s26] =	stream.linear.scatter [tilespmem:s11], [sflag:$0x3], $0x400, $0x38;
	[tilespmem:$0x1E800] =	vst v63  }
0x5c: {  	_ =	swait.ge [sflag:s12], $0x2780  }
0x5d: {  	[sflag:s12] =	ssyncset.done $0x0  }
0x5e: {  	[sflag:s12] =	ssyncadd.s32 $0xFFFFD880  }
0x5f: {  	_ =	swait.ge [sflag:s13], $0x1400  }
0x60: {  	[sflag:s13] =	ssyncset.done $0x0  }
0x61: {  	[sflag:s13] =	ssyncadd.s32 $0xFFFFEC00  }
0x62: {  	_ =	swait.ge [sflag:s13], $0x1400  }
0x63: {  	[sflag:s13] =	ssyncset.done $0x0  }
0x64: {  	s25 =	simm.s32 $0x0;
	[sflag:s13] =	ssyncadd.s32 $0xFFFFEC00  }
0x65: {  	[tilespmem:s15], [sflag:$0x1] =	stream.indirect.gather [hbm4b:s4+s14], $0x80, s25, s14, $0xb8;
	[tilespmem:$0x1E800] =	vst v63  }
0x66: {  	_ = 	snop  }
0x67: {  	[tilespmem:s16], [sflag:$0x2] =	stream.indirect.gather [hbm4b:s4+s14], $0x80, s14, s14, $0xb8;
	[tilespmem:$0x1E800] =	vst v63  }
0x68: {  	[bflag:$0x0] =	sbarrier.arrive $0xFFFF  }
0x69: {  	_ =	swait.ge [sflag:s17], $0x4000  }
0x6a: {  	[sflag:s17] =	ssyncset.done $0x0  }
0x6b: {  	s29 =	simm.s32 $0x1400;
	[sflag:s17] =	ssyncadd.s32 $0xFFFFC000  }
0x6c: {  	[spmem:s2] =	stream.indirect.scatter.add.f32 [tilespmem:s15], [sflag:$0x5], $0x80, s29, s14, $0xb8;
	[tilespmem:$0x1E800] =	vst v63  }
0x6d: {  	_ =	swait.ge [sflag:s18], $0x4000  }
0x6e: {  	[sflag:s18] =	ssyncset.done $0x0  }
0x6f: {  	s30 =	simm.s32 $0x100;
	[sflag:s18] =	ssyncadd.s32 $0xFFFFC000  }
0x70: {  	[tilespmem:s15], [sflag:$0x1] =	stream.indirect.gather [hbm4b:s4+s14], $0x80, s30, s14, $0xb8;
	[tilespmem:$0x1E800] =	vst v63  }
0x71: {  	_ =	swait.ge [sflag:s19], $0x4000  }
0x72: {  	[sflag:s19] =	ssyncset.done $0x0  }
0x73: {  	s31 =	simm.s32 $0x1480;
	[sflag:s19] =	ssyncadd.s32 $0xFFFFC000  }
0x74: {  	[spmem:s2] =	stream.indirect.scatter.add.f32 [tilespmem:s16], [sflag:$0x5], $0x80, s31, s14, $0xb8;
	[tilespmem:$0x1E800] =	vst v63  }
0x75: {  	_ =	swait.ge [sflag:s18], $0x4000  }
0x76: {  	[sflag:s18] =	ssyncset.done $0x0  }
0x77: {  	s26 =	simm.s32 $0x180;
	s25 =	simm.s32 $0x400;
	[sflag:s18] =	ssyncadd.s32 $0xFFFFC000  }
.LBB2_4:
0x78: {  	[tilespmem:s16], [sflag:$0x2] =	stream.indirect.gather [hbm4b:s4+s14], $0x80, s26, s14, $0xb8;
	[tilespmem:$0x1E800] =	vst v63  }
0x79: {  	s26 =	smov.u32 s25  }
0x7a: {  	p0 =	sne.s32 s25, $0x4800;
	s25 =	sadd.s32 $0x400, s25;
	_ =	swait.ge [sflag:s17], $0x4000  }
0x7b: {  	s26 =	sshra.s32 s26, $0x2;
	[sflag:s17] =	ssyncset.done $0x0  }
0x7c: {  	s28 =	sadd.s32 $0x1400, s26;
	[sflag:s17] =	ssyncadd.s32 $0xFFFFC000  }
0x7d: {  	[spmem:s2] =	stream.indirect.scatter.add.f32 [tilespmem:s15], [sflag:$0x5], $0x80, s28, s14, $0xb8;
	[tilespmem:$0x1E800] =	vst v63  }
0x7e: {  	_ =	swait.ge [sflag:s18], $0x4000  }
0x7f: {  	[sflag:s18] =	ssyncset.done $0x0  }
0x80: {  	s28 =	sadd.s32 $0x100, s26;
	[sflag:s18] =	ssyncadd.s32 $0xFFFFC000  }
0x81: {  	[tilespmem:s15], [sflag:$0x1] =	stream.indirect.gather [hbm4b:s4+s14], $0x80, s28, s14, $0xb8;
	[tilespmem:$0x1E800] =	vst v63  }
0x82: {  	_ =	swait.ge [sflag:s19], $0x4000  }
0x83: {  	[sflag:s19] =	ssyncset.done $0x0  }
.Ltmp1:
0x84: {  	s28 =	sadd.s32 $0x1480, s26;
	[sflag:s19] =	ssyncadd.s32 $0xFFFFC000;
	(pc) =	sbr.rel @p0 .LBB2_4-.Ltmp1, $4  }
0x85: {  	[spmem:s2] =	stream.indirect.scatter.add.f32 [tilespmem:s16], [sflag:$0x5], $0x80, s28, s14, $0xb8;
	[tilespmem:$0x1E800] =	vst v63  }
0x86: {  	_ =	swait.ge [sflag:s18], $0x4000  }
0x87: {  	[sflag:s18] =	ssyncset.done $0x0  }
0x88: {  	s26 =	sadd.s32 $0x180, s26;
	[sflag:s18] =	ssyncadd.s32 $0xFFFFC000  }
0x89: {  	[tilespmem:s16], [sflag:$0x2] =	stream.indirect.gather [hbm4b:s4+s14], $0x80, s26, s14, $0xb8;
	[tilespmem:$0x1E800] =	vst v63  }
0x8a: {  	_ =	swait.ge [sflag:s17], $0x4000  }
0x8b: {  	[sflag:s17] =	ssyncset.done $0x0  }
0x8c: {  	[sflag:s17] =	ssyncadd.s32 $0xFFFFC000  }
0x8d: {  	[spmem:s2] =	stream.indirect.scatter.add.f32 [tilespmem:s15], [sflag:$0x5], $0x80, s20, s14, $0xb8;
	[tilespmem:$0x1E800] =	vst v63  }
0x8e: {  	_ =	swait.ge [sflag:s18], $0x4000  }
0x8f: {  	[sflag:s18] =	ssyncset.done $0x0  }
0x90: {  	[sflag:s18] =	ssyncadd.s32 $0xFFFFC000  }
0x91: {  	_ =	swait.ge [sflag:s19], $0x4000  }
0x92: {  	[sflag:s19] =	ssyncset.done $0x0  }
0x93: {  	[sflag:s19] =	ssyncadd.s32 $0xFFFFC000  }
0x94: {  	[spmem:s2] =	stream.indirect.scatter.add.f32 [tilespmem:s16], [sflag:$0x5], $0x80, s21, s14, $0xb8;
	[tilespmem:$0x1E800] =	vst v63  }
0x95: {  	_ =	swait.ge [sflag:s18], $0x4000  }
0x96: {  	s24 =	sadd.s32 $0x1, s24;
	[sflag:s18] =	ssyncset.done $0x0  }
0x97: {  	p0 =	sne.s32 s24, s9;
	[sflag:s18] =	ssyncadd.s32 $0xFFFFC000  }
.Ltmp2:
0x98: {  	[bflag:$0x0] =	sbarrier.arrive $0xFFFF;
	(pc) =	sbr.rel @p0 .LBB2_1-.Ltmp2, $4  }
0x99: {  	[hbm:s8], [sflag:s22] =	dma.local [spmem:s23], $0x2780  }
0x9a: {  	_ =	swait.ge [sflag:s18], $0x2780  }
0x9b: {  	[sflag:s18] =	ssyncset.done $0x0  }
0x9c: {  	[sflag:s18] =	ssyncadd.s32 $0xFFFFD880  }
0x9d: {  	_ =	sfence.sel $0x180000  }
0x9e: {  	[bflag:$0x0] =	sbarrier.arrive $0xFFFF  }
0x9f: {  	p0 =	sne.s32 s1, $0x0;
	_ =	strace $0x9000004A  }
0xa0: {  	s0 =	sadd.s32 @!p0 $0x100000, s0;
	[bflag:$0x2] =	sbarrier.arrive $0xFFFF  }
0xa1: {  	[sflag:s0] =	ssyncadd.tile.s32 @!p0 $0x1;
	_ =	shalt  }
.Lfunc_end2:
_tile_overlayer_lowered:
.L_overlay_start_2:
0xa2: {  	(tag) =	ssettag $0x2  }
0xa3: {  	s0 =	rddreg [dreg:$0x0];
	s2 =	stileid.u32  }
0xa4: {  	s1 =	rddreg [dreg:$0x1];
	p0 =	sne.s32 s2, $0x0  }
0xa5: {  	s3 =	rddreg [dreg:$0x2];
	[bflag:$0x3] =	sbarrier.arrive $0xFFFF;
	s2 =	simm.s32 @!p0 $0x1C05  }
0xa6: {  	[timem:s3], [sflag:s2] =	dma.local @!p0 [hbm:s0], s1  }
0xa7: {  	s0 =	simm.s32 @!p0 $0x5  }
0xa8: {  	_ =	swait.ge @!p0 [sflag:s0], s1  }
0xa9: {  	s1 =	ssub.s32 @!p0 $0x0, s1;
	[sflag:s0] =	ssyncset.done @!p0 $0x0  }
0xaa: {  	[sflag:s0] =	ssyncadd.s32 @!p0 s1  }
0xab: {  	[bflag:$0x3] =	sbarrier.arrive $0xFFFF  }
0xac: {  	_ =	shalt  }

// kernel: kernel.15.cloned.1.call-start
scs
__scs_entry_jumppad:
0x0: {  	(pc) =	sbr.rel $0x88, $3  }
0x1: {  	(tag) =	ssettag $0x0;
	lr =	simm.s32 $0x1  }
0x2: {  	[smem:$0x3F9C] =	sst lr;
	_ =	strace $0xD0000000  }
0x3: {  	_ = 	snop  }
0x4: {  	_ = 	snop  }
0x5: {  	_ = 	snop  }
0x6: {  	_ = 	snop  }
0x7: {  	_ = 	snop  }
__scs_overlays_trampoline_lowered:
0x8: {  	[smem:$0x3FAB] =	sst s0  }
0x9: {  	[smem:$0x3FAC] =	sst s1  }
0xa: {  	[smem:$0x3FAD] =	sst s2  }
0xb: {  	[smem:$0x3FAE] =	sst s3  }
0xc: {  	[smem:$0x3FAF] =	sst s4  }
0xd: {  	[smem:$0x3FB0] =	sst s5  }
0xe: {  	[smem:$0x3FB1] =	sst s6  }
0xf: {  	[smem:$0x3FB2] =	sst s7  }
0x10: {  	[smem:$0x3FB3] =	sst s8  }
0x11: {  	[smem:$0x3FB4] =	sst s9;
	s0 =	simm.s32 @!p0 $0x0  }
0x12: {  	s1 =	sld [smem:$0x3F9A];
	s0 =	simm.s32 @p0 $0x1  }
0x13: {  	[smem:$0x3FB5] =	sst s0;
	s0 =	simm.s32 @!p1 $0x0  }
0x14: {  	s2 =	sld [smem:$0x3F99];
	s0 =	simm.s32 @p1 $0x1  }
0x15: {  	[smem:$0x3FB6] =	sst s0;
	s0 =	simm.s32 @!p2 $0x0  }
0x16: {  	s3 =	sld [smem:$0x3FDB];
	s0 =	simm.s32 @p2 $0x1  }
0x17: {  	s4 =	simm.s32 $0x1BF5;
	[smem:$0x3FB8] =	sst s0  }
0x18: {  	s0 =	sld [smem:$0x3F9B];
	_ =	swait.ge [sflag:s4], $0x0  }
0x19: {  	s7 =	sld [smem:$0x3F9C]  }
0x1a: {  	s8 =	sadd.s32 $0xFFFFE003, lr  }
0x1b: {  	s9 =	sadd.s32 $0xFFFFFEF7, lr;
	s5 =	simm.s32 $0xFFFFFFFF;
	p2 =	slt.u32 s8, $0xFFFFF086  }
0x1c: {  	p1 =	slt.u32 s9, $0xF7A;
	s5 =	simm.s32 @!p2 $0x0  }
0x1d: {  	s5 =	simm.s32 @p1 $0x1;
	p0 =	seq.s32 s7, s2  }
0x1e: {  	s7 =	smul.u32 @!p0 $0xF7A, s2;
	p2 =	seq.s32 @!p0 s5, $0x0  }
0x1f: {  	s9 =	smul.u32 $0xF7A, s1;
	s8 =	simm.s32 @!p0 $0x1BF5;
	p2 =	por !p2, p0  }
0x20: {  	[sflag:s8] =	ssyncset.s32 @!p0 $0xFFFFF086;
	s6 =	sadd.s32 @!p0 s3, s7;
	s7 =	simm.s32 @!p0 $0x108  }
0x21: {  	s3 =	sadd.s32 s3, s9;
	s6 =	sadd.s32 @!p0 $0x88, s6;
	s7 =	simm.s32 @p2 $0x1082  }
0x22: {  	[simem:s7], [sflag:s8] =	dma.local @!p0 [hbm:s6], $0xF7A  }
0x23: {  	s9 =	sor.u32 $0xD0000000, s2;
	s6 =	simm.s32 $0x108;
	_ =	swait.ge @!p0 [sflag:s8], $0x0  }
0x24: {  	s3 =	sadd.s32 $0x88, s3;
	s6 =	simm.s32 @!p1 $0x1082;
	[sflag:s4] =	ssyncset.s32 $0xFFFFF086  }
0x25: {  	[simem:s6], [sflag:s4] =	dma.local [hbm:s3], $0xF7A  }
0x26: {  	[smem:$0x3F9C] =	sst s1;
	(tag) =	ssettag s2;
	_ =	strace s9  }
0x27: {  	s1 =	sld [smem:$0x3FAC]  }
0x28: {  	s2 =	sld [smem:$0x3FAD]  }
0x29: {  	s4 =	sld [smem:$0x3FAF]  }
0x2a: {  	p0 =	seq.s32 s5, $0x0;
	s5 =	sld [smem:$0x3FB0]  }
0x2b: {  	s6 =	sld [smem:$0x3FB1]  }
0x2c: {  	s7 =	sld [smem:$0x3FB2]  }
0x2d: {  	s3 =	simm.s32 $0x108;
	s8 =	sld [smem:$0x3FB3]  }
0x2e: {  	s3 =	simm.s32 @!p0 $0x1082;
	s9 =	sld [smem:$0x3FB4]  }
0x2f: {  	lr =	sadd.s32 s0, s3;
	s0 =	sld [smem:$0x3FAB]  }
0x30: {  	s3 =	sld [smem:$0x3FAE]  }
0x31: {  	[smem:$0x3FB7] =	sst s10  }
0x32: {  	s10 =	sld [smem:$0x3FB5];
	_ =	sdelay $0x3  }
0x33: {  	p0 =	seq.s32 s10, $0x1;
	s10 =	sld [smem:$0x3FB7];
	_ =	sdelay $0x3  }
0x34: {  	[smem:$0x3FB7] =	sst s10  }
0x35: {  	s10 =	sld [smem:$0x3FB6];
	_ =	sdelay $0x3  }
0x36: {  	p1 =	seq.s32 s10, $0x1;
	s10 =	sld [smem:$0x3FB7];
	_ =	sdelay $0x3  }
0x37: {  	[smem:$0x3FB7] =	sst s10  }
0x38: {  	s10 =	sld [smem:$0x3FB8]  }
0x39: {  	_ = 	snop;
	(pc) =	sbr.ind lr, $3  }
0x3a: {  	_ = 	snop  }
0x3b: {  	_ = 	snop  }
0x3c: {  	p2 =	seq.s32 s10, $0x1;
	s10 =	sld [smem:$0x3FB7]  }
0x3d: {  	_ =	shalt  }
0x3e: {  	_ =	shalt  }
0x3f: {  	_ =	shalt  }
0x40: {  	_ =	shalt  }
0x41: {  	_ =	shalt  }
0x42: {  	_ =	shalt  }
0x43: {  	_ =	shalt  }
0x44: {  	_ =	shalt  }
0x45: {  	_ =	shalt  }
0x46: {  	_ =	shalt  }
0x47: {  	_ =	shalt  }
0x48: {  	_ =	shalt  }
0x49: {  	_ =	shalt  }
0x4a: {  	_ =	shalt  }
0x4b: {  	_ =	shalt  }
0x4c: {  	_ =	shalt  }
0x4d: {  	_ =	shalt  }
0x4e: {  	_ =	shalt  }
0x4f: {  	_ =	shalt  }
0x50: {  	_ =	shalt  }
0x51: {  	_ =	shalt  }
0x52: {  	_ =	shalt  }
0x53: {  	_ =	shalt  }
0x54: {  	_ =	shalt  }
0x55: {  	_ =	shalt  }
0x56: {  	_ =	shalt  }
0x57: {  	_ =	shalt  }
0x58: {  	_ =	shalt  }
0x59: {  	_ =	shalt  }
0x5a: {  	_ =	shalt  }
0x5b: {  	_ =	shalt  }
0x5c: {  	_ =	shalt  }
0x5d: {  	_ =	shalt  }
0x5e: {  	_ =	shalt  }
0x5f: {  	_ =	shalt  }
0x60: {  	_ =	shalt  }
0x61: {  	_ =	shalt  }
0x62: {  	_ =	shalt  }
0x63: {  	_ =	shalt  }
0x64: {  	_ =	shalt  }
0x65: {  	_ =	shalt  }
0x66: {  	_ =	shalt  }
0x67: {  	_ =	shalt  }
0x68: {  	_ =	shalt  }
0x69: {  	_ =	shalt  }
0x6a: {  	_ =	shalt  }
0x6b: {  	_ =	shalt  }
0x6c: {  	_ =	shalt  }
0x6d: {  	_ =	shalt  }
0x6e: {  	_ =	shalt  }
0x6f: {  	_ =	shalt  }
0x70: {  	_ =	shalt  }
0x71: {  	_ =	shalt  }
0x72: {  	_ =	shalt  }
0x73: {  	_ =	shalt  }
0x74: {  	_ =	shalt  }
0x75: {  	_ =	shalt  }
0x76: {  	_ =	shalt  }
0x77: {  	_ =	shalt  }
0x78: {  	_ =	shalt  }
0x79: {  	_ =	shalt  }
0x7a: {  	_ =	shalt  }
0x7b: {  	_ =	shalt  }
0x7c: {  	_ =	shalt  }
0x7d: {  	_ =	shalt  }
0x7e: {  	_ =	shalt  }
0x7f: {  	_ =	shalt  }
0x80: {  	_ =	shalt  }
0x81: {  	_ =	shalt  }
0x82: {  	_ =	shalt  }
0x83: {  	_ =	shalt  }
0x84: {  	_ =	shalt  }
0x85: {  	_ =	shalt  }
0x86: {  	_ =	shalt  }
0x87: {  	_ =	shalt  }
.Lfunc_end0:
.L_simem_size_0:
called_computation.2_lowered:
.L_overlay_start_0:
0x88: {  	s2 =	sld [smem:$0x3FD9]  }
0x89: {  	s3 =	sld [smem:$0x3FFE];
	_ =	sdelay $0x1  }
0x8a: {  	s1 =	srdreg.scid  }
0x8b: {  	s0 =	sand.u32 $0x1, s1  }
0x8c: {  	s17 =	sshll.u32 s0, $0xA;
	s2 =	sadd.s32 s3, s2  }
0x8d: {  	s2 =	sadd.s32 s2, s17  }
0x8e: {  	[smem:$0x3FC3] =	sst s2  }
0x8f: {  	_ = 	snop  }
0x90: {  	s2 =	sld [smem:$0x3FD0];
	(tm) =	ssettm $0x1  }
0x91: {  	s18 =	sld [smem:$0x3FFB];
	_ =	sdelay $0x3  }
0x92: {  	_ =	strace s18  }
0x93: {  	s3 =	sld [smem:$0x3FFC];
	_ =	sdelay $0x3  }
0x94: {  	_ =	strace s3  }
0x95: {  	s3 =	sld [smem:$0x3FFD];
	_ =	sdelay $0x3  }
0x96: {  	_ =	strace s3  }
0x97: {  	_ =	strace $0x8FFFFFFF  }
0x98: {  	s19 =	sld [smem:$0x3FDB];
	_ =	sdelay $0x1  }
0x99: {  	s4 =	simm.s32 $_scs_section_size  }
0x9a: {  	s5 =	simm.s32 $_size__tile_overlayer_lowered;
	s6 =	simm.s32 $_tile_overlayer_lowered  }
0x9b: {  	s22 =	simm.s32 $0x1BFF;
	s21 =	sshll.u32 s6, $0x1;
	s3 =	sadd.s32 s4, s19  }
0x9c: {  	s7 =	simm.s32 $0x0;
	s20 =	sshll.u32 s5, $0x1;
	s5 =	sadd.s32 s21, s3  }
0x9d: {  	[timem:s7], [sflag:s22] =	dma.local [hbm:s5], s20  }
0x9e: {  	_ =	swait.ge [sflag:s22], s20  }
0x9f: {  	s4 =	ssub.s32 $0x0, s20;
	[sflag:s22] =	ssyncset.done $0x0  }
0xa0: {  	[sflag:s22] =	ssyncadd.s32 s4;
	_ =	sdelay $0x1  }
0xa1: {  	s23 =	simm.s32 $0x1B8B  }
0xa2: {  	_ =	swait.ge [sflag:s23], $0x1  }
0xa3: {  	[sflag:s23] =	ssyncset.done $0x0  }
0xa4: {  	s25 =	simm.s32 $0x1B8E;
	s24 =	sld [smem:$0x3FFE];
	[sflag:s23] =	ssyncadd.s32 $0xFFFFFFFF  }
0xa5: {  	s26 =	simm.s32 $execute0_lowered;
	[smem:$0x3FD2] =	sst s25  }
0xa6: {  	s5 =	sshll.u32 s26, $0x1;
	_ =	strace $0x8000004C;
	[dreg:$0x1] =	wrdreg $0xFFFFFFFF  }
0xa7: {  	s28 =	simm.s32 $_size_execute0_lowered;
	s3 =	sadd.s32 s3, s5;
	[dreg:$0x0] =	wrdreg $0x0  }
0xa8: {  	s5 =	sshll.u32 s28, $0x1;
	[dreg:$0x2] =	wrdreg s3  }
0xa9: {  	[dreg:$0x3] =	wrdreg s5  }
0xaa: {  	[dreg:$0x4] =	wrdreg $0xC0  }
0xab: {  	_ =	task [dreg:s7], $0x5FFFF  }
0xac: {  	[dreg:$0x1] =	wrdreg $0xFFFFFFFF  }
0xad: {  	[dreg:$0x0] =	wrdreg $0x60  }
0xae: {  	[dreg:$0x2] =	wrdreg s24  }
0xaf: {  	[dreg:$0x3] =	wrdreg s2  }
0xb0: {  	[dreg:$0x4] =	wrdreg $0xAC000  }
0xb1: {  	[dreg:$0x5] =	wrdreg $0x9  }
0xb2: {  	_ =	task.clear_ibuf [dreg:s7], $0x6FFFF;
	_ =	strace $0x9000004C  }
0xb3: {  	s29 =	simm.s32 $0x9;
	_ =	strace $0x8000004E  }
0xb4: {  	_ =	swait.ge [sflag:s29], $0x1  }
0xb5: {  	[sflag:s29] =	ssyncadd.s32 $0xFFFFFFFF  }
0xb6: {  	_ =	strace $0x9000004E  }
0xb7: {  	_ =	sfence  }
0xb8: {  	s30 =	sld [smem:$0x0];
	_ =	sdelay $0x2  }
0xb9: {  	s31 =	sshll.u32 s1, $0xD;
	s1 =	sshrl.u32 s1, $0x2  }
0xba: {  	s3 =	sand.u32 $0x4000, s31;
	s1 =	sadd.s32 s1, s30  }
0xbb: {  	s0 =	sor.u32 s3, s0;
	s1 =	sshll.u32 s1, $0x11  }
0xbc: {  	s0 =	sor.u32 s1, s0  }
0xbd: {  	s0 =	sadd.s32 $0x8F2B, s0  }
0xbe: {  	[sflag:s0] =	ssyncadd.remote.s32 $0x1  }
0xbf: {  	_ =	sfence.sel $0xFFFF  }
0xc0: {  	[dreg:$0x0] =	wrdreg $0xFFFFFFFF;
	(pc) =	sbr.abs _section_cstart, $3  }
0xc1: {  	[dreg:$0x1] =	wrdreg $0xFFFFFFFF  }
0xc2: {  	_ =	task.clear_ibuf [dreg:s7], $0x2FFFF;
	_ =	strace $0x9FFFFFFF  }
0xc3: {  	(tm) =	ssettm $0x7FFFFFFF  }
tec
execute0_lowered:
.L_overlay_start_1:
0x0: {  	(tag) =	ssettag $0x1  }
0x1: {  	s5 =	rddreg [dreg:$0x0]  }
0x2: {  	s6 =	rddreg [dreg:$0x1]  }
0x3: {  	s2 =	rddreg [dreg:$0x2];
	s3 =	srdreg.scid  }
0x4: {  	s0 =	rddreg [dreg:$0x3];
	s1 =	stileid.u32;
	s13 =	simm.s32 $0x4  }
0x5: {  	s14 =	simm.s32 $0x80;
	s15 =	simm.s32 $0x2800;
	s16 =	simm.s32 $0x6800  }
0x6: {  	s17 =	simm.s32 $0x1;
	s18 =	simm.s32 $0x5;
	s19 =	simm.s32 $0x2  }
0x7: {  	s20 =	simm.s32 $0x2700;
	s21 =	simm.s32 $0x2780;
	s24 =	simm.s32 $0x0  }
0x8: {  	s7 =	sand.u32 $0x1, s3;
	s3 =	simm.s32 $0x0;
	s10 =	smul.u32 $0x13C00, s1  }
0x9: {  	s4 =	sshll.u32 s1, $0x1;
	s30 =	smul.u32 $0x4F000, s1;
	s22 =	sshll.u32 s1, $0x6  }
0xa: {  	s8 =	smul.u32 $0x13C000, s7;
	[smem:$0x7FF] =	sst s3;
	s9 =	sor.u32 s7, s4  }
0xb: {  	s4 =	sadd.s32 $0x1A00, s5;
	s7 =	ssub.s32 $0x2, s7;
	s22 =	sor.u32 $0x1C05, s22  }
0xc: {  	_ =	strace $0x8000004D;
	s9 =	smul.u32 $0x280, s9;
	s12 =	sshrl.u32 s7, $0x1  }
0xd: {  	s31 =	sshrl.u32 s30, $0x2;
	s8 =	sadd.s32 s10, s8;
	s12 =	ssub.s32 s7, s12  }
0xe: {  	s7 =	sadd.s32 s31, s2;
	s10 =	simm.s32 $0x1400;
	s11 =	sadd.s32 s9, s5  }
0xf: {  	s8 =	sshrl.u32 s8, $0x3;
	s6 =	sadd.s32 s6, s9;
	s9 =	smax.u32 s12, $0x1  }
0x10: {  	s12 =	simm.s32 $0x3;
	s23 =	sshrl.u32 s7, $0x3;
	s8 =	sadd.s32 s8, s5  }
0x11: {  	v0 =	vimm.f32 $0.0e+00;
	s5 =	sadd.s32 $0x29200, s11;
	s11 =	simm.s32 $0xA800;
	s8 =	sadd.s32 $0x2E200, s8  }
.LBB2_1:
0x12: {  	[tilespmem:s3], [sflag:$0x4] =	stream.linear.gather [hbm4b:s5+s3], $0x1400, $0x38;
	[tilespmem:$0x1E800] =	vst v63  }
0x13: {  	_ = 	snop  }
0x14: {  	[tilespmem:s10], [sflag:$0x4] =	stream.linear.gather [hbm4b:s6+s3], $0x1400, $0x38;
	[tilespmem:$0x1E800] =	vst v63  }
0x15: {  	[tilespmem:$0xA800] =	vst v0  }
0x16: {  	[tilespmem:$0xA810] =	vst v0  }
0x17: {  	[tilespmem:$0xA820] =	vst v0  }
0x18: {  	[tilespmem:$0xA830] =	vst v0  }
0x19: {  	[tilespmem:$0xA840] =	vst v0  }
0x1a: {  	[tilespmem:$0xA850] =	vst v0  }
0x1b: {  	[tilespmem:$0xA860] =	vst v0  }
0x1c: {  	[tilespmem:$0xA870] =	vst v0  }
0x1d: {  	[tilespmem:$0xA880] =	vst v0  }
0x1e: {  	[tilespmem:$0xA890] =	vst v0  }
0x1f: {  	[tilespmem:$0xA8A0] =	vst v0  }
0x20: {  	[tilespmem:$0xA8B0] =	vst v0  }
0x21: {  	[tilespmem:$0xA8C0] =	vst v0  }
0x22: {  	[tilespmem:$0xA8D0] =	vst v0  }
0x23: {  	[tilespmem:$0xA8E0] =	vst v0  }
0x24: {  	[tilespmem:$0xA8F0] =	vst v0  }
0x25: {  	[tilespmem:$0xA900] =	vst v0  }
0x26: {  	[tilespmem:$0xA910] =	vst v0  }
0x27: {  	[tilespmem:$0xA920] =	vst v0  }
0x28: {  	[tilespmem:$0xA930] =	vst v0  }
0x29: {  	[tilespmem:$0xA940] =	vst v0  }
0x2a: {  	[tilespmem:$0xA950] =	vst v0  }
0x2b: {  	[tilespmem:$0xA960] =	vst v0  }
0x2c: {  	[tilespmem:$0xA970] =	vst v0  }
0x2d: {  	[tilespmem:$0xA980] =	vst v0  }
0x2e: {  	[tilespmem:$0xA990] =	vst v0  }
0x2f: {  	[tilespmem:$0xA9A0] =	vst v0  }
0x30: {  	[tilespmem:$0xA9B0] =	vst v0  }
0x31: {  	[tilespmem:$0xA9C0] =	vst v0  }
0x32: {  	[tilespmem:$0xA9D0] =	vst v0  }
0x33: {  	[tilespmem:$0xA9E0] =	vst v0  }
0x34: {  	[tilespmem:$0xA9F0] =	vst v0  }
0x35: {  	[tilespmem:$0xAA00] =	vst v0  }
0x36: {  	[tilespmem:$0xAA10] =	vst v0  }
0x37: {  	[tilespmem:$0xAA20] =	vst v0  }
0x38: {  	[tilespmem:$0xAA30] =	vst v0  }
0x39: {  	[tilespmem:$0xAA40] =	vst v0  }
0x3a: {  	[tilespmem:$0xAA50] =	vst v0  }
0x3b: {  	[tilespmem:$0xAA60] =	vst v0  }
0x3c: {  	[tilespmem:$0xAA70] =	vst v0  }
0x3d: {  	[tilespmem:$0xAA80] =	vst v0  }
0x3e: {  	[tilespmem:$0xAA90] =	vst v0  }
0x3f: {  	[tilespmem:$0xAAA0] =	vst v0  }
0x40: {  	[tilespmem:$0xAAB0] =	vst v0  }
0x41: {  	[tilespmem:$0xAAC0] =	vst v0  }
0x42: {  	[tilespmem:$0xAAD0] =	vst v0  }
0x43: {  	[tilespmem:$0xAAE0] =	vst v0  }
0x44: {  	[tilespmem:$0xAAF0] =	vst v0  }
0x45: {  	[tilespmem:$0xAB00] =	vst v0  }
0x46: {  	[tilespmem:$0xAB10] =	vst v0  }
0x47: {  	[tilespmem:$0xAB20] =	vst v0  }
0x48: {  	[tilespmem:$0xAB30] =	vst v0  }
0x49: {  	[tilespmem:$0xAB40] =	vst v0  }
0x4a: {  	[tilespmem:$0xAB50] =	vst v0  }
0x4b: {  	[tilespmem:$0xAB60] =	vst v0  }
0x4c: {  	[tilespmem:$0xAB70] =	vst v0  }
0x4d: {  	[tilespmem:$0xAB80] =	vst v0  }
0x4e: {  	[tilespmem:$0xAB90] =	vst v0  }
0x4f: {  	[tilespmem:$0xABA0] =	vst v0  }
0x50: {  	[tilespmem:$0xABB0] =	vst v0  }
0x51: {  	[tilespmem:$0xABC0] =	vst v0  }
0x52: {  	[tilespmem:$0xABD0] =	vst v0  }
0x53: {  	[tilespmem:$0xABE0] =	vst v0  }
0x54: {  	s25 =	simm.s32 $0x1000;
	s26 =	sadd.s32 $0x0, s7;
	[tilespmem:$0xABF0] =	vst v0  }
.LBB2_2:
0x55: {  	[spmem:s26] =	stream.linear.scatter [tilespmem:s11], [sflag:$0x3], $0x400, $0x38;
	[tilespmem:$0x1E800] =	vst v63  }
0x56: {  	s26 =	smov.u32 s25;
	p0 =	sne.s32 s25, $0x4E000  }
.Ltmp0:
0x57: {  	s25 =	sadd.s32 $0x1000, s25;
	(pc) =	sbr.rel @p0 .LBB2_2-.Ltmp0, $3  }
0x58: {  	_ =	sdelay $0x1  }
0x59: {  	s26 =	sshra.s32 s26, $0x2  }
0x5a: {  	s26 =	sadd.s32 s26, s7  }
0x5b: {  	[spmem:s26] =	stream.linear.scatter [tilespmem:s11], [sflag:$0x3], $0x400, $0x38;
	[tilespmem:$0x1E800] =	vst v63  }
0x5c: {  	_ =	swait.ge [sflag:s12], $0x2780  }
0x5d: {  	[sflag:s12] =	ssyncset.done $0x0  }
0x5e: {  	[sflag:s12] =	ssyncadd.s32 $0xFFFFD880  }
0x5f: {  	_ =	swait.ge [sflag:s13], $0x1400  }
0x60: {  	[sflag:s13] =	ssyncset.done $0x0  }
0x61: {  	[sflag:s13] =	ssyncadd.s32 $0xFFFFEC00  }
0x62: {  	_ =	swait.ge [sflag:s13], $0x1400  }
0x63: {  	[sflag:s13] =	ssyncset.done $0x0  }
0x64: {  	s25 =	simm.s32 $0x0;
	[sflag:s13] =	ssyncadd.s32 $0xFFFFEC00  }
0x65: {  	[tilespmem:s15], [sflag:$0x1] =	stream.indirect.gather [hbm4b:s4+s14], $0x80, s25, s14, $0xb8;
	[tilespmem:$0x1E800] =	vst v63  }
0x66: {  	_ = 	snop  }
0x67: {  	[tilespmem:s16], [sflag:$0x2] =	stream.indirect.gather [hbm4b:s4+s14], $0x80, s14, s14, $0xb8;
	[tilespmem:$0x1E800] =	vst v63  }
0x68: {  	[bflag:$0x0] =	sbarrier.arrive $0xFFFF  }
0x69: {  	_ =	swait.ge [sflag:s17], $0x4000  }
0x6a: {  	[sflag:s17] =	ssyncset.done $0x0  }
0x6b: {  	s29 =	simm.s32 $0x1400;
	[sflag:s17] =	ssyncadd.s32 $0xFFFFC000  }
0x6c: {  	[spmem:s2] =	stream.indirect.scatter.add.f32 [tilespmem:s15], [sflag:$0x5], $0x80, s29, s14, $0xb8;
	[tilespmem:$0x1E800] =	vst v63  }
0x6d: {  	_ =	swait.ge [sflag:s18], $0x4000  }
0x6e: {  	[sflag:s18] =	ssyncset.done $0x0  }
0x6f: {  	s30 =	simm.s32 $0x100;
	[sflag:s18] =	ssyncadd.s32 $0xFFFFC000  }
0x70: {  	[tilespmem:s15], [sflag:$0x1] =	stream.indirect.gather [hbm4b:s4+s14], $0x80, s30, s14, $0xb8;
	[tilespmem:$0x1E800] =	vst v63  }
0x71: {  	_ =	swait.ge [sflag:s19], $0x4000  }
0x72: {  	[sflag:s19] =	ssyncset.done $0x0  }
0x73: {  	s31 =	simm.s32 $0x1480;
	[sflag:s19] =	ssyncadd.s32 $0xFFFFC000  }
0x74: {  	[spmem:s2] =	stream.indirect.scatter.add.f32 [tilespmem:s16], [sflag:$0x5], $0x80, s31, s14, $0xb8;
	[tilespmem:$0x1E800] =	vst v63  }
0x75: {  	_ =	swait.ge [sflag:s18], $0x4000  }
0x76: {  	[sflag:s18] =	ssyncset.done $0x0  }
0x77: {  	s26 =	simm.s32 $0x180;
	s25 =	simm.s32 $0x400;
	[sflag:s18] =	ssyncadd.s32 $0xFFFFC000  }
.LBB2_4:
0x78: {  	[tilespmem:s16], [sflag:$0x2] =	stream.indirect.gather [hbm4b:s4+s14], $0x80, s26, s14, $0xb8;
	[tilespmem:$0x1E800] =	vst v63  }
0x79: {  	s26 =	smov.u32 s25  }
0x7a: {  	p0 =	sne.s32 s25, $0x4800;
	s25 =	sadd.s32 $0x400, s25;
	_ =	swait.ge [sflag:s17], $0x4000  }
0x7b: {  	s26 =	sshra.s32 s26, $0x2;
	[sflag:s17] =	ssyncset.done $0x0  }
0x7c: {  	s28 =	sadd.s32 $0x1400, s26;
	[sflag:s17] =	ssyncadd.s32 $0xFFFFC000  }
0x7d: {  	[spmem:s2] =	stream.indirect.scatter.add.f32 [tilespmem:s15], [sflag:$0x5], $0x80, s28, s14, $0xb8;
	[tilespmem:$0x1E800] =	vst v63  }
0x7e: {  	_ =	swait.ge [sflag:s18], $0x4000  }
0x7f: {  	[sflag:s18] =	ssyncset.done $0x0  }
0x80: {  	s28 =	sadd.s32 $0x100, s26;
	[sflag:s18] =	ssyncadd.s32 $0xFFFFC000  }
0x81: {  	[tilespmem:s15], [sflag:$0x1] =	stream.indirect.gather [hbm4b:s4+s14], $0x80, s28, s14, $0xb8;
	[tilespmem:$0x1E800] =	vst v63  }
0x82: {  	_ =	swait.ge [sflag:s19], $0x4000  }
0x83: {  	[sflag:s19] =	ssyncset.done $0x0  }
.Ltmp1:
0x84: {  	s28 =	sadd.s32 $0x1480, s26;
	[sflag:s19] =	ssyncadd.s32 $0xFFFFC000;
	(pc) =	sbr.rel @p0 .LBB2_4-.Ltmp1, $4  }
0x85: {  	[spmem:s2] =	stream.indirect.scatter.add.f32 [tilespmem:s16], [sflag:$0x5], $0x80, s28, s14, $0xb8;
	[tilespmem:$0x1E800] =	vst v63  }
0x86: {  	_ =	swait.ge [sflag:s18], $0x4000  }
0x87: {  	[sflag:s18] =	ssyncset.done $0x0  }
0x88: {  	s26 =	sadd.s32 $0x180, s26;
	[sflag:s18] =	ssyncadd.s32 $0xFFFFC000  }
0x89: {  	[tilespmem:s16], [sflag:$0x2] =	stream.indirect.gather [hbm4b:s4+s14], $0x80, s26, s14, $0xb8;
	[tilespmem:$0x1E800] =	vst v63  }
0x8a: {  	_ =	swait.ge [sflag:s17], $0x4000  }
0x8b: {  	[sflag:s17] =	ssyncset.done $0x0  }
0x8c: {  	[sflag:s17] =	ssyncadd.s32 $0xFFFFC000  }
0x8d: {  	[spmem:s2] =	stream.indirect.scatter.add.f32 [tilespmem:s15], [sflag:$0x5], $0x80, s20, s14, $0xb8;
	[tilespmem:$0x1E800] =	vst v63  }
0x8e: {  	_ =	swait.ge [sflag:s18], $0x4000  }
0x8f: {  	[sflag:s18] =	ssyncset.done $0x0  }
0x90: {  	[sflag:s18] =	ssyncadd.s32 $0xFFFFC000  }
0x91: {  	_ =	swait.ge [sflag:s19], $0x4000  }
0x92: {  	[sflag:s19] =	ssyncset.done $0x0  }
0x93: {  	[sflag:s19] =	ssyncadd.s32 $0xFFFFC000  }
0x94: {  	[spmem:s2] =	stream.indirect.scatter.add.f32 [tilespmem:s16], [sflag:$0x5], $0x80, s21, s14, $0xb8;
	[tilespmem:$0x1E800] =	vst v63  }
0x95: {  	_ =	swait.ge [sflag:s18], $0x4000  }
0x96: {  	s24 =	sadd.s32 $0x1, s24;
	[sflag:s18] =	ssyncset.done $0x0  }
0x97: {  	p0 =	sne.s32 s24, s9;
	[sflag:s18] =	ssyncadd.s32 $0xFFFFC000  }
.Ltmp2:
0x98: {  	[bflag:$0x0] =	sbarrier.arrive $0xFFFF;
	(pc) =	sbr.rel @p0 .LBB2_1-.Ltmp2, $4  }
0x99: {  	[hbm:s8], [sflag:s22] =	dma.local [spmem:s23], $0x2780  }
0x9a: {  	_ =	swait.ge [sflag:s18], $0x2780  }
0x9b: {  	[sflag:s18] =	ssyncset.done $0x0  }
0x9c: {  	[sflag:s18] =	ssyncadd.s32 $0xFFFFD880  }
0x9d: {  	_ =	sfence.sel $0x180000  }
0x9e: {  	[bflag:$0x0] =	sbarrier.arrive $0xFFFF  }
0x9f: {  	p0 =	sne.s32 s1, $0x0;
	_ =	strace $0x9000004D  }
0xa0: {  	s0 =	sadd.s32 @!p0 $0x100000, s0;
	[bflag:$0x2] =	sbarrier.arrive $0xFFFF  }
0xa1: {  	[sflag:s0] =	ssyncadd.tile.s32 @!p0 $0x1;
	_ =	shalt  }
.Lfunc_end2:
_tile_overlayer_lowered:
.L_overlay_start_2:
0xa2: {  	(tag) =	ssettag $0x2  }
0xa3: {  	s0 =	rddreg [dreg:$0x0];
	s2 =	stileid.u32  }
0xa4: {  	s1 =	rddreg [dreg:$0x1];
	p0 =	sne.s32 s2, $0x0  }
0xa5: {  	s3 =	rddreg [dreg:$0x2];
	[bflag:$0x3] =	sbarrier.arrive $0xFFFF;
	s2 =	simm.s32 @!p0 $0x1C05  }
0xa6: {  	[timem:s3], [sflag:s2] =	dma.local @!p0 [hbm:s0], s1  }
0xa7: {  	s0 =	simm.s32 @!p0 $0x5  }
0xa8: {  	_ =	swait.ge @!p0 [sflag:s0], s1  }
0xa9: {  	s1 =	ssub.s32 @!p0 $0x0, s1;
	[sflag:s0] =	ssyncset.done @!p0 $0x0  }
0xaa: {  	[sflag:s0] =	ssyncadd.s32 @!p0 s1  }
0xab: {  	[bflag:$0x3] =	sbarrier.arrive $0xFFFF  }
0xac: {  	_ =	shalt  }

// kernel: kernel.9.cloned.1.call-start
scs
__scs_entry_jumppad:
0x0: {  	(pc) =	sbr.rel $0x88, $3  }
0x1: {  	(tag) =	ssettag $0x0;
	lr =	simm.s32 $0x1  }
0x2: {  	[smem:$0x3F9C] =	sst lr;
	_ =	strace $0xD0000000  }
0x3: {  	_ = 	snop  }
0x4: {  	_ = 	snop  }
0x5: {  	_ = 	snop  }
0x6: {  	_ = 	snop  }
0x7: {  	_ = 	snop  }
__scs_overlays_trampoline_lowered:
0x8: {  	[smem:$0x3FAB] =	sst s0  }
0x9: {  	[smem:$0x3FAC] =	sst s1  }
0xa: {  	[smem:$0x3FAD] =	sst s2  }
0xb: {  	[smem:$0x3FAE] =	sst s3  }
0xc: {  	[smem:$0x3FAF] =	sst s4  }
0xd: {  	[smem:$0x3FB0] =	sst s5  }
0xe: {  	[smem:$0x3FB1] =	sst s6  }
0xf: {  	[smem:$0x3FB2] =	sst s7  }
0x10: {  	[smem:$0x3FB3] =	sst s8  }
0x11: {  	[smem:$0x3FB4] =	sst s9;
	s0 =	simm.s32 @!p0 $0x0  }
0x12: {  	s1 =	sld [smem:$0x3F9A];
	s0 =	simm.s32 @p0 $0x1  }
0x13: {  	[smem:$0x3FB5] =	sst s0;
	s0 =	simm.s32 @!p1 $0x0  }
0x14: {  	s2 =	sld [smem:$0x3F99];
	s0 =	simm.s32 @p1 $0x1  }
0x15: {  	[smem:$0x3FB6] =	sst s0;
	s0 =	simm.s32 @!p2 $0x0  }
0x16: {  	s3 =	sld [smem:$0x3FDB];
	s0 =	simm.s32 @p2 $0x1  }
0x17: {  	s4 =	simm.s32 $0x1BF5;
	[smem:$0x3FB8] =	sst s0  }
0x18: {  	s0 =	sld [smem:$0x3F9B];
	_ =	swait.ge [sflag:s4], $0x0  }
0x19: {  	s7 =	sld [smem:$0x3F9C]  }
0x1a: {  	s8 =	sadd.s32 $0xFFFFE003, lr  }
0x1b: {  	s9 =	sadd.s32 $0xFFFFFEF7, lr;
	s5 =	simm.s32 $0xFFFFFFFF;
	p2 =	slt.u32 s8, $0xFFFFF086  }
0x1c: {  	p1 =	slt.u32 s9, $0xF7A;
	s5 =	simm.s32 @!p2 $0x0  }
0x1d: {  	s5 =	simm.s32 @p1 $0x1;
	p0 =	seq.s32 s7, s2  }
0x1e: {  	s7 =	smul.u32 @!p0 $0xF7A, s2;
	p2 =	seq.s32 @!p0 s5, $0x0  }
0x1f: {  	s9 =	smul.u32 $0xF7A, s1;
	s8 =	simm.s32 @!p0 $0x1BF5;
	p2 =	por !p2, p0  }
0x20: {  	[sflag:s8] =	ssyncset.s32 @!p0 $0xFFFFF086;
	s6 =	sadd.s32 @!p0 s3, s7;
	s7 =	simm.s32 @!p0 $0x108  }
0x21: {  	s3 =	sadd.s32 s3, s9;
	s6 =	sadd.s32 @!p0 $0x88, s6;
	s7 =	simm.s32 @p2 $0x1082  }
0x22: {  	[simem:s7], [sflag:s8] =	dma.local @!p0 [hbm:s6], $0xF7A  }
0x23: {  	s9 =	sor.u32 $0xD0000000, s2;
	s6 =	simm.s32 $0x108;
	_ =	swait.ge @!p0 [sflag:s8], $0x0  }
0x24: {  	s3 =	sadd.s32 $0x88, s3;
	s6 =	simm.s32 @!p1 $0x1082;
	[sflag:s4] =	ssyncset.s32 $0xFFFFF086  }
0x25: {  	[simem:s6], [sflag:s4] =	dma.local [hbm:s3], $0xF7A  }
0x26: {  	[smem:$0x3F9C] =	sst s1;
	(tag) =	ssettag s2;
	_ =	strace s9  }
0x27: {  	s1 =	sld [smem:$0x3FAC]  }
0x28: {  	s2 =	sld [smem:$0x3FAD]  }
0x29: {  	s4 =	sld [smem:$0x3FAF]  }
0x2a: {  	p0 =	seq.s32 s5, $0x0;
	s5 =	sld [smem:$0x3FB0]  }
0x2b: {  	s6 =	sld [smem:$0x3FB1]  }
0x2c: {  	s7 =	sld [smem:$0x3FB2]  }
0x2d: {  	s3 =	simm.s32 $0x108;
	s8 =	sld [smem:$0x3FB3]  }
0x2e: {  	s3 =	simm.s32 @!p0 $0x1082;
	s9 =	sld [smem:$0x3FB4]  }
0x2f: {  	lr =	sadd.s32 s0, s3;
	s0 =	sld [smem:$0x3FAB]  }
0x30: {  	s3 =	sld [smem:$0x3FAE]  }
0x31: {  	[smem:$0x3FB7] =	sst s10  }
0x32: {  	s10 =	sld [smem:$0x3FB5];
	_ =	sdelay $0x3  }
0x33: {  	p0 =	seq.s32 s10, $0x1;
	s10 =	sld [smem:$0x3FB7];
	_ =	sdelay $0x3  }
0x34: {  	[smem:$0x3FB7] =	sst s10  }
0x35: {  	s10 =	sld [smem:$0x3FB6];
	_ =	sdelay $0x3  }
0x36: {  	p1 =	seq.s32 s10, $0x1;
	s10 =	sld [smem:$0x3FB7];
	_ =	sdelay $0x3  }
0x37: {  	[smem:$0x3FB7] =	sst s10  }
0x38: {  	s10 =	sld [smem:$0x3FB8]  }
0x39: {  	_ = 	snop;
	(pc) =	sbr.ind lr, $3  }
0x3a: {  	_ = 	snop  }
0x3b: {  	_ = 	snop  }
0x3c: {  	p2 =	seq.s32 s10, $0x1;
	s10 =	sld [smem:$0x3FB7]  }
0x3d: {  	_ =	shalt  }
0x3e: {  	_ =	shalt  }
0x3f: {  	_ =	shalt  }
0x40: {  	_ =	shalt  }
0x41: {  	_ =	shalt  }
0x42: {  	_ =	shalt  }
0x43: {  	_ =	shalt  }
0x44: {  	_ =	shalt  }
0x45: {  	_ =	shalt  }
0x46: {  	_ =	shalt  }
0x47: {  	_ =	shalt  }
0x48: {  	_ =	shalt  }
0x49: {  	_ =	shalt  }
0x4a: {  	_ =	shalt  }
0x4b: {  	_ =	shalt  }
0x4c: {  	_ =	shalt  }
0x4d: {  	_ =	shalt  }
0x4e: {  	_ =	shalt  }
0x4f: {  	_ =	shalt  }
0x50: {  	_ =	shalt  }
0x51: {  	_ =	shalt  }
0x52: {  	_ =	shalt  }
0x53: {  	_ =	shalt  }
0x54: {  	_ =	shalt  }
0x55: {  	_ =	shalt  }
0x56: {  	_ =	shalt  }
0x57: {  	_ =	shalt  }
0x58: {  	_ =	shalt  }
0x59: {  	_ =	shalt  }
0x5a: {  	_ =	shalt  }
0x5b: {  	_ =	shalt  }
0x5c: {  	_ =	shalt  }
0x5d: {  	_ =	shalt  }
0x5e: {  	_ =	shalt  }
0x5f: {  	_ =	shalt  }
0x60: {  	_ =	shalt  }
0x61: {  	_ =	shalt  }
0x62: {  	_ =	shalt  }
0x63: {  	_ =	shalt  }
0x64: {  	_ =	shalt  }
0x65: {  	_ =	shalt  }
0x66: {  	_ =	shalt  }
0x67: {  	_ =	shalt  }
0x68: {  	_ =	shalt  }
0x69: {  	_ =	shalt  }
0x6a: {  	_ =	shalt  }
0x6b: {  	_ =	shalt  }
0x6c: {  	_ =	shalt  }
0x6d: {  	_ =	shalt  }
0x6e: {  	_ =	shalt  }
0x6f: {  	_ =	shalt  }
0x70: {  	_ =	shalt  }
0x71: {  	_ =	shalt  }
0x72: {  	_ =	shalt  }
0x73: {  	_ =	shalt  }
0x74: {  	_ =	shalt  }
0x75: {  	_ =	shalt  }
0x76: {  	_ =	shalt  }
0x77: {  	_ =	shalt  }
0x78: {  	_ =	shalt  }
0x79: {  	_ =	shalt  }
0x7a: {  	_ =	shalt  }
0x7b: {  	_ =	shalt  }
0x7c: {  	_ =	shalt  }
0x7d: {  	_ =	shalt  }
0x7e: {  	_ =	shalt  }
0x7f: {  	_ =	shalt  }
0x80: {  	_ =	shalt  }
0x81: {  	_ =	shalt  }
0x82: {  	_ =	shalt  }
0x83: {  	_ =	shalt  }
0x84: {  	_ =	shalt  }
0x85: {  	_ =	shalt  }
0x86: {  	_ =	shalt  }
0x87: {  	_ =	shalt  }
.Lfunc_end0:
.L_simem_size_0:
called_computation_lowered:
.L_overlay_start_0:
0x88: {  	s2 =	sld [smem:$0x3FD9]  }
0x89: {  	s3 =	sld [smem:$0x3FFE];
	_ =	sdelay $0x1  }
0x8a: {  	s1 =	srdreg.scid  }
0x8b: {  	s0 =	sand.u32 $0x1, s1  }
0x8c: {  	s17 =	sshll.u32 s0, $0xA;
	s2 =	sadd.s32 s3, s2  }
0x8d: {  	s2 =	sadd.s32 s2, s17  }
0x8e: {  	[smem:$0x3FC3] =	sst s2  }
0x8f: {  	_ = 	snop  }
0x90: {  	s2 =	sld [smem:$0x3FD0];
	(tm) =	ssettm $0x1  }
0x91: {  	s18 =	sld [smem:$0x3FFB];
	_ =	sdelay $0x3  }
0x92: {  	_ =	strace s18  }
0x93: {  	s3 =	sld [smem:$0x3FFC];
	_ =	sdelay $0x3  }
0x94: {  	_ =	strace s3  }
0x95: {  	s3 =	sld [smem:$0x3FFD];
	_ =	sdelay $0x3  }
0x96: {  	_ =	strace s3  }
0x97: {  	_ =	strace $0x8FFFFFFF  }
0x98: {  	s19 =	sld [smem:$0x3FDB];
	_ =	sdelay $0x1  }
0x99: {  	s4 =	simm.s32 $_scs_section_size  }
0x9a: {  	s5 =	simm.s32 $_size__tile_overlayer_lowered;
	s6 =	simm.s32 $_tile_overlayer_lowered  }
0x9b: {  	s22 =	simm.s32 $0x1BFF;
	s21 =	sshll.u32 s6, $0x1;
	s3 =	sadd.s32 s4, s19  }
0x9c: {  	s7 =	simm.s32 $0x0;
	s20 =	sshll.u32 s5, $0x1;
	s5 =	sadd.s32 s21, s3  }
0x9d: {  	[timem:s7], [sflag:s22] =	dma.local [hbm:s5], s20  }
0x9e: {  	_ =	swait.ge [sflag:s22], s20  }
0x9f: {  	s4 =	ssub.s32 $0x0, s20;
	[sflag:s22] =	ssyncset.done $0x0  }
0xa0: {  	[sflag:s22] =	ssyncadd.s32 s4;
	_ =	sdelay $0x1  }
0xa1: {  	s23 =	simm.s32 $0x1B8B  }
0xa2: {  	_ =	swait.ge [sflag:s23], $0x1  }
0xa3: {  	[sflag:s23] =	ssyncset.done $0x0  }
0xa4: {  	s25 =	simm.s32 $0x1B8E;
	s24 =	sld [smem:$0x3FFE];
	[sflag:s23] =	ssyncadd.s32 $0xFFFFFFFF  }
0xa5: {  	s26 =	simm.s32 $execute0_lowered;
	[smem:$0x3FD2] =	sst s25  }
0xa6: {  	s5 =	sshll.u32 s26, $0x1;
	_ =	strace $0x80000046;
	[dreg:$0x1] =	wrdreg $0xFFFFFFFF  }
0xa7: {  	s28 =	simm.s32 $_size_execute0_lowered;
	s3 =	sadd.s32 s3, s5;
	[dreg:$0x0] =	wrdreg $0x0  }
0xa8: {  	s5 =	sshll.u32 s28, $0x1;
	[dreg:$0x2] =	wrdreg s3  }
0xa9: {  	[dreg:$0x3] =	wrdreg s5  }
0xaa: {  	[dreg:$0x4] =	wrdreg $0xC0  }
0xab: {  	_ =	task [dreg:s7], $0x5FFFF  }
0xac: {  	[dreg:$0x1] =	wrdreg $0xFFFFFFFF  }
0xad: {  	[dreg:$0x0] =	wrdreg $0x60  }
0xae: {  	[dreg:$0x2] =	wrdreg s24  }
0xaf: {  	[dreg:$0x3] =	wrdreg s2  }
0xb0: {  	[dreg:$0x4] =	wrdreg $0xAC000  }
0xb1: {  	[dreg:$0x5] =	wrdreg $0x9  }
0xb2: {  	_ =	task.clear_ibuf [dreg:s7], $0x6FFFF;
	_ =	strace $0x90000046  }
0xb3: {  	s29 =	simm.s32 $0x9;
	_ =	strace $0x80000048  }
0xb4: {  	_ =	swait.ge [sflag:s29], $0x1  }
0xb5: {  	[sflag:s29] =	ssyncadd.s32 $0xFFFFFFFF  }
0xb6: {  	_ =	strace $0x90000048  }
0xb7: {  	_ =	sfence  }
0xb8: {  	s30 =	sld [smem:$0x0];
	_ =	sdelay $0x2  }
0xb9: {  	s31 =	sshll.u32 s1, $0xD;
	s1 =	sshrl.u32 s1, $0x2  }
0xba: {  	s3 =	sand.u32 $0x4000, s31;
	s1 =	sadd.s32 s1, s30  }
0xbb: {  	s0 =	sor.u32 s3, s0;
	s1 =	sshll.u32 s1, $0x11  }
0xbc: {  	s0 =	sor.u32 s1, s0  }
0xbd: {  	s0 =	sadd.s32 $0x8F2B, s0  }
0xbe: {  	[sflag:s0] =	ssyncadd.remote.s32 $0x1  }
0xbf: {  	_ =	sfence.sel $0xFFFF  }
0xc0: {  	[dreg:$0x0] =	wrdreg $0xFFFFFFFF;
	(pc) =	sbr.abs _section_cstart, $3  }
0xc1: {  	[dreg:$0x1] =	wrdreg $0xFFFFFFFF  }
0xc2: {  	_ =	task.clear_ibuf [dreg:s7], $0x2FFFF;
	_ =	strace $0x9FFFFFFF  }
0xc3: {  	(tm) =	ssettm $0x7FFFFFFF  }
tec
execute0_lowered:
.L_overlay_start_1:
0x0: {  	(tag) =	ssettag $0x1  }
0x1: {  	s5 =	rddreg [dreg:$0x0]  }
0x2: {  	s6 =	rddreg [dreg:$0x1]  }
0x3: {  	s2 =	rddreg [dreg:$0x2];
	s3 =	srdreg.scid  }
0x4: {  	s0 =	rddreg [dreg:$0x3];
	s1 =	stileid.u32;
	s13 =	simm.s32 $0x4  }
0x5: {  	s14 =	simm.s32 $0x80;
	s15 =	simm.s32 $0x2800;
	s16 =	simm.s32 $0x6800  }
0x6: {  	s17 =	simm.s32 $0x1;
	s18 =	simm.s32 $0x5;
	s19 =	simm.s32 $0x2  }
0x7: {  	s20 =	simm.s32 $0x2700;
	s21 =	simm.s32 $0x2780;
	s24 =	simm.s32 $0x0  }
0x8: {  	s7 =	sand.u32 $0x1, s3;
	s3 =	simm.s32 $0x0;
	s10 =	smul.u32 $0x13C00, s1  }
0x9: {  	s4 =	sshll.u32 s1, $0x1;
	s30 =	smul.u32 $0x4F000, s1;
	s22 =	sshll.u32 s1, $0x6  }
0xa: {  	s8 =	smul.u32 $0x13C000, s7;
	[smem:$0x7FF] =	sst s3;
	s9 =	sor.u32 s7, s4  }
0xb: {  	s4 =	sadd.s32 $0x1A00, s5;
	s7 =	ssub.s32 $0x2, s7;
	s22 =	sor.u32 $0x1C05, s22  }
0xc: {  	_ =	strace $0x80000047;
	s9 =	smul.u32 $0x280, s9;
	s12 =	sshrl.u32 s7, $0x1  }
0xd: {  	s31 =	sshrl.u32 s30, $0x2;
	s8 =	sadd.s32 s10, s8;
	s12 =	ssub.s32 s7, s12  }
0xe: {  	s7 =	sadd.s32 s31, s2;
	s10 =	simm.s32 $0x1400;
	s11 =	sadd.s32 s9, s5  }
0xf: {  	s8 =	sshrl.u32 s8, $0x3;
	s6 =	sadd.s32 s6, s9;
	s9 =	smax.u32 s12, $0x1  }
0x10: {  	s12 =	simm.s32 $0x3;
	s23 =	sshrl.u32 s7, $0x3;
	s8 =	sadd.s32 s8, s5  }
0x11: {  	v0 =	vimm.f32 $0.0e+00;
	s5 =	sadd.s32 $0x29200, s11;
	s11 =	simm.s32 $0xA800;
	s8 =	sadd.s32 $0x2E200, s8  }
.LBB2_1:
0x12: {  	[tilespmem:s3], [sflag:$0x4] =	stream.linear.gather [hbm4b:s5+s3], $0x1400, $0x38;
	[tilespmem:$0x1E800] =	vst v63  }
0x13: {  	_ = 	snop  }
0x14: {  	[tilespmem:s10], [sflag:$0x4] =	stream.linear.gather [hbm4b:s6+s3], $0x1400, $0x38;
	[tilespmem:$0x1E800] =	vst v63  }
0x15: {  	[tilespmem:$0xA800] =	vst v0  }
0x16: {  	[tilespmem:$0xA810] =	vst v0  }
0x17: {  	[tilespmem:$0xA820] =	vst v0  }
0x18: {  	[tilespmem:$0xA830] =	vst v0  }
0x19: {  	[tilespmem:$0xA840] =	vst v0  }
0x1a: {  	[tilespmem:$0xA850] =	vst v0  }
0x1b: {  	[tilespmem:$0xA860] =	vst v0  }
0x1c: {  	[tilespmem:$0xA870] =	vst v0  }
0x1d: {  	[tilespmem:$0xA880] =	vst v0  }
0x1e: {  	[tilespmem:$0xA890] =	vst v0  }
0x1f: {  	[tilespmem:$0xA8A0] =	vst v0  }
0x20: {  	[tilespmem:$0xA8B0] =	vst v0  }
0x21: {  	[tilespmem:$0xA8C0] =	vst v0  }
0x22: {  	[tilespmem:$0xA8D0] =	vst v0  }
0x23: {  	[tilespmem:$0xA8E0] =	vst v0  }
0x24: {  	[tilespmem:$0xA8F0] =	vst v0  }
0x25: {  	[tilespmem:$0xA900] =	vst v0  }
0x26: {  	[tilespmem:$0xA910] =	vst v0  }
0x27: {  	[tilespmem:$0xA920] =	vst v0  }
0x28: {  	[tilespmem:$0xA930] =	vst v0  }
0x29: {  	[tilespmem:$0xA940] =	vst v0  }
0x2a: {  	[tilespmem:$0xA950] =	vst v0  }
0x2b: {  	[tilespmem:$0xA960] =	vst v0  }
0x2c: {  	[tilespmem:$0xA970] =	vst v0  }
0x2d: {  	[tilespmem:$0xA980] =	vst v0  }
0x2e: {  	[tilespmem:$0xA990] =	vst v0  }
0x2f: {  	[tilespmem:$0xA9A0] =	vst v0  }
0x30: {  	[tilespmem:$0xA9B0] =	vst v0  }
0x31: {  	[tilespmem:$0xA9C0] =	vst v0  }
0x32: {  	[tilespmem:$0xA9D0] =	vst v0  }
0x33: {  	[tilespmem:$0xA9E0] =	vst v0  }
0x34: {  	[tilespmem:$0xA9F0] =	vst v0  }
0x35: {  	[tilespmem:$0xAA00] =	vst v0  }
0x36: {  	[tilespmem:$0xAA10] =	vst v0  }
0x37: {  	[tilespmem:$0xAA20] =	vst v0  }
0x38: {  	[tilespmem:$0xAA30] =	vst v0  }
0x39: {  	[tilespmem:$0xAA40] =	vst v0  }
0x3a: {  	[tilespmem:$0xAA50] =	vst v0  }
0x3b: {  	[tilespmem:$0xAA60] =	vst v0  }
0x3c: {  	[tilespmem:$0xAA70] =	vst v0  }
0x3d: {  	[tilespmem:$0xAA80] =	vst v0  }
0x3e: {  	[tilespmem:$0xAA90] =	vst v0  }
0x3f: {  	[tilespmem:$0xAAA0] =	vst v0  }
0x40: {  	[tilespmem:$0xAAB0] =	vst v0  }
0x41: {  	[tilespmem:$0xAAC0] =	vst v0  }
0x42: {  	[tilespmem:$0xAAD0] =	vst v0  }
0x43: {  	[tilespmem:$0xAAE0] =	vst v0  }
0x44: {  	[tilespmem:$0xAAF0] =	vst v0  }
0x45: {  	[tilespmem:$0xAB00] =	vst v0  }
0x46: {  	[tilespmem:$0xAB10] =	vst v0  }
0x47: {  	[tilespmem:$0xAB20] =	vst v0  }
0x48: {  	[tilespmem:$0xAB30] =	vst v0  }
0x49: {  	[tilespmem:$0xAB40] =	vst v0  }
0x4a: {  	[tilespmem:$0xAB50] =	vst v0  }
0x4b: {  	[tilespmem:$0xAB60] =	vst v0  }
0x4c: {  	[tilespmem:$0xAB70] =	vst v0  }
0x4d: {  	[tilespmem:$0xAB80] =	vst v0  }
0x4e: {  	[tilespmem:$0xAB90] =	vst v0  }
0x4f: {  	[tilespmem:$0xABA0] =	vst v0  }
0x50: {  	[tilespmem:$0xABB0] =	vst v0  }
0x51: {  	[tilespmem:$0xABC0] =	vst v0  }
0x52: {  	[tilespmem:$0xABD0] =	vst v0  }
0x53: {  	[tilespmem:$0xABE0] =	vst v0  }
0x54: {  	s25 =	simm.s32 $0x1000;
	s26 =	sadd.s32 $0x0, s7;
	[tilespmem:$0xABF0] =	vst v0  }
.LBB2_2:
0x55: {  	[spmem:s26] =	stream.linear.scatter [tilespmem:s11], [sflag:$0x3], $0x400, $0x38;
	[tilespmem:$0x1E800] =	vst v63  }
0x56: {  	s26 =	smov.u32 s25;
	p0 =	sne.s32 s25, $0x4E000  }
.Ltmp0:
0x57: {  	s25 =	sadd.s32 $0x1000, s25;
	(pc) =	sbr.rel @p0 .LBB2_2-.Ltmp0, $3  }
0x58: {  	_ =	sdelay $0x1  }
0x59: {  	s26 =	sshra.s32 s26, $0x2  }
0x5a: {  	s26 =	sadd.s32 s26, s7  }
0x5b: {  	[spmem:s26] =	stream.linear.scatter [tilespmem:s11], [sflag:$0x3], $0x400, $0x38;
	[tilespmem:$0x1E800] =	vst v63  }
0x5c: {  	_ =	swait.ge [sflag:s12], $0x2780  }
0x5d: {  	[sflag:s12] =	ssyncset.done $0x0  }
0x5e: {  	[sflag:s12] =	ssyncadd.s32 $0xFFFFD880  }
0x5f: {  	_ =	swait.ge [sflag:s13], $0x1400  }
0x60: {  	[sflag:s13] =	ssyncset.done $0x0  }
0x61: {  	[sflag:s13] =	ssyncadd.s32 $0xFFFFEC00  }
0x62: {  	_ =	swait.ge [sflag:s13], $0x1400  }
0x63: {  	[sflag:s13] =	ssyncset.done $0x0  }
0x64: {  	s25 =	simm.s32 $0x0;
	[sflag:s13] =	ssyncadd.s32 $0xFFFFEC00  }
0x65: {  	[tilespmem:s15], [sflag:$0x1] =	stream.indirect.gather [hbm4b:s4+s14], $0x80, s25, s14, $0xb8;
	[tilespmem:$0x1E800] =	vst v63  }
0x66: {  	_ = 	snop  }
0x67: {  	[tilespmem:s16], [sflag:$0x2] =	stream.indirect.gather [hbm4b:s4+s14], $0x80, s14, s14, $0xb8;
	[tilespmem:$0x1E800] =	vst v63  }
0x68: {  	[bflag:$0x0] =	sbarrier.arrive $0xFFFF  }
0x69: {  	_ =	swait.ge [sflag:s17], $0x4000  }
0x6a: {  	[sflag:s17] =	ssyncset.done $0x0  }
0x6b: {  	s29 =	simm.s32 $0x1400;
	[sflag:s17] =	ssyncadd.s32 $0xFFFFC000  }
0x6c: {  	[spmem:s2] =	stream.indirect.scatter.add.f32 [tilespmem:s15], [sflag:$0x5], $0x80, s29, s14, $0xb8;
	[tilespmem:$0x1E800] =	vst v63  }
0x6d: {  	_ =	swait.ge [sflag:s18], $0x4000  }
0x6e: {  	[sflag:s18] =	ssyncset.done $0x0  }
0x6f: {  	s30 =	simm.s32 $0x100;
	[sflag:s18] =	ssyncadd.s32 $0xFFFFC000  }
0x70: {  	[tilespmem:s15], [sflag:$0x1] =	stream.indirect.gather [hbm4b:s4+s14], $0x80, s30, s14, $0xb8;
	[tilespmem:$0x1E800] =	vst v63  }
0x71: {  	_ =	swait.ge [sflag:s19], $0x4000  }
0x72: {  	[sflag:s19] =	ssyncset.done $0x0  }
0x73: {  	s31 =	simm.s32 $0x1480;
	[sflag:s19] =	ssyncadd.s32 $0xFFFFC000  }
0x74: {  	[spmem:s2] =	stream.indirect.scatter.add.f32 [tilespmem:s16], [sflag:$0x5], $0x80, s31, s14, $0xb8;
	[tilespmem:$0x1E800] =	vst v63  }
0x75: {  	_ =	swait.ge [sflag:s18], $0x4000  }
0x76: {  	[sflag:s18] =	ssyncset.done $0x0  }
0x77: {  	s26 =	simm.s32 $0x180;
	s25 =	simm.s32 $0x400;
	[sflag:s18] =	ssyncadd.s32 $0xFFFFC000  }
.LBB2_4:
0x78: {  	[tilespmem:s16], [sflag:$0x2] =	stream.indirect.gather [hbm4b:s4+s14], $0x80, s26, s14, $0xb8;
	[tilespmem:$0x1E800] =	vst v63  }
0x79: {  	s26 =	smov.u32 s25  }
0x7a: {  	p0 =	sne.s32 s25, $0x4800;
	s25 =	sadd.s32 $0x400, s25;
	_ =	swait.ge [sflag:s17], $0x4000  }
0x7b: {  	s26 =	sshra.s32 s26, $0x2;
	[sflag:s17] =	ssyncset.done $0x0  }
0x7c: {  	s28 =	sadd.s32 $0x1400, s26;
	[sflag:s17] =	ssyncadd.s32 $0xFFFFC000  }
0x7d: {  	[spmem:s2] =	stream.indirect.scatter.add.f32 [tilespmem:s15], [sflag:$0x5], $0x80, s28, s14, $0xb8;
	[tilespmem:$0x1E800] =	vst v63  }
0x7e: {  	_ =	swait.ge [sflag:s18], $0x4000  }
0x7f: {  	[sflag:s18] =	ssyncset.done $0x0  }
0x80: {  	s28 =	sadd.s32 $0x100, s26;
	[sflag:s18] =	ssyncadd.s32 $0xFFFFC000  }
0x81: {  	[tilespmem:s15], [sflag:$0x1] =	stream.indirect.gather [hbm4b:s4+s14], $0x80, s28, s14, $0xb8;
	[tilespmem:$0x1E800] =	vst v63  }
0x82: {  	_ =	swait.ge [sflag:s19], $0x4000  }
0x83: {  	[sflag:s19] =	ssyncset.done $0x0  }
.Ltmp1:
0x84: {  	s28 =	sadd.s32 $0x1480, s26;
	[sflag:s19] =	ssyncadd.s32 $0xFFFFC000;
	(pc) =	sbr.rel @p0 .LBB2_4-.Ltmp1, $4  }
0x85: {  	[spmem:s2] =	stream.indirect.scatter.add.f32 [tilespmem:s16], [sflag:$0x5], $0x80, s28, s14, $0xb8;
	[tilespmem:$0x1E800] =	vst v63  }
0x86: {  	_ =	swait.ge [sflag:s18], $0x4000  }
0x87: {  	[sflag:s18] =	ssyncset.done $0x0  }
0x88: {  	s26 =	sadd.s32 $0x180, s26;
	[sflag:s18] =	ssyncadd.s32 $0xFFFFC000  }
0x89: {  	[tilespmem:s16], [sflag:$0x2] =	stream.indirect.gather [hbm4b:s4+s14], $0x80, s26, s14, $0xb8;
	[tilespmem:$0x1E800] =	vst v63  }
0x8a: {  	_ =	swait.ge [sflag:s17], $0x4000  }
0x8b: {  	[sflag:s17] =	ssyncset.done $0x0  }
0x8c: {  	[sflag:s17] =	ssyncadd.s32 $0xFFFFC000  }
0x8d: {  	[spmem:s2] =	stream.indirect.scatter.add.f32 [tilespmem:s15], [sflag:$0x5], $0x80, s20, s14, $0xb8;
	[tilespmem:$0x1E800] =	vst v63  }
0x8e: {  	_ =	swait.ge [sflag:s18], $0x4000  }
0x8f: {  	[sflag:s18] =	ssyncset.done $0x0  }
0x90: {  	[sflag:s18] =	ssyncadd.s32 $0xFFFFC000  }
0x91: {  	_ =	swait.ge [sflag:s19], $0x4000  }
0x92: {  	[sflag:s19] =	ssyncset.done $0x0  }
0x93: {  	[sflag:s19] =	ssyncadd.s32 $0xFFFFC000  }
0x94: {  	[spmem:s2] =	stream.indirect.scatter.add.f32 [tilespmem:s16], [sflag:$0x5], $0x80, s21, s14, $0xb8;
	[tilespmem:$0x1E800] =	vst v63  }
0x95: {  	_ =	swait.ge [sflag:s18], $0x4000  }
0x96: {  	s24 =	sadd.s32 $0x1, s24;
	[sflag:s18] =	ssyncset.done $0x0  }
0x97: {  	p0 =	sne.s32 s24, s9;
	[sflag:s18] =	ssyncadd.s32 $0xFFFFC000  }
.Ltmp2:
0x98: {  	[bflag:$0x0] =	sbarrier.arrive $0xFFFF;
	(pc) =	sbr.rel @p0 .LBB2_1-.Ltmp2, $4  }
0x99: {  	[hbm:s8], [sflag:s22] =	dma.local [spmem:s23], $0x2780  }
0x9a: {  	_ =	swait.ge [sflag:s18], $0x2780  }
0x9b: {  	[sflag:s18] =	ssyncset.done $0x0  }
0x9c: {  	[sflag:s18] =	ssyncadd.s32 $0xFFFFD880  }
0x9d: {  	_ =	sfence.sel $0x180000  }
0x9e: {  	[bflag:$0x0] =	sbarrier.arrive $0xFFFF  }
0x9f: {  	p0 =	sne.s32 s1, $0x0;
	_ =	strace $0x90000047  }
0xa0: {  	s0 =	sadd.s32 @!p0 $0x100000, s0;
	[bflag:$0x2] =	sbarrier.arrive $0xFFFF  }
0xa1: {  	[sflag:s0] =	ssyncadd.tile.s32 @!p0 $0x1;
	_ =	shalt  }
.Lfunc_end2:
_tile_overlayer_lowered:
.L_overlay_start_2:
0xa2: {  	(tag) =	ssettag $0x2  }
0xa3: {  	s0 =	rddreg [dreg:$0x0];
	s2 =	stileid.u32  }
0xa4: {  	s1 =	rddreg [dreg:$0x1];
	p0 =	sne.s32 s2, $0x0  }
0xa5: {  	s3 =	rddreg [dreg:$0x2];
	[bflag:$0x3] =	sbarrier.arrive $0xFFFF;
	s2 =	simm.s32 @!p0 $0x1C05  }
0xa6: {  	[timem:s3], [sflag:s2] =	dma.local @!p0 [hbm:s0], s1  }
0xa7: {  	s0 =	simm.s32 @!p0 $0x5  }
0xa8: {  	_ =	swait.ge @!p0 [sflag:s0], s1  }
0xa9: {  	s1 =	ssub.s32 @!p0 $0x0, s1;
	[sflag:s0] =	ssyncset.done @!p0 $0x0  }
0xaa: {  	[sflag:s0] =	ssyncadd.s32 @!p0 s1  }
0xab: {  	[bflag:$0x3] =	sbarrier.arrive $0xFFFF  }
0xac: {  	_ =	shalt  }

</sc_bundles>
